<compile_context>
chip_gen: v7x
topology: tpu7x:2x2x1
jax: 0.10.2.dev20260603
libtpu: 0.0.44.dev20260713+nightly
codegen_flags: <defaults>
</compile_context>

<pallas_src>
import functools

import jax
import jax.numpy as jnp
from jax import lax
from jax.experimental import pallas as pl
from jax.experimental.pallas import tpu as pltpu
from jax.experimental.pallas import tpu_sc as plsc

N = 10000
E = 320000
D = 128
G = 256
EPS = 1e-5

NP = 10240
RB = 2048
NBLK = NP // RB
NC, NS = 2, 16
NT = NC * NS
CH = 128
NCHUNK = -(-E // (NT * CH * 8)) * NT * 8
EP = NCHUNK * CH
CPT = NCHUNK // NT
RPT = NP // NS
SBN = 1.0 / (1.0 + EPS) ** 0.5
PREC = lax.Precision.HIGHEST

_MESH = plsc.VectorSubcoreMesh(
    core_axis_name="c", subcore_axis_name="s", num_cores=NC, num_subcores=NS)



def _deg_body(dst_hbm, ones_hbm, zeros_hbm, out_hbm, deg_sp, dstv, ones_v):
    c = lax.axis_index("c")
    s = lax.axis_index("s")
    t = c * NS + s
    pltpu.sync_copy(zeros_hbm, deg_sp.at[pl.ds(s * RPT, RPT)])
    pltpu.sync_copy(ones_hbm, ones_v)
    pltpu.sync_copy(dst_hbm.at[pl.ds(t * CPT, CPT)], dstv)
    plsc.subcore_barrier()

    def body(j, carry):
        pltpu.sync_copy(ones_v, deg_sp.at[dstv.at[j]], add=True)
        return carry

    lax.fori_loop(0, CPT, body, 0)
    plsc.subcore_barrier()
    pltpu.sync_copy(deg_sp.at[pl.ds(s * RPT, RPT)],
                    out_hbm.at[pl.ds(c * NP + s * RPT, RPT)])


_deg_kernel = functools.partial(
    pl.kernel,
    out_type=jax.ShapeDtypeStruct((NC * NP,), jnp.float32),
    mesh=_MESH,
    scratch_types=[
        pltpu.VMEM_SHARED((NP,), jnp.float32),
        pltpu.VMEM((CPT, CH), jnp.int32),
        pltpu.VMEM((CH,), jnp.float32),
    ],
)(_deg_body)


def _edge_body(mp_hbm, src_hbm, dst1_hbm, zeros_hbm, out_hbm,
               acc_sp, srcv, dstv, rows, semg, sems, semi):
    c = lax.axis_index("c")
    s = lax.axis_index("s")
    t = c * NS + s
    pltpu.sync_copy(zeros_hbm, rows.at[0])
    for k in range(RPT // CH):
        pltpu.sync_copy(rows.at[0], acc_sp.at[pl.ds(s * RPT + k * CH, CH)])
    pltpu.sync_copy(src_hbm.at[pl.ds(t * CPT, CPT)], srcv)
    pltpu.sync_copy(dst1_hbm.at[pl.ds(t * CPT * CH, CH)], dstv.at[0])
    plsc.subcore_barrier()

    pltpu.async_copy(mp_hbm.at[srcv.at[0]], rows.at[0], semg)

    def body(j, carry):
        p = j % 2
        pn = (j + 1) % 2

        @pl.when(j >= 1)
        def _():
            pltpu.make_async_copy(mp_hbm.at[srcv.at[0]], rows.at[pn],
                                  sems).wait()

        @pl.when(j + 1 < CPT)
        def _():
            pltpu.async_copy(mp_hbm.at[srcv.at[j + 1]], rows.at[pn], semg)
            pltpu.async_copy(
                dst1_hbm.at[pl.ds((t * CPT + j + 1) * CH, CH)],
                dstv.at[pn], semi)

        pltpu.make_async_copy(mp_hbm.at[srcv.at[j]], rows.at[p], semg).wait()

        @pl.when(j >= 1)
        def _():
            pltpu.make_async_copy(dst1_hbm.at[pl.ds(t * CPT * CH, CH)],
                                  dstv.at[p], semi).wait()

        pltpu.async_copy(rows.at[p], acc_sp.at[dstv.at[p]], sems, add=True)
        return carry

    lax.fori_loop(0, CPT, body, 0)
    pltpu.make_async_copy(mp_hbm.at[srcv.at[0]], rows.at[(CPT - 1) % 2],
                          sems).wait()
    plsc.subcore_barrier()
    pltpu.sync_copy(acc_sp.at[pl.ds(s * RPT, RPT)],
                    out_hbm.at[c, pl.ds(s * RPT, RPT)])


_edge_kernel = functools.partial(
    pl.kernel,
    out_type=jax.ShapeDtypeStruct((NC, NP, D), jnp.float32),
    mesh=_MESH,
    scratch_types=[
        pltpu.VMEM_SHARED((NP, D), jnp.float32),
        pltpu.VMEM((CPT, CH), jnp.int32),
        pltpu.VMEM((2, CH), jnp.int32),
        pltpu.VMEM((2, CH, D), jnp.float32),
        pltpu.SemaphoreType.DMA,
        pltpu.SemaphoreType.DMA,
        pltpu.SemaphoreType.DMA,
    ],
)(_edge_body)



def _proj_body(x_ref, dA_ref, dB_ref, Win_ref, bin_ref, Wc_ref,
               h_ref, mp_ref, dinv_ref):
    i = pl.program_id(0)
    dinv = lax.rsqrt(dA_ref[...] + dB_ref[...] + 1.0)
    h = jnp.dot(x_ref[...], Win_ref[...], precision=PREC,
                preferred_element_type=jnp.float32) + bin_ref[...]
    mp = jnp.dot(h, Wc_ref[...], precision=PREC,
                 preferred_element_type=jnp.float32) * dinv
    rows = lax.broadcasted_iota(jnp.int32, (RB, 1), 0) + i * RB
    mp_ref[...] = jnp.where(rows < N, mp, 0.0)
    h_ref[...] = h
    dinv_ref[...] = dinv


def _layer_body(acc_ref, mp_ref, h_ref, dinv_ref, b_ref, g_ref, be_ref,
                Wn_ref, h_out, mp_out):
    i = pl.program_id(0)
    dinv = dinv_ref[...]
    agg = dinv * (acc_ref[0] + acc_ref[1] + mp_ref[...])
    t = g_ref[...] * ((agg + b_ref[...]) * SBN) + be_ref[...]
    h_new = h_ref[...] + jnp.maximum(t, 0.0)
    mp_next = jnp.dot(h_new, Wn_ref[...], precision=PREC,
                      preferred_element_type=jnp.float32) * dinv
    rows = lax.broadcasted_iota(jnp.int32, (RB, 1), 0) + i * RB
    h_out[...] = h_new
    mp_out[...] = jnp.where(rows < N, mp_next, 0.0)


def _final_body(acc_ref, mp_ref, h_ref, dinv_ref, b_ref, g_ref, be_ref,
                batch_ref, Wout_ref, bout_ref, out_ref, sums, cnt):
    i = pl.program_id(0)
    agg = dinv_ref[...] * (acc_ref[0] + acc_ref[1] + mp_ref[...])
    t = g_ref[...] * ((agg + b_ref[...]) * SBN) + be_ref[...]
    h_new = h_ref[...] + jnp.maximum(t, 0.0)

    oh = (batch_ref[...] == lax.broadcasted_iota(jnp.int32, (RB, G), 1))
    oh = oh.astype(jnp.float32)

    @pl.when(i == 0)
    def _():
        sums[...] = jnp.zeros((G, D), jnp.float32)
        cnt[...] = jnp.zeros((G, 1), jnp.float32)

    dn = (((0,), (0,)), ((), ()))
    sums[...] += lax.dot_general(oh, h_new, dn, precision=PREC,
                                 preferred_element_type=jnp.float32)
    cnt[...] += lax.dot_general(oh, jnp.ones((RB, 1), jnp.float32), dn,
                                precision=PREC,
                                preferred_element_type=jnp.float32)

    @pl.when(i == NBLK - 1)
    def _():
        emb = sums[...] / jnp.maximum(cnt[...], 1.0)
        out_ref[...] = jnp.dot(emb, Wout_ref[...], precision=PREC,
                               preferred_element_type=jnp.float32) + bout_ref[...]


def _row_spec(w):
    return pl.BlockSpec((RB, w), lambda i: (i, 0))


def _full_spec(h, w):
    return pl.BlockSpec((h, w), lambda i: (0, 0))


_proj_call = pl.pallas_call(
    _proj_body,
    grid=(NBLK,),
    in_specs=[_row_spec(D), _row_spec(1), _row_spec(1),
              _full_spec(D, D), _full_spec(1, D), _full_spec(D, D)],
    out_specs=[_row_spec(D), _row_spec(D), _row_spec(1)],
    out_shape=[jax.ShapeDtypeStruct((NP, D), jnp.float32),
               jax.ShapeDtypeStruct((NP, D), jnp.float32),
               jax.ShapeDtypeStruct((NP, 1), jnp.float32)],
)

_acc_spec = pl.BlockSpec((NC, RB, D), lambda i: (0, i, 0))

_layer_call = pl.pallas_call(
    _layer_body,
    grid=(NBLK,),
    in_specs=[_acc_spec, _row_spec(D), _row_spec(D), _row_spec(1),
              _full_spec(1, D), _full_spec(1, D), _full_spec(1, D),
              _full_spec(D, D)],
    out_specs=[_row_spec(D), _row_spec(D)],
    out_shape=[jax.ShapeDtypeStruct((NP, D), jnp.float32),
               jax.ShapeDtypeStruct((NP, D), jnp.float32)],
)

_final_call = pl.pallas_call(
    _final_body,
    grid=(NBLK,),
    in_specs=[_acc_spec, _row_spec(D), _row_spec(D), _row_spec(1),
              _full_spec(1, D), _full_spec(1, D), _full_spec(1, D),
              _row_spec(1), _full_spec(D, D), _full_spec(1, D)],
    out_specs=pl.BlockSpec((G, D), lambda i: (0, 0)),
    out_shape=jax.ShapeDtypeStruct((G, D), jnp.float32),
    scratch_shapes=[pltpu.VMEM((G, D), jnp.float32),
                    pltpu.VMEM((G, 1), jnp.float32)],
)



def kernel(x, edge_index, batch, W_in, b_in,
           Wc1, bc1, g1, be1,
           Wc2, bc2, g2, be2,
           Wc3, bc3, g3, be3,
           W_out, b_out):
    x_p = jnp.pad(x, ((0, NP - N), (0, 0)))
    pad_fill = N + (jnp.arange(EP - E, dtype=jnp.int32) % (NP - N))
    src = jnp.concatenate([edge_index[0], pad_fill]).reshape(NCHUNK, CH)
    dst1 = jnp.concatenate([edge_index[1], pad_fill])
    dst = dst1.reshape(NCHUNK, CH)
    batch_p = jnp.pad(batch, (0, NP - N), constant_values=G).reshape(NP, 1)
    ones_c = jnp.ones((CH,), jnp.float32)
    zeros1 = jnp.zeros((RPT,), jnp.float32)
    zeros2 = jnp.zeros((CH, D), jnp.float32)
    bin2 = b_in.reshape(1, D)
    bout2 = b_out.reshape(1, D)

    deg = _deg_kernel(dst, ones_c, zeros1).reshape(NC, NP)
    dA = deg[0].reshape(NP, 1)
    dB = deg[1].reshape(NP, 1)

    h0, mp1, dinv = _proj_call(x_p, dA, dB, W_in, bin2, Wc1)

    acc1 = _edge_kernel(mp1, src, dst1, zeros2)
    h1, mp2 = _layer_call(acc1, mp1, h0, dinv, bc1.reshape(1, D),
                          g1.reshape(1, D), be1.reshape(1, D), Wc2)

    acc2 = _edge_kernel(mp2, src, dst1, zeros2)
    h2, mp3 = _layer_call(acc2, mp2, h1, dinv, bc2.reshape(1, D),
                          g2.reshape(1, D), be2.reshape(1, D), Wc3)

    acc3 = _edge_kernel(mp3, src, dst1, zeros2)
    out = _final_call(acc3, mp3, h2, dinv, bc3.reshape(1, D),
                      g3.reshape(1, D), be3.reshape(1, D),
                      batch_p, W_out, bout2)
    return out

# --- scband reference (transcript-rebuilt; emitter-appended) ---
"""Pipeline reference for scband-gcndrug-encoder-71734543777906 (READ-ONLY COPY).

The authoritative reference and input builder live on the scoring server;
editing this copy changes nothing except your own understanding.
"""

import jax, jax.numpy as jnp
import numpy as np

N = 10000
E = 320000
D = 128
G = 256
EPS = 1e-5


def setup_inputs(seed: int = 0) -> dict:
    key = jax.random.key(seed)
    ks = jax.random.split(key, 24)
    inp = {}
    inp["x"] = jax.random.normal(ks[0], (N, D), dtype=jnp.float32)
    inp["edge_index"] = jax.random.randint(ks[1], (2, E), 0, N, dtype=jnp.int32)
    inp["batch"] = jnp.sort(jax.random.randint(ks[2], (N,), 0, G, dtype=jnp.int32))
    # input_proj
    inp["W_in"] = jax.random.normal(ks[3], (D, D), dtype=jnp.float32) * 0.05
    inp["b_in"] = jnp.zeros((D,), dtype=jnp.float32)
    # 3 GCN layers (weight, bias) + batchnorm (gamma, beta)
    for i in range(3):
        inp[f"Wc{i+1}"] = jax.random.normal(ks[4 + 4 * i], (D, D), dtype=jnp.float32) * 0.05
        inp[f"bc{i+1}"] = jnp.zeros((D,), dtype=jnp.float32)
        inp[f"g{i+1}"] = jnp.ones((D,), dtype=jnp.float32)
        inp[f"be{i+1}"] = jnp.zeros((D,), dtype=jnp.float32)
    # output_proj
    inp["W_out"] = jax.random.normal(ks[20], (D, D), dtype=jnp.float32) * 0.05
    inp["b_out"] = jnp.zeros((D,), dtype=jnp.float32)
    return inp


def reference(x, edge_index, batch, W_in, b_in,
              Wc1, bc1, g1, be1,
              Wc2, bc2, g2, be2,
              Wc3, bc3, g3, be3,
              W_out, b_out):
    num_nodes = x.shape[0]
    # GCN normalization with self loops: A_hat = D^-1/2 (A + I) D^-1/2
    loop = jnp.arange(num_nodes, dtype=edge_index.dtype)
    src = jnp.concatenate([edge_index[0], loop])
    dst = jnp.concatenate([edge_index[1], loop])
    deg = jnp.zeros((num_nodes,), x.dtype).at[dst].add(1.0)
    dinv = jnp.where(deg > 0, 1.0 / jnp.sqrt(deg), 0.0)
    norm = dinv[src] * dinv[dst]

    def gcn_conv(h, W, b):
        m = h @ W
        out = jnp.zeros_like(m).at[dst].add(m[src] * norm[:, None])
        return out + b

    def batchnorm_eval(h, g, be):
        # eval mode BatchNorm1d with running_mean=0, running_var=1
        return g * (h / jnp.sqrt(1.0 + EPS)) + be

    h = x @ W_in + b_in
    for (W, b, g, be) in ((Wc1, bc1, g1, be1), (Wc2, bc2, g2, be2), (Wc3, bc3, g3, be3)):
        h_new = gcn_conv(h, W, b)
        h_new = batchnorm_eval(h_new, g, be)
        h_new = jax.nn.relu(h_new)
        # dropout is identity in eval mode
        h = h + h_new  # residual

    # global_mean_pool over graph segments
    sums = jax.ops.segment_sum(h, batch, num_segments=G)
    cnt = jax.ops.segment_sum(jnp.ones((num_nodes,), x.dtype), batch, num_segments=G)
    graph_emb = sums / jnp.clip(cnt, 1.0)[:, None]
    return graph_emb @ W_out + b_out

if __name__ == "__main__":
    import jax
    _d = setup_inputs()
    print(jax.jit(kernel)(*tuple(_d.values())))

</pallas_src>

<mosaic_0001>
#map = affine_map<(d0, d1) -> (0, 0)>
#map1 = affine_map<(d0, d1) -> (0)>
#map2 = affine_map<(d0, d1) -> (0, 0, 0)>
module attributes {stable_mosaic.version = 14 : i64} {
  func.func @_edge_body(%arg0: i32, %arg1: i32, %arg2: memref<10240x128xf32, #tpu.memory_space<hbm>>, %arg3: memref<2560x128xi32, #tpu.memory_space<hbm>>, %arg4: memref<327680xi32, #tpu.memory_space<hbm>>, %arg5: memref<128x128xf32, #tpu.memory_space<hbm>>, %arg6: memref<2x10240x128xf32, #tpu.memory_space<hbm>>, %arg7: memref<10240x128xf32, #tpu.memory_space<vmem_shared>>, %arg8: memref<80x128xi32, #tpu.memory_space<vmem>>, %arg9: memref<2x128xi32, #tpu.memory_space<vmem>>, %arg10: memref<2x128x128xf32, #tpu.memory_space<vmem>>, %arg11: memref<!tpu.dma_semaphore, #tpu.memory_space<semaphore_mem>>, %arg12: memref<!tpu.dma_semaphore, #tpu.memory_space<semaphore_mem>>, %arg13: memref<!tpu.dma_semaphore, #tpu.memory_space<semaphore_mem>>) attributes {dimension_semantics = [#tpu.dimension_semantics<core_parallel>, #tpu.dimension_semantics<subcore_parallel>], iteration_bounds = array<i64: 2, 16>, scalar_prefetch = 0 : i64, scratch_operands = 7 : i64, tpu.core_type = #tpu.core_type<sc_vector_subcore>, window_params = [{transform_indices = #map}, {transform_indices = #map}, {transform_indices = #map1}, {transform_indices = #map}, {transform_indices = #map2}]} {
    %mul3A = arith.constant 16 : i32
    %mul3A_0 = arith.muli %arg0, %mul3A : i32
    %add3A = arith.addi %mul3A_0, %arg1 : i32
    %run_scoped3A = arith.constant 0 : i32
    "tpu.region"() ({
      %run_scoped3A_65 = tpu.sem_alloc : memref<!tpu.dma_semaphore, #tpu.memory_space<semaphore_mem>>
      %dma_start3A_66 = arith.constant 0 : i32
      %dma_start3A_67 = arith.constant 0 : i32
      %dma_start3A_68 = tpu.memref_slice %arg10[%run_scoped3A, %dma_start3A_66, %dma_start3A_67] : memref<2x128x128xf32, #tpu.memory_space<vmem>> -> memref<1x128x128xf32, #tpu.memory_space<vmem>>
      %dma_start3A_69 = tpu.memref_squeeze %dma_start3A_68 : memref<1x128x128xf32, #tpu.memory_space<vmem>> -> memref<128x128xf32, #tpu.memory_space<vmem>>
      %dma_start3A_70 = arith.constant 0 : i32
      %dma_start3A_71 = arith.constant 0 : i32
      %dma_start3A_72 = tpu.memref_slice %arg10[%run_scoped3A, %dma_start3A_70, %dma_start3A_71] : memref<2x128x128xf32, #tpu.memory_space<vmem>> -> memref<1x128x128xf32, #tpu.memory_space<vmem>>
      %dma_start3A_73 = tpu.memref_squeeze %dma_start3A_72 : memref<1x128x128xf32, #tpu.memory_space<vmem>> -> memref<128x128xf32, #tpu.memory_space<vmem>>
      tpu.enqueue_dma source(%arg5 : memref<128x128xf32, #tpu.memory_space<hbm>>) target(%dma_start3A_73 : memref<128x128xf32, #tpu.memory_space<vmem>>) target_semaphore(%run_scoped3A_65 : memref<!tpu.dma_semaphore, #tpu.memory_space<semaphore_mem>>)
      %dma_wait3A_74 = arith.constant 0 : i32
      %dma_wait3A_75 = arith.constant 0 : i32
      %dma_wait3A_76 = tpu.memref_slice %arg10[%run_scoped3A, %dma_wait3A_74, %dma_wait3A_75] : memref<2x128x128xf32, #tpu.memory_space<vmem>> -> memref<1x128x128xf32, #tpu.memory_space<vmem>>
      %dma_wait3A_77 = tpu.memref_squeeze %dma_wait3A_76 : memref<1x128x128xf32, #tpu.memory_space<vmem>> -> memref<128x128xf32, #tpu.memory_space<vmem>>
      %dma_wait3A_78 = arith.constant 0 : i32
      %dma_wait3A_79 = arith.constant 0 : i32
      %dma_wait3A_80 = tpu.memref_slice %arg10[%run_scoped3A, %dma_wait3A_78, %dma_wait3A_79] : memref<2x128x128xf32, #tpu.memory_space<vmem>> -> memref<1x128x128xf32, #tpu.memory_space<vmem>>
      %dma_wait3A_81 = tpu.memref_squeeze %dma_wait3A_80 : memref<1x128x128xf32, #tpu.memory_space<vmem>> -> memref<128x128xf32, #tpu.memory_space<vmem>>
      tpu.wait_dma2 semaphore(%run_scoped3A_65 : memref<!tpu.dma_semaphore, #tpu.memory_space<semaphore_mem>>) src(%arg5 : memref<128x128xf32, #tpu.memory_space<hbm>>) dst(%dma_wait3A_81 : memref<128x128xf32, #tpu.memory_space<vmem>>)
      tpu.yield
    }) : () -> ()
    %mul3A_1 = arith.constant 640 : i32
    %mul3A_2 = arith.muli %arg1, %mul3A_1 : i32
    %add3A_3 = arith.constant 0 : i32
    %add3A_4 = arith.addi %mul3A_2, %add3A_3 : i32
    %run_scoped3A_5 = arith.constant 0 : i32
    "tpu.region"() ({
      %run_scoped3A_65 = tpu.sem_alloc : memref<!tpu.dma_semaphore, #tpu.memory_space<semaphore_mem>>
      %dma_start3A_66 = arith.constant 0 : i32
      %dma_start3A_67 = arith.constant 0 : i32
      %dma_start3A_68 = tpu.memref_slice %arg10[%run_scoped3A_5, %dma_start3A_66, %dma_start3A_67] : memref<2x128x128xf32, #tpu.memory_space<vmem>> -> memref<1x128x128xf32, #tpu.memory_space<vmem>>
      %dma_start3A_69 = tpu.memref_squeeze %dma_start3A_68 : memref<1x128x128xf32, #tpu.memory_space<vmem>> -> memref<128x128xf32, #tpu.memory_space<vmem>>
      %dma_start3A_70 = arith.constant 0 : i32
      %dma_start3A_71 = tpu.memref_slice %arg7[%add3A_4, %dma_start3A_70] : memref<10240x128xf32, #tpu.memory_space<vmem_shared>> -> memref<128x128xf32, #tpu.memory_space<vmem_shared>>
      %dma_start3A_72 = arith.constant 0 : i32
      %dma_start3A_73 = tpu.memref_slice %arg7[%add3A_4, %dma_start3A_72] : memref<10240x128xf32, #tpu.memory_space<vmem_shared>> -> memref<128x128xf32, #tpu.memory_space<vmem_shared>>
      %dma_start3A_74 = arith.constant 0 : i32
      %dma_start3A_75 = arith.constant 0 : i32
      %dma_start3A_76 = tpu.memref_slice %arg10[%run_scoped3A_5, %dma_start3A_74, %dma_start3A_75] : memref<2x128x128xf32, #tpu.memory_space<vmem>> -> memref<1x128x128xf32, #tpu.memory_space<vmem>>
      %dma_start3A_77 = tpu.memref_squeeze %dma_start3A_76 : memref<1x128x128xf32, #tpu.memory_space<vmem>> -> memref<128x128xf32, #tpu.memory_space<vmem>>
      tpu.enqueue_dma source(%dma_start3A_77 : memref<128x128xf32, #tpu.memory_space<vmem>>) target(%dma_start3A_73 : memref<128x128xf32, #tpu.memory_space<vmem_shared>>) target_semaphore(%run_scoped3A_65 : memref<!tpu.dma_semaphore, #tpu.memory_space<semaphore_mem>>)
      %dma_wait3A_78 = arith.constant 0 : i32
      %dma_wait3A_79 = arith.constant 0 : i32
      %dma_wait3A_80 = tpu.memref_slice %arg10[%run_scoped3A_5, %dma_wait3A_78, %dma_wait3A_79] : memref<2x128x128xf32, #tpu.memory_space<vmem>> -> memref<1x128x128xf32, #tpu.memory_space<vmem>>
      %dma_wait3A_81 = tpu.memref_squeeze %dma_wait3A_80 : memref<1x128x128xf32, #tpu.memory_space<vmem>> -> memref<128x128xf32, #tpu.memory_space<vmem>>
      %dma_wait3A_82 = arith.constant 0 : i32
      %dma_wait3A_83 = tpu.memref_slice %arg7[%add3A_4, %dma_wait3A_82] : memref<10240x128xf32, #tpu.memory_space<vmem_shared>> -> memref<128x128xf32, #tpu.memory_space<vmem_shared>>
      %dma_wait3A_84 = arith.constant 0 : i32
      %dma_wait3A_85 = tpu.memref_slice %arg7[%add3A_4, %dma_wait3A_84] : memref<10240x128xf32, #tpu.memory_space<vmem_shared>> -> memref<128x128xf32, #tpu.memory_space<vmem_shared>>
      %dma_wait3A_86 = arith.constant 0 : i32
      %dma_wait3A_87 = arith.constant 0 : i32
      %dma_wait3A_88 = tpu.memref_slice %arg10[%run_scoped3A_5, %dma_wait3A_86, %dma_wait3A_87] : memref<2x128x128xf32, #tpu.memory_space<vmem>> -> memref<1x128x128xf32, #tpu.memory_space<vmem>>
      %dma_wait3A_89 = tpu.memref_squeeze %dma_wait3A_88 : memref<1x128x128xf32, #tpu.memory_space<vmem>> -> memref<128x128xf32, #tpu.memory_space<vmem>>
      tpu.wait_dma2 semaphore(%run_scoped3A_65 : memref<!tpu.dma_semaphore, #tpu.memory_space<semaphore_mem>>) src(%dma_wait3A_89 : memref<128x128xf32, #tpu.memory_space<vmem>>) dst(%dma_wait3A_85 : memref<128x128xf32, #tpu.memory_space<vmem_shared>>)
      tpu.yield
    }) : () -> ()
    %mul3A_6 = arith.constant 640 : i32
    %mul3A_7 = arith.muli %arg1, %mul3A_6 : i32
    %add3A_8 = arith.constant 128 : i32
    %add3A_9 = arith.addi %mul3A_7, %add3A_8 : i32
    %run_scoped3A_10 = arith.constant 0 : i32
    "tpu.region"() ({
      %run_scoped3A_65 = tpu.sem_alloc : memref<!tpu.dma_semaphore, #tpu.memory_space<semaphore_mem>>
      %dma_start3A_66 = arith.constant 0 : i32
      %dma_start3A_67 = arith.constant 0 : i32
      %dma_start3A_68 = tpu.memref_slice %arg10[%run_scoped3A_10, %dma_start3A_66, %dma_start3A_67] : memref<2x128x128xf32, #tpu.memory_space<vmem>> -> memref<1x128x128xf32, #tpu.memory_space<vmem>>
      %dma_start3A_69 = tpu.memref_squeeze %dma_start3A_68 : memref<1x128x128xf32, #tpu.memory_space<vmem>> -> memref<128x128xf32, #tpu.memory_space<vmem>>
      %dma_start3A_70 = arith.constant 0 : i32
      %dma_start3A_71 = tpu.memref_slice %arg7[%add3A_9, %dma_start3A_70] : memref<10240x128xf32, #tpu.memory_space<vmem_shared>> -> memref<128x128xf32, #tpu.memory_space<vmem_shared>>
      %dma_start3A_72 = arith.constant 0 : i32
      %dma_start3A_73 = tpu.memref_slice %arg7[%add3A_9, %dma_start3A_72] : memref<10240x128xf32, #tpu.memory_space<vmem_shared>> -> memref<128x128xf32, #tpu.memory_space<vmem_shared>>
      %dma_start3A_74 = arith.constant 0 : i32
      %dma_start3A_75 = arith.constant 0 : i32
      %dma_start3A_76 = tpu.memref_slice %arg10[%run_scoped3A_10, %dma_start3A_74, %dma_start3A_75] : memref<2x128x128xf32, #tpu.memory_space<vmem>> -> memref<1x128x128xf32, #tpu.memory_space<vmem>>
      %dma_start3A_77 = tpu.memref_squeeze %dma_start3A_76 : memref<1x128x128xf32, #tpu.memory_space<vmem>> -> memref<128x128xf32, #tpu.memory_space<vmem>>
      tpu.enqueue_dma source(%dma_start3A_77 : memref<128x128xf32, #tpu.memory_space<vmem>>) target(%dma_start3A_73 : memref<128x128xf32, #tpu.memory_space<vmem_shared>>) target_semaphore(%run_scoped3A_65 : memref<!tpu.dma_semaphore, #tpu.memory_space<semaphore_mem>>)
      %dma_wait3A_78 = arith.constant 0 : i32
      %dma_wait3A_79 = arith.constant 0 : i32
      %dma_wait3A_80 = tpu.memref_slice %arg10[%run_scoped3A_10, %dma_wait3A_78, %dma_wait3A_79] : memref<2x128x128xf32, #tpu.memory_space<vmem>> -> memref<1x128x128xf32, #tpu.memory_space<vmem>>
      %dma_wait3A_81 = tpu.memref_squeeze %dma_wait3A_80 : memref<1x128x128xf32, #tpu.memory_space<vmem>> -> memref<128x128xf32, #tpu.memory_space<vmem>>
      %dma_wait3A_82 = arith.constant 0 : i32
      %dma_wait3A_83 = tpu.memref_slice %arg7[%add3A_9, %dma_wait3A_82] : memref<10240x128xf32, #tpu.memory_space<vmem_shared>> -> memref<128x128xf32, #tpu.memory_space<vmem_shared>>
      %dma_wait3A_84 = arith.constant 0 : i32
      %dma_wait3A_85 = tpu.memref_slice %arg7[%add3A_9, %dma_wait3A_84] : memref<10240x128xf32, #tpu.memory_space<vmem_shared>> -> memref<128x128xf32, #tpu.memory_space<vmem_shared>>
      %dma_wait3A_86 = arith.constant 0 : i32
      %dma_wait3A_87 = arith.constant 0 : i32
      %dma_wait3A_88 = tpu.memref_slice %arg10[%run_scoped3A_10, %dma_wait3A_86, %dma_wait3A_87] : memref<2x128x128xf32, #tpu.memory_space<vmem>> -> memref<1x128x128xf32, #tpu.memory_space<vmem>>
      %dma_wait3A_89 = tpu.memref_squeeze %dma_wait3A_88 : memref<1x128x128xf32, #tpu.memory_space<vmem>> -> memref<128x128xf32, #tpu.memory_space<vmem>>
      tpu.wait_dma2 semaphore(%run_scoped3A_65 : memref<!tpu.dma_semaphore, #tpu.memory_space<semaphore_mem>>) src(%dma_wait3A_89 : memref<128x128xf32, #tpu.memory_space<vmem>>) dst(%dma_wait3A_85 : memref<128x128xf32, #tpu.memory_space<vmem_shared>>)
      tpu.yield
    }) : () -> ()
    %mul3A_11 = arith.constant 640 : i32
    %mul3A_12 = arith.muli %arg1, %mul3A_11 : i32
    %add3A_13 = arith.constant 256 : i32
    %add3A_14 = arith.addi %mul3A_12, %add3A_13 : i32
    %run_scoped3A_15 = arith.constant 0 : i32
    "tpu.region"() ({
      %run_scoped3A_65 = tpu.sem_alloc : memref<!tpu.dma_semaphore, #tpu.memory_space<semaphore_mem>>
      %dma_start3A_66 = arith.constant 0 : i32
      %dma_start3A_67 = arith.constant 0 : i32
      %dma_start3A_68 = tpu.memref_slice %arg10[%run_scoped3A_15, %dma_start3A_66, %dma_start3A_67] : memref<2x128x128xf32, #tpu.memory_space<vmem>> -> memref<1x128x128xf32, #tpu.memory_space<vmem>>
      %dma_start3A_69 = tpu.memref_squeeze %dma_start3A_68 : memref<1x128x128xf32, #tpu.memory_space<vmem>> -> memref<128x128xf32, #tpu.memory_space<vmem>>
      %dma_start3A_70 = arith.constant 0 : i32
      %dma_start3A_71 = tpu.memref_slice %arg7[%add3A_14, %dma_start3A_70] : memref<10240x128xf32, #tpu.memory_space<vmem_shared>> -> memref<128x128xf32, #tpu.memory_space<vmem_shared>>
      %dma_start3A_72 = arith.constant 0 : i32
      %dma_start3A_73 = tpu.memref_slice %arg7[%add3A_14, %dma_start3A_72] : memref<10240x128xf32, #tpu.memory_space<vmem_shared>> -> memref<128x128xf32, #tpu.memory_space<vmem_shared>>
      %dma_start3A_74 = arith.constant 0 : i32
      %dma_start3A_75 = arith.constant 0 : i32
      %dma_start3A_76 = tpu.memref_slice %arg10[%run_scoped3A_15, %dma_start3A_74, %dma_start3A_75] : memref<2x128x128xf32, #tpu.memory_space<vmem>> -> memref<1x128x128xf32, #tpu.memory_space<vmem>>
      %dma_start3A_77 = tpu.memref_squeeze %dma_start3A_76 : memref<1x128x128xf32, #tpu.memory_space<vmem>> -> memref<128x128xf32, #tpu.memory_space<vmem>>
      tpu.enqueue_dma source(%dma_start3A_77 : memref<128x128xf32, #tpu.memory_space<vmem>>) target(%dma_start3A_73 : memref<128x128xf32, #tpu.memory_space<vmem_shared>>) target_semaphore(%run_scoped3A_65 : memref<!tpu.dma_semaphore, #tpu.memory_space<semaphore_mem>>)
      %dma_wait3A_78 = arith.constant 0 : i32
      %dma_wait3A_79 = arith.constant 0 : i32
      %dma_wait3A_80 = tpu.memref_slice %arg10[%run_scoped3A_15, %dma_wait3A_78, %dma_wait3A_79] : memref<2x128x128xf32, #tpu.memory_space<vmem>> -> memref<1x128x128xf32, #tpu.memory_space<vmem>>
      %dma_wait3A_81 = tpu.memref_squeeze %dma_wait3A_80 : memref<1x128x128xf32, #tpu.memory_space<vmem>> -> memref<128x128xf32, #tpu.memory_space<vmem>>
      %dma_wait3A_82 = arith.constant 0 : i32
      %dma_wait3A_83 = tpu.memref_slice %arg7[%add3A_14, %dma_wait3A_82] : memref<10240x128xf32, #tpu.memory_space<vmem_shared>> -> memref<128x128xf32, #tpu.memory_space<vmem_shared>>
      %dma_wait3A_84 = arith.constant 0 : i32
      %dma_wait3A_85 = tpu.memref_slice %arg7[%add3A_14, %dma_wait3A_84] : memref<10240x128xf32, #tpu.memory_space<vmem_shared>> -> memref<128x128xf32, #tpu.memory_space<vmem_shared>>
      %dma_wait3A_86 = arith.constant 0 : i32
      %dma_wait3A_87 = arith.constant 0 : i32
      %dma_wait3A_88 = tpu.memref_slice %arg10[%run_scoped3A_15, %dma_wait3A_86, %dma_wait3A_87] : memref<2x128x128xf32, #tpu.memory_space<vmem>> -> memref<1x128x128xf32, #tpu.memory_space<vmem>>
      %dma_wait3A_89 = tpu.memref_squeeze %dma_wait3A_88 : memref<1x128x128xf32, #tpu.memory_space<vmem>> -> memref<128x128xf32, #tpu.memory_space<vmem>>
      tpu.wait_dma2 semaphore(%run_scoped3A_65 : memref<!tpu.dma_semaphore, #tpu.memory_space<semaphore_mem>>) src(%dma_wait3A_89 : memref<128x128xf32, #tpu.memory_space<vmem>>) dst(%dma_wait3A_85 : memref<128x128xf32, #tpu.memory_space<vmem_shared>>)
      tpu.yield
    }) : () -> ()
    %mul3A_16 = arith.constant 640 : i32
    %mul3A_17 = arith.muli %arg1, %mul3A_16 : i32
    %add3A_18 = arith.constant 384 : i32
    %add3A_19 = arith.addi %mul3A_17, %add3A_18 : i32
    %run_scoped3A_20 = arith.constant 0 : i32
    "tpu.region"() ({
      %run_scoped3A_65 = tpu.sem_alloc : memref<!tpu.dma_semaphore, #tpu.memory_space<semaphore_mem>>
      %dma_start3A_66 = arith.constant 0 : i32
      %dma_start3A_67 = arith.constant 0 : i32
      %dma_start3A_68 = tpu.memref_slice %arg10[%run_scoped3A_20, %dma_start3A_66, %dma_start3A_67] : memref<2x128x128xf32, #tpu.memory_space<vmem>> -> memref<1x128x128xf32, #tpu.memory_space<vmem>>
      %dma_start3A_69 = tpu.memref_squeeze %dma_start3A_68 : memref<1x128x128xf32, #tpu.memory_space<vmem>> -> memref<128x128xf32, #tpu.memory_space<vmem>>
      %dma_start3A_70 = arith.constant 0 : i32
      %dma_start3A_71 = tpu.memref_slice %arg7[%add3A_19, %dma_start3A_70] : memref<10240x128xf32, #tpu.memory_space<vmem_shared>> -> memref<128x128xf32, #tpu.memory_space<vmem_shared>>
      %dma_start3A_72 = arith.constant 0 : i32
      %dma_start3A_73 = tpu.memref_slice %arg7[%add3A_19, %dma_start3A_72] : memref<10240x128xf32, #tpu.memory_space<vmem_shared>> -> memref<128x128xf32, #tpu.memory_space<vmem_shared>>
      %dma_start3A_74 = arith.constant 0 : i32
      %dma_start3A_75 = arith.constant 0 : i32
      %dma_start3A_76 = tpu.memref_slice %arg10[%run_scoped3A_20, %dma_start3A_74, %dma_start3A_75] : memref<2x128x128xf32, #tpu.memory_space<vmem>> -> memref<1x128x128xf32, #tpu.memory_space<vmem>>
      %dma_start3A_77 = tpu.memref_squeeze %dma_start3A_76 : memref<1x128x128xf32, #tpu.memory_space<vmem>> -> memref<128x128xf32, #tpu.memory_space<vmem>>
      tpu.enqueue_dma source(%dma_start3A_77 : memref<128x128xf32, #tpu.memory_space<vmem>>) target(%dma_start3A_73 : memref<128x128xf32, #tpu.memory_space<vmem_shared>>) target_semaphore(%run_scoped3A_65 : memref<!tpu.dma_semaphore, #tpu.memory_space<semaphore_mem>>)
      %dma_wait3A_78 = arith.constant 0 : i32
      %dma_wait3A_79 = arith.constant 0 : i32
      %dma_wait3A_80 = tpu.memref_slice %arg10[%run_scoped3A_20, %dma_wait3A_78, %dma_wait3A_79] : memref<2x128x128xf32, #tpu.memory_space<vmem>> -> memref<1x128x128xf32, #tpu.memory_space<vmem>>
      %dma_wait3A_81 = tpu.memref_squeeze %dma_wait3A_80 : memref<1x128x128xf32, #tpu.memory_space<vmem>> -> memref<128x128xf32, #tpu.memory_space<vmem>>
      %dma_wait3A_82 = arith.constant 0 : i32
      %dma_wait3A_83 = tpu.memref_slice %arg7[%add3A_19, %dma_wait3A_82] : memref<10240x128xf32, #tpu.memory_space<vmem_shared>> -> memref<128x128xf32, #tpu.memory_space<vmem_shared>>
      %dma_wait3A_84 = arith.constant 0 : i32
      %dma_wait3A_85 = tpu.memref_slice %arg7[%add3A_19, %dma_wait3A_84] : memref<10240x128xf32, #tpu.memory_space<vmem_shared>> -> memref<128x128xf32, #tpu.memory_space<vmem_shared>>
      %dma_wait3A_86 = arith.constant 0 : i32
      %dma_wait3A_87 = arith.constant 0 : i32
      %dma_wait3A_88 = tpu.memref_slice %arg10[%run_scoped3A_20, %dma_wait3A_86, %dma_wait3A_87] : memref<2x128x128xf32, #tpu.memory_space<vmem>> -> memref<1x128x128xf32, #tpu.memory_space<vmem>>
      %dma_wait3A_89 = tpu.memref_squeeze %dma_wait3A_88 : memref<1x128x128xf32, #tpu.memory_space<vmem>> -> memref<128x128xf32, #tpu.memory_space<vmem>>
      tpu.wait_dma2 semaphore(%run_scoped3A_65 : memref<!tpu.dma_semaphore, #tpu.memory_space<semaphore_mem>>) src(%dma_wait3A_89 : memref<128x128xf32, #tpu.memory_space<vmem>>) dst(%dma_wait3A_85 : memref<128x128xf32, #tpu.memory_space<vmem_shared>>)
      tpu.yield
    }) : () -> ()
    %mul3A_21 = arith.constant 640 : i32
    %mul3A_22 = arith.muli %arg1, %mul3A_21 : i32
    %add3A_23 = arith.constant 512 : i32
    %add3A_24 = arith.addi %mul3A_22, %add3A_23 : i32
    %run_scoped3A_25 = arith.constant 0 : i32
    "tpu.region"() ({
      %run_scoped3A_65 = tpu.sem_alloc : memref<!tpu.dma_semaphore, #tpu.memory_space<semaphore_mem>>
      %dma_start3A_66 = arith.constant 0 : i32
      %dma_start3A_67 = arith.constant 0 : i32
      %dma_start3A_68 = tpu.memref_slice %arg10[%run_scoped3A_25, %dma_start3A_66, %dma_start3A_67] : memref<2x128x128xf32, #tpu.memory_space<vmem>> -> memref<1x128x128xf32, #tpu.memory_space<vmem>>
      %dma_start3A_69 = tpu.memref_squeeze %dma_start3A_68 : memref<1x128x128xf32, #tpu.memory_space<vmem>> -> memref<128x128xf32, #tpu.memory_space<vmem>>
      %dma_start3A_70 = arith.constant 0 : i32
      %dma_start3A_71 = tpu.memref_slice %arg7[%add3A_24, %dma_start3A_70] : memref<10240x128xf32, #tpu.memory_space<vmem_shared>> -> memref<128x128xf32, #tpu.memory_space<vmem_shared>>
      %dma_start3A_72 = arith.constant 0 : i32
      %dma_start3A_73 = tpu.memref_slice %arg7[%add3A_24, %dma_start3A_72] : memref<10240x128xf32, #tpu.memory_space<vmem_shared>> -> memref<128x128xf32, #tpu.memory_space<vmem_shared>>
      %dma_start3A_74 = arith.constant 0 : i32
      %dma_start3A_75 = arith.constant 0 : i32
      %dma_start3A_76 = tpu.memref_slice %arg10[%run_scoped3A_25, %dma_start3A_74, %dma_start3A_75] : memref<2x128x128xf32, #tpu.memory_space<vmem>> -> memref<1x128x128xf32, #tpu.memory_space<vmem>>
      %dma_start3A_77 = tpu.memref_squeeze %dma_start3A_76 : memref<1x128x128xf32, #tpu.memory_space<vmem>> -> memref<128x128xf32, #tpu.memory_space<vmem>>
      tpu.enqueue_dma source(%dma_start3A_77 : memref<128x128xf32, #tpu.memory_space<vmem>>) target(%dma_start3A_73 : memref<128x128xf32, #tpu.memory_space<vmem_shared>>) target_semaphore(%run_scoped3A_65 : memref<!tpu.dma_semaphore, #tpu.memory_space<semaphore_mem>>)
      %dma_wait3A_78 = arith.constant 0 : i32
      %dma_wait3A_79 = arith.constant 0 : i32
      %dma_wait3A_80 = tpu.memref_slice %arg10[%run_scoped3A_25, %dma_wait3A_78, %dma_wait3A_79] : memref<2x128x128xf32, #tpu.memory_space<vmem>> -> memref<1x128x128xf32, #tpu.memory_space<vmem>>
      %dma_wait3A_81 = tpu.memref_squeeze %dma_wait3A_80 : memref<1x128x128xf32, #tpu.memory_space<vmem>> -> memref<128x128xf32, #tpu.memory_space<vmem>>
      %dma_wait3A_82 = arith.constant 0 : i32
      %dma_wait3A_83 = tpu.memref_slice %arg7[%add3A_24, %dma_wait3A_82] : memref<10240x128xf32, #tpu.memory_space<vmem_shared>> -> memref<128x128xf32, #tpu.memory_space<vmem_shared>>
      %dma_wait3A_84 = arith.constant 0 : i32
      %dma_wait3A_85 = tpu.memref_slice %arg7[%add3A_24, %dma_wait3A_84] : memref<10240x128xf32, #tpu.memory_space<vmem_shared>> -> memref<128x128xf32, #tpu.memory_space<vmem_shared>>
      %dma_wait3A_86 = arith.constant 0 : i32
      %dma_wait3A_87 = arith.constant 0 : i32
      %dma_wait3A_88 = tpu.memref_slice %arg10[%run_scoped3A_25, %dma_wait3A_86, %dma_wait3A_87] : memref<2x128x128xf32, #tpu.memory_space<vmem>> -> memref<1x128x128xf32, #tpu.memory_space<vmem>>
      %dma_wait3A_89 = tpu.memref_squeeze %dma_wait3A_88 : memref<1x128x128xf32, #tpu.memory_space<vmem>> -> memref<128x128xf32, #tpu.memory_space<vmem>>
      tpu.wait_dma2 semaphore(%run_scoped3A_65 : memref<!tpu.dma_semaphore, #tpu.memory_space<semaphore_mem>>) src(%dma_wait3A_89 : memref<128x128xf32, #tpu.memory_space<vmem>>) dst(%dma_wait3A_85 : memref<128x128xf32, #tpu.memory_space<vmem_shared>>)
      tpu.yield
    }) : () -> ()
    %mul3A_26 = arith.constant 80 : i32
    %mul3A_27 = arith.muli %add3A, %mul3A_26 : i32
    "tpu.region"() ({
      %run_scoped3A_65 = tpu.sem_alloc : memref<!tpu.dma_semaphore, #tpu.memory_space<semaphore_mem>>
      %dma_start3A_66 = arith.constant 0 : i32
      %dma_start3A_67 = tpu.memref_slice %arg3[%mul3A_27, %dma_start3A_66] : memref<2560x128xi32, #tpu.memory_space<hbm>> -> memref<80x128xi32, #tpu.memory_space<hbm>>
      %dma_start3A_68 = arith.constant 0 : i32
      %dma_start3A_69 = tpu.memref_slice %arg3[%mul3A_27, %dma_start3A_68] : memref<2560x128xi32, #tpu.memory_space<hbm>> -> memref<80x128xi32, #tpu.memory_space<hbm>>
      tpu.enqueue_dma source(%dma_start3A_69 : memref<80x128xi32, #tpu.memory_space<hbm>>) target(%arg8 : memref<80x128xi32, #tpu.memory_space<vmem>>) target_semaphore(%run_scoped3A_65 : memref<!tpu.dma_semaphore, #tpu.memory_space<semaphore_mem>>)
      %dma_wait3A_70 = arith.constant 0 : i32
      %dma_wait3A_71 = tpu.memref_slice %arg3[%mul3A_27, %dma_wait3A_70] : memref<2560x128xi32, #tpu.memory_space<hbm>> -> memref<80x128xi32, #tpu.memory_space<hbm>>
      %dma_wait3A_72 = arith.constant 0 : i32
      %dma_wait3A_73 = tpu.memref_slice %arg3[%mul3A_27, %dma_wait3A_72] : memref<2560x128xi32, #tpu.memory_space<hbm>> -> memref<80x128xi32, #tpu.memory_space<hbm>>
      tpu.wait_dma2 semaphore(%run_scoped3A_65 : memref<!tpu.dma_semaphore, #tpu.memory_space<semaphore_mem>>) src(%dma_wait3A_73 : memref<80x128xi32, #tpu.memory_space<hbm>>) dst(%arg8 : memref<80x128xi32, #tpu.memory_space<vmem>>)
      tpu.yield
    }) : () -> ()
    %mul3A_28 = arith.constant 80 : i32
    %mul3A_29 = arith.muli %add3A, %mul3A_28 : i32
    %mul3A_30 = arith.constant 128 : i32
    %mul3A_31 = arith.muli %mul3A_29, %mul3A_30 : i32
    %run_scoped3A_32 = arith.constant 0 : i32
    "tpu.region"() ({
      %run_scoped3A_65 = tpu.sem_alloc : memref<!tpu.dma_semaphore, #tpu.memory_space<semaphore_mem>>
      %dma_start3A_66 = arith.constant 0 : i32
      %dma_start3A_67 = tpu.memref_slice %arg9[%run_scoped3A_32, %dma_start3A_66] : memref<2x128xi32, #tpu.memory_space<vmem>> -> memref<1x128xi32, #tpu.memory_space<vmem>>
      %dma_start3A_68 = tpu.memref_squeeze %dma_start3A_67 : memref<1x128xi32, #tpu.memory_space<vmem>> -> memref<128xi32, #tpu.memory_space<vmem>>
      %dma_start3A_69 = tpu.memref_slice %arg4[%mul3A_31] : memref<327680xi32, #tpu.memory_space<hbm>> -> memref<128xi32, #tpu.memory_space<hbm>>
      %dma_start3A_70 = arith.constant 0 : i32
      %dma_start3A_71 = tpu.memref_slice %arg9[%run_scoped3A_32, %dma_start3A_70] : memref<2x128xi32, #tpu.memory_space<vmem>> -> memref<1x128xi32, #tpu.memory_space<vmem>>
      %dma_start3A_72 = tpu.memref_squeeze %dma_start3A_71 : memref<1x128xi32, #tpu.memory_space<vmem>> -> memref<128xi32, #tpu.memory_space<vmem>>
      %dma_start3A_73 = tpu.memref_slice %arg4[%mul3A_31] : memref<327680xi32, #tpu.memory_space<hbm>> -> memref<128xi32, #tpu.memory_space<hbm>>
      tpu.enqueue_dma source(%dma_start3A_73 : memref<128xi32, #tpu.memory_space<hbm>>) target(%dma_start3A_72 : memref<128xi32, #tpu.memory_space<vmem>>) target_semaphore(%run_scoped3A_65 : memref<!tpu.dma_semaphore, #tpu.memory_space<semaphore_mem>>)
      %dma_wait3A_74 = arith.constant 0 : i32
      %dma_wait3A_75 = tpu.memref_slice %arg9[%run_scoped3A_32, %dma_wait3A_74] : memref<2x128xi32, #tpu.memory_space<vmem>> -> memref<1x128xi32, #tpu.memory_space<vmem>>
      %dma_wait3A_76 = tpu.memref_squeeze %dma_wait3A_75 : memref<1x128xi32, #tpu.memory_space<vmem>> -> memref<128xi32, #tpu.memory_space<vmem>>
      %dma_wait3A_77 = tpu.memref_slice %arg4[%mul3A_31] : memref<327680xi32, #tpu.memory_space<hbm>> -> memref<128xi32, #tpu.memory_space<hbm>>
      %dma_wait3A_78 = arith.constant 0 : i32
      %dma_wait3A_79 = tpu.memref_slice %arg9[%run_scoped3A_32, %dma_wait3A_78] : memref<2x128xi32, #tpu.memory_space<vmem>> -> memref<1x128xi32, #tpu.memory_space<vmem>>
      %dma_wait3A_80 = tpu.memref_squeeze %dma_wait3A_79 : memref<1x128xi32, #tpu.memory_space<vmem>> -> memref<128xi32, #tpu.memory_space<vmem>>
      %dma_wait3A_81 = tpu.memref_slice %arg4[%mul3A_31] : memref<327680xi32, #tpu.memory_space<hbm>> -> memref<128xi32, #tpu.memory_space<hbm>>
      tpu.wait_dma2 semaphore(%run_scoped3A_65 : memref<!tpu.dma_semaphore, #tpu.memory_space<semaphore_mem>>) src(%dma_wait3A_81 : memref<128xi32, #tpu.memory_space<hbm>>) dst(%dma_wait3A_80 : memref<128xi32, #tpu.memory_space<vmem>>)
      tpu.yield
    }) : () -> ()
    %barrier3A = arith.constant 0 : index
    tpu.barrier barrier_id(%barrier3A)
    %dma_start3A = arith.constant 0 : i32
    %dma_start3A_33 = arith.constant 0 : i32
    %dma_start3A_34 = arith.constant 0 : i32
    %dma_start3A_35 = arith.constant 0 : i32
    %dma_start3A_36 = tpu.memref_slice %arg10[%dma_start3A_33, %dma_start3A_34, %dma_start3A_35] : memref<2x128x128xf32, #tpu.memory_space<vmem>> -> memref<1x128x128xf32, #tpu.memory_space<vmem>>
    %dma_start3A_37 = tpu.memref_squeeze %dma_start3A_36 : memref<1x128x128xf32, #tpu.memory_space<vmem>> -> memref<128x128xf32, #tpu.memory_space<vmem>>
    %dma_start3A_38 = arith.constant 0 : i32
    %dma_start3A_39 = tpu.memref_slice %arg8[%dma_start3A, %dma_start3A_38] : memref<80x128xi32, #tpu.memory_space<vmem>> -> memref<1x128xi32, #tpu.memory_space<vmem>>
    %dma_start3A_40 = tpu.memref_squeeze %dma_start3A_39 : memref<1x128xi32, #tpu.memory_space<vmem>> -> memref<128xi32, #tpu.memory_space<vmem>>
    %dma_start3A_41 = arith.constant 0 : i32
    %dma_start3A_42 = arith.constant 0 : i32
    %dma_start3A_43 = tpu.memref_slice %arg2[%dma_start3A_41, %dma_start3A_42] : memref<10240x128xf32, #tpu.memory_space<hbm>> -> memref<10240x128xf32, #tpu.memory_space<hbm>>
    tpu.enqueue_indirect_dma source(%dma_start3A_43 : memref<10240x128xf32, #tpu.memory_space<hbm>>) target(%dma_start3A_37 : memref<128x128xf32, #tpu.memory_space<vmem>>) offsets(%dma_start3A_40 : memref<128xi32, #tpu.memory_space<vmem>>) semaphore(%arg11 : memref<!tpu.dma_semaphore, #tpu.memory_space<semaphore_mem>>)
    %scan3A = arith.constant 0 : i32
    %scan3A_44 = arith.constant 0 : i32
    %scan3A_45 = arith.constant 80 : i32
    %scan3A_46 = arith.addi %scan3A_44, %scan3A_45 : i32
    %scan3A_47 = arith.constant 1 : i32
    scf.for %scan3A_65 = %scan3A_44 to %scan3A_46 step %scan3A_47  : i32 {
      %jit3A = arith.constant 2 : i32
      %eq3A = arith.constant 0 : i32
      %eq3A_66 = arith.cmpi eq, %jit3A, %eq3A : i32
      %jit3A_67 = arith.constant 1 : i32
      %select_n3A = arith.select %eq3A_66, %jit3A_67, %jit3A : i32
      %rem3A = arith.remsi %scan3A_65, %select_n3A : i32
      %ne3A = arith.constant 0 : i32
      %ne3A_68 = arith.cmpi ne, %rem3A, %ne3A : i32
      %lt3A = arith.constant 0 : i32
      %lt3A_69 = arith.cmpi slt, %rem3A, %lt3A : i32
      %lt3A_70 = arith.constant 0 : i32
      %lt3A_71 = arith.cmpi slt, %select_n3A, %lt3A_70 : i32
      %ne3A_72 = arith.xori %lt3A_69, %lt3A_71 : i1
      %and3A = arith.andi %ne3A_72, %ne3A_68 : i1
      %add3A_73 = arith.addi %rem3A, %select_n3A : i32
      %select_n3A_74 = arith.select %and3A, %add3A_73, %rem3A : i32
      %add3A_75 = arith.constant 1 : i32
      %add3A_76 = arith.addi %scan3A_65, %add3A_75 : i32
      %jit3A_77 = arith.constant 2 : i32
      %eq3A_78 = arith.constant 0 : i32
      %eq3A_79 = arith.cmpi eq, %jit3A_77, %eq3A_78 : i32
      %jit3A_80 = arith.constant 1 : i32
      %select_n3A_81 = arith.select %eq3A_79, %jit3A_80, %jit3A_77 : i32
      %rem3A_82 = arith.remsi %add3A_76, %select_n3A_81 : i32
      %ne3A_83 = arith.constant 0 : i32
      %ne3A_84 = arith.cmpi ne, %rem3A_82, %ne3A_83 : i32
      %lt3A_85 = arith.constant 0 : i32
      %lt3A_86 = arith.cmpi slt, %rem3A_82, %lt3A_85 : i32
      %lt3A_87 = arith.constant 0 : i32
      %lt3A_88 = arith.cmpi slt, %select_n3A_81, %lt3A_87 : i32
      %ne3A_89 = arith.xori %lt3A_86, %lt3A_88 : i1
      %and3A_90 = arith.andi %ne3A_89, %ne3A_84 : i1
      %add3A_91 = arith.addi %rem3A_82, %select_n3A_81 : i32
      %select_n3A_92 = arith.select %and3A_90, %add3A_91, %rem3A_82 : i32
      %ge3A = arith.constant 1 : i32
      %ge3A_93 = arith.cmpi sge, %scan3A_65, %ge3A : i32
      %convert_element_type3A = arith.extui %ge3A_93 : i1 to i32
      %cond3A = arith.constant 0 : i32
      %cond3A_94 = arith.cmpi ne, %convert_element_type3A, %cond3A : i32
      scf.if %cond3A_94 {
        %dma_wait3A_127 = arith.constant 0 : i32
        %dma_wait3A_128 = arith.constant 0 : i32
        %dma_wait3A_129 = arith.constant 0 : i32
        %dma_wait3A_130 = tpu.memref_slice %arg10[%select_n3A_92, %dma_wait3A_128, %dma_wait3A_129] : memref<2x128x128xf32, #tpu.memory_space<vmem>> -> memref<1x128x128xf32, #tpu.memory_space<vmem>>
        %dma_wait3A_131 = tpu.memref_squeeze %dma_wait3A_130 : memref<1x128x128xf32, #tpu.memory_space<vmem>> -> memref<128x128xf32, #tpu.memory_space<vmem>>
        %dma_wait3A_132 = arith.constant 0 : i32
        %dma_wait3A_133 = tpu.memref_slice %arg8[%dma_wait3A_127, %dma_wait3A_132] : memref<80x128xi32, #tpu.memory_space<vmem>> -> memref<1x128xi32, #tpu.memory_space<vmem>>
        %dma_wait3A_134 = tpu.memref_squeeze %dma_wait3A_133 : memref<1x128xi32, #tpu.memory_space<vmem>> -> memref<128xi32, #tpu.memory_space<vmem>>
        %dma_wait3A_135 = arith.constant 0 : i32
        %dma_wait3A_136 = arith.constant 0 : i32
        %dma_wait3A_137 = tpu.memref_slice %arg2[%dma_wait3A_135, %dma_wait3A_136] : memref<10240x128xf32, #tpu.memory_space<hbm>> -> memref<10240x128xf32, #tpu.memory_space<hbm>>
        tpu.wait_indirect_dma semaphore(%arg12 : memref<!tpu.dma_semaphore, #tpu.memory_space<semaphore_mem>>) src(%dma_wait3A_137 : memref<10240x128xf32, #tpu.memory_space<hbm>>) dst(%dma_wait3A_131 : memref<128x128xf32, #tpu.memory_space<vmem>>)
      } else {
      }
      %add3A_95 = arith.constant 1 : i32
      %add3A_96 = arith.addi %scan3A_65, %add3A_95 : i32
      %lt3A_97 = arith.constant 80 : i32
      %lt3A_98 = arith.cmpi slt, %add3A_96, %lt3A_97 : i32
      %convert_element_type3A_99 = arith.extui %lt3A_98 : i1 to i32
      %cond3A_100 = arith.constant 0 : i32
      %cond3A_101 = arith.cmpi ne, %convert_element_type3A_99, %cond3A_100 : i32
      scf.if %cond3A_101 {
        %add3A_127 = arith.constant 1 : i32
        %add3A_128 = arith.addi %scan3A_65, %add3A_127 : i32
        %dma_start3A_129 = arith.constant 0 : i32
        %dma_start3A_130 = arith.constant 0 : i32
        %dma_start3A_131 = tpu.memref_slice %arg10[%select_n3A_92, %dma_start3A_129, %dma_start3A_130] : memref<2x128x128xf32, #tpu.memory_space<vmem>> -> memref<1x128x128xf32, #tpu.memory_space<vmem>>
        %dma_start3A_132 = tpu.memref_squeeze %dma_start3A_131 : memref<1x128x128xf32, #tpu.memory_space<vmem>> -> memref<128x128xf32, #tpu.memory_space<vmem>>
        %dma_start3A_133 = arith.constant 0 : i32
        %dma_start3A_134 = tpu.memref_slice %arg8[%add3A_128, %dma_start3A_133] : memref<80x128xi32, #tpu.memory_space<vmem>> -> memref<1x128xi32, #tpu.memory_space<vmem>>
        %dma_start3A_135 = tpu.memref_squeeze %dma_start3A_134 : memref<1x128xi32, #tpu.memory_space<vmem>> -> memref<128xi32, #tpu.memory_space<vmem>>
        %dma_start3A_136 = arith.constant 0 : i32
        %dma_start3A_137 = arith.constant 0 : i32
        %dma_start3A_138 = tpu.memref_slice %arg2[%dma_start3A_136, %dma_start3A_137] : memref<10240x128xf32, #tpu.memory_space<hbm>> -> memref<10240x128xf32, #tpu.memory_space<hbm>>
        tpu.enqueue_indirect_dma source(%dma_start3A_138 : memref<10240x128xf32, #tpu.memory_space<hbm>>) target(%dma_start3A_132 : memref<128x128xf32, #tpu.memory_space<vmem>>) offsets(%dma_start3A_135 : memref<128xi32, #tpu.memory_space<vmem>>) semaphore(%arg11 : memref<!tpu.dma_semaphore, #tpu.memory_space<semaphore_mem>>)
        %mul3A_139 = arith.constant 80 : i32
        %mul3A_140 = arith.muli %add3A, %mul3A_139 : i32
        %add3A_141 = arith.addi %mul3A_140, %scan3A_65 : i32
        %add3A_142 = arith.constant 1 : i32
        %add3A_143 = arith.addi %add3A_141, %add3A_142 : i32
        %mul3A_144 = arith.constant 128 : i32
        %mul3A_145 = arith.muli %add3A_143, %mul3A_144 : i32
        %dma_start3A_146 = arith.constant 0 : i32
        %dma_start3A_147 = tpu.memref_slice %arg9[%select_n3A_92, %dma_start3A_146] : memref<2x128xi32, #tpu.memory_space<vmem>> -> memref<1x128xi32, #tpu.memory_space<vmem>>
        %dma_start3A_148 = tpu.memref_squeeze %dma_start3A_147 : memref<1x128xi32, #tpu.memory_space<vmem>> -> memref<128xi32, #tpu.memory_space<vmem>>
        %dma_start3A_149 = tpu.memref_slice %arg4[%mul3A_145] : memref<327680xi32, #tpu.memory_space<hbm>> -> memref<128xi32, #tpu.memory_space<hbm>>
        %dma_start3A_150 = arith.constant 0 : i32
        %dma_start3A_151 = tpu.memref_slice %arg9[%select_n3A_92, %dma_start3A_150] : memref<2x128xi32, #tpu.memory_space<vmem>> -> memref<1x128xi32, #tpu.memory_space<vmem>>
        %dma_start3A_152 = tpu.memref_squeeze %dma_start3A_151 : memref<1x128xi32, #tpu.memory_space<vmem>> -> memref<128xi32, #tpu.memory_space<vmem>>
        %dma_start3A_153 = tpu.memref_slice %arg4[%mul3A_145] : memref<327680xi32, #tpu.memory_space<hbm>> -> memref<128xi32, #tpu.memory_space<hbm>>
        tpu.enqueue_dma source(%dma_start3A_153 : memref<128xi32, #tpu.memory_space<hbm>>) target(%dma_start3A_152 : memref<128xi32, #tpu.memory_space<vmem>>) target_semaphore(%arg13 : memref<!tpu.dma_semaphore, #tpu.memory_space<semaphore_mem>>)
      } else {
      }
      %dma_wait3A_102 = arith.constant 0 : i32
      %dma_wait3A_103 = arith.constant 0 : i32
      %dma_wait3A_104 = tpu.memref_slice %arg10[%select_n3A_74, %dma_wait3A_102, %dma_wait3A_103] : memref<2x128x128xf32, #tpu.memory_space<vmem>> -> memref<1x128x128xf32, #tpu.memory_space<vmem>>
      %dma_wait3A_105 = tpu.memref_squeeze %dma_wait3A_104 : memref<1x128x128xf32, #tpu.memory_space<vmem>> -> memref<128x128xf32, #tpu.memory_space<vmem>>
      %dma_wait3A_106 = arith.constant 0 : i32
      %dma_wait3A_107 = tpu.memref_slice %arg8[%scan3A_65, %dma_wait3A_106] : memref<80x128xi32, #tpu.memory_space<vmem>> -> memref<1x128xi32, #tpu.memory_space<vmem>>
      %dma_wait3A_108 = tpu.memref_squeeze %dma_wait3A_107 : memref<1x128xi32, #tpu.memory_space<vmem>> -> memref<128xi32, #tpu.memory_space<vmem>>
      %dma_wait3A_109 = arith.constant 0 : i32
      %dma_wait3A_110 = arith.constant 0 : i32
      %dma_wait3A_111 = tpu.memref_slice %arg2[%dma_wait3A_109, %dma_wait3A_110] : memref<10240x128xf32, #tpu.memory_space<hbm>> -> memref<10240x128xf32, #tpu.memory_space<hbm>>
      tpu.wait_indirect_dma semaphore(%arg11 : memref<!tpu.dma_semaphore, #tpu.memory_space<semaphore_mem>>) src(%dma_wait3A_111 : memref<10240x128xf32, #tpu.memory_space<hbm>>) dst(%dma_wait3A_105 : memref<128x128xf32, #tpu.memory_space<vmem>>)
      %ge3A_112 = arith.constant 1 : i32
      %ge3A_113 = arith.cmpi sge, %scan3A_65, %ge3A_112 : i32
      %convert_element_type3A_114 = arith.extui %ge3A_113 : i1 to i32
      %cond3A_115 = arith.constant 0 : i32
      %cond3A_116 = arith.cmpi ne, %convert_element_type3A_114, %cond3A_115 : i32
      scf.if %cond3A_116 {
        %mul3A_127 = arith.constant 80 : i32
        %mul3A_128 = arith.muli %add3A, %mul3A_127 : i32
        %mul3A_129 = arith.constant 128 : i32
        %mul3A_130 = arith.muli %mul3A_128, %mul3A_129 : i32
        %dma_wait3A_131 = arith.constant 0 : i32
        %dma_wait3A_132 = tpu.memref_slice %arg9[%select_n3A_74, %dma_wait3A_131] : memref<2x128xi32, #tpu.memory_space<vmem>> -> memref<1x128xi32, #tpu.memory_space<vmem>>
        %dma_wait3A_133 = tpu.memref_squeeze %dma_wait3A_132 : memref<1x128xi32, #tpu.memory_space<vmem>> -> memref<128xi32, #tpu.memory_space<vmem>>
        %dma_wait3A_134 = tpu.memref_slice %arg4[%mul3A_130] : memref<327680xi32, #tpu.memory_space<hbm>> -> memref<128xi32, #tpu.memory_space<hbm>>
        %dma_wait3A_135 = arith.constant 0 : i32
        %dma_wait3A_136 = tpu.memref_slice %arg9[%select_n3A_74, %dma_wait3A_135] : memref<2x128xi32, #tpu.memory_space<vmem>> -> memref<1x128xi32, #tpu.memory_space<vmem>>
        %dma_wait3A_137 = tpu.memref_squeeze %dma_wait3A_136 : memref<1x128xi32, #tpu.memory_space<vmem>> -> memref<128xi32, #tpu.memory_space<vmem>>
        %dma_wait3A_138 = tpu.memref_slice %arg4[%mul3A_130] : memref<327680xi32, #tpu.memory_space<hbm>> -> memref<128xi32, #tpu.memory_space<hbm>>
        tpu.wait_dma2 semaphore(%arg13 : memref<!tpu.dma_semaphore, #tpu.memory_space<semaphore_mem>>) src(%dma_wait3A_138 : memref<128xi32, #tpu.memory_space<hbm>>) dst(%dma_wait3A_137 : memref<128xi32, #tpu.memory_space<vmem>>)
      } else {
      }
      %dma_start3A_117 = arith.constant 0 : i32
      %dma_start3A_118 = arith.constant 0 : i32
      %dma_start3A_119 = tpu.memref_slice %arg10[%select_n3A_74, %dma_start3A_117, %dma_start3A_118] : memref<2x128x128xf32, #tpu.memory_space<vmem>> -> memref<1x128x128xf32, #tpu.memory_space<vmem>>
      %dma_start3A_120 = tpu.memref_squeeze %dma_start3A_119 : memref<1x128x128xf32, #tpu.memory_space<vmem>> -> memref<128x128xf32, #tpu.memory_space<vmem>>
      %dma_start3A_121 = arith.constant 0 : i32
      %dma_start3A_122 = tpu.memref_slice %arg9[%select_n3A_74, %dma_start3A_121] : memref<2x128xi32, #tpu.memory_space<vmem>> -> memref<1x128xi32, #tpu.memory_space<vmem>>
      %dma_start3A_123 = tpu.memref_squeeze %dma_start3A_122 : memref<1x128xi32, #tpu.memory_space<vmem>> -> memref<128xi32, #tpu.memory_space<vmem>>
      %dma_start3A_124 = arith.constant 0 : i32
      %dma_start3A_125 = arith.constant 0 : i32
      %dma_start3A_126 = tpu.memref_slice %arg7[%dma_start3A_124, %dma_start3A_125] : memref<10240x128xf32, #tpu.memory_space<vmem_shared>> -> memref<10240x128xf32, #tpu.memory_space<vmem_shared>>
      tpu.enqueue_indirect_dma source(%dma_start3A_120 : memref<128x128xf32, #tpu.memory_space<vmem>>) target(%dma_start3A_126 : memref<10240x128xf32, #tpu.memory_space<vmem_shared>>) offsets(%dma_start3A_123 : memref<128xi32, #tpu.memory_space<vmem>>) semaphore(%arg12 : memref<!tpu.dma_semaphore, #tpu.memory_space<semaphore_mem>>) {add = true}
    }
    %scan3A_48 = arith.constant 80 : i32
    %dma_wait3A = arith.constant 0 : i32
    %dma_wait3A_49 = arith.constant 1 : i32
    %dma_wait3A_50 = arith.constant 0 : i32
    %dma_wait3A_51 = arith.constant 0 : i32
    %dma_wait3A_52 = tpu.memref_slice %arg10[%dma_wait3A_49, %dma_wait3A_50, %dma_wait3A_51] : memref<2x128x128xf32, #tpu.memory_space<vmem>> -> memref<1x128x128xf32, #tpu.memory_space<vmem>>
    %dma_wait3A_53 = tpu.memref_squeeze %dma_wait3A_52 : memref<1x128x128xf32, #tpu.memory_space<vmem>> -> memref<128x128xf32, #tpu.memory_space<vmem>>
    %dma_wait3A_54 = arith.constant 0 : i32
    %dma_wait3A_55 = tpu.memref_slice %arg8[%dma_wait3A, %dma_wait3A_54] : memref<80x128xi32, #tpu.memory_space<vmem>> -> memref<1x128xi32, #tpu.memory_space<vmem>>
    %dma_wait3A_56 = tpu.memref_squeeze %dma_wait3A_55 : memref<1x128xi32, #tpu.memory_space<vmem>> -> memref<128xi32, #tpu.memory_space<vmem>>
    %dma_wait3A_57 = arith.constant 0 : i32
    %dma_wait3A_58 = arith.constant 0 : i32
    %dma_wait3A_59 = tpu.memref_slice %arg2[%dma_wait3A_57, %dma_wait3A_58] : memref<10240x128xf32, #tpu.memory_space<hbm>> -> memref<10240x128xf32, #tpu.memory_space<hbm>>
    tpu.wait_indirect_dma semaphore(%arg12 : memref<!tpu.dma_semaphore, #tpu.memory_space<semaphore_mem>>) src(%dma_wait3A_59 : memref<10240x128xf32, #tpu.memory_space<hbm>>) dst(%dma_wait3A_53 : memref<128x128xf32, #tpu.memory_space<vmem>>)
    %barrier3A_60 = arith.constant 0 : index
    tpu.barrier barrier_id(%barrier3A_60)
    %mul3A_61 = arith.constant 640 : i32
    %mul3A_62 = arith.muli %arg1, %mul3A_61 : i32
    %mul3A_63 = arith.constant 640 : i32
    %mul3A_64 = arith.muli %arg1, %mul3A_63 : i32
    "tpu.region"() ({
      %run_scoped3A_65 = tpu.sem_alloc : memref<!tpu.dma_semaphore, #tpu.memory_space<semaphore_mem>>
      %dma_start3A_66 = arith.constant 0 : i32
      %dma_start3A_67 = tpu.memref_slice %arg6[%arg0, %mul3A_64, %dma_start3A_66] : memref<2x10240x128xf32, #tpu.memory_space<hbm>> -> memref<1x640x128xf32, #tpu.memory_space<hbm>>
      %dma_start3A_68 = tpu.memref_squeeze %dma_start3A_67 : memref<1x640x128xf32, #tpu.memory_space<hbm>> -> memref<640x128xf32, #tpu.memory_space<hbm>>
      %dma_start3A_69 = arith.constant 0 : i32
      %dma_start3A_70 = tpu.memref_slice %arg7[%mul3A_62, %dma_start3A_69] : memref<10240x128xf32, #tpu.memory_space<vmem_shared>> -> memref<640x128xf32, #tpu.memory_space<vmem_shared>>
      tpu.enqueue_dma source(%dma_start3A_70 : memref<640x128xf32, #tpu.memory_space<vmem_shared>>) target(%dma_start3A_68 : memref<640x128xf32, #tpu.memory_space<hbm>>) target_semaphore(%run_scoped3A_65 : memref<!tpu.dma_semaphore, #tpu.memory_space<semaphore_mem>>)
      %dma_wait3A_71 = arith.constant 0 : i32
      %dma_wait3A_72 = tpu.memref_slice %arg6[%arg0, %mul3A_64, %dma_wait3A_71] : memref<2x10240x128xf32, #tpu.memory_space<hbm>> -> memref<1x640x128xf32, #tpu.memory_space<hbm>>
      %dma_wait3A_73 = tpu.memref_squeeze %dma_wait3A_72 : memref<1x640x128xf32, #tpu.memory_space<hbm>> -> memref<640x128xf32, #tpu.memory_space<hbm>>
      %dma_wait3A_74 = arith.constant 0 : i32
      %dma_wait3A_75 = tpu.memref_slice %arg7[%mul3A_62, %dma_wait3A_74] : memref<10240x128xf32, #tpu.memory_space<vmem_shared>> -> memref<640x128xf32, #tpu.memory_space<vmem_shared>>
      tpu.wait_dma2 semaphore(%run_scoped3A_65 : memref<!tpu.dma_semaphore, #tpu.memory_space<semaphore_mem>>) src(%dma_wait3A_75 : memref<640x128xf32, #tpu.memory_space<vmem_shared>>) dst(%dma_wait3A_73 : memref<640x128xf32, #tpu.memory_space<hbm>>)
      tpu.yield
    }) : () -> ()
    return
  }
}

#map = affine_map<(d0, d1) -> (0, 0)>
#map1 = affine_map<(d0, d1) -> (0)>
module attributes {stable_mosaic.version = 14 : i64} {
  func.func @_deg_body(%arg0: i32, %arg1: i32, %arg2: memref<2560x128xi32, #tpu.memory_space<hbm>>, %arg3: memref<128xf32, #tpu.memory_space<hbm>>, %arg4: memref<640xf32, #tpu.memory_space<hbm>>, %arg5: memref<20480xf32, #tpu.memory_space<hbm>>, %arg6: memref<10240xf32, #tpu.memory_space<vmem_shared>>, %arg7: memref<80x128xi32, #tpu.memory_space<vmem>>, %arg8: memref<128xf32, #tpu.memory_space<vmem>>) attributes {dimension_semantics = [#tpu.dimension_semantics<core_parallel>, #tpu.dimension_semantics<subcore_parallel>], iteration_bounds = array<i64: 2, 16>, scalar_prefetch = 0 : i64, scratch_operands = 3 : i64, tpu.core_type = #tpu.core_type<sc_vector_subcore>, window_params = [{transform_indices = #map}, {transform_indices = #map1}, {transform_indices = #map1}, {transform_indices = #map1}]} {
    %mul3A = arith.constant 16 : i32
    %mul3A_0 = arith.muli %arg0, %mul3A : i32
    %add3A = arith.addi %mul3A_0, %arg1 : i32
    %mul3A_1 = arith.constant 640 : i32
    %mul3A_2 = arith.muli %arg1, %mul3A_1 : i32
    "tpu.region"() ({
      %run_scoped3A = tpu.sem_alloc : memref<!tpu.dma_semaphore, #tpu.memory_space<semaphore_mem>>
      %dma_start3A = tpu.memref_slice %arg6[%mul3A_2] : memref<10240xf32, #tpu.memory_space<vmem_shared>> -> memref<640xf32, #tpu.memory_space<vmem_shared>>
      tpu.enqueue_dma source(%arg4 : memref<640xf32, #tpu.memory_space<hbm>>) target(%dma_start3A : memref<640xf32, #tpu.memory_space<vmem_shared>>) target_semaphore(%run_scoped3A : memref<!tpu.dma_semaphore, #tpu.memory_space<semaphore_mem>>)
      %dma_wait3A = tpu.memref_slice %arg6[%mul3A_2] : memref<10240xf32, #tpu.memory_space<vmem_shared>> -> memref<640xf32, #tpu.memory_space<vmem_shared>>
      tpu.wait_dma2 semaphore(%run_scoped3A : memref<!tpu.dma_semaphore, #tpu.memory_space<semaphore_mem>>) src(%arg4 : memref<640xf32, #tpu.memory_space<hbm>>) dst(%dma_wait3A : memref<640xf32, #tpu.memory_space<vmem_shared>>)
      tpu.yield
    }) : () -> ()
    "tpu.region"() ({
      %run_scoped3A = tpu.sem_alloc : memref<!tpu.dma_semaphore, #tpu.memory_space<semaphore_mem>>
      tpu.enqueue_dma source(%arg3 : memref<128xf32, #tpu.memory_space<hbm>>) target(%arg8 : memref<128xf32, #tpu.memory_space<vmem>>) target_semaphore(%run_scoped3A : memref<!tpu.dma_semaphore, #tpu.memory_space<semaphore_mem>>)
      tpu.wait_dma2 semaphore(%run_scoped3A : memref<!tpu.dma_semaphore, #tpu.memory_space<semaphore_mem>>) src(%arg3 : memref<128xf32, #tpu.memory_space<hbm>>) dst(%arg8 : memref<128xf32, #tpu.memory_space<vmem>>)
      tpu.yield
    }) : () -> ()
    %mul3A_3 = arith.constant 80 : i32
    %mul3A_4 = arith.muli %add3A, %mul3A_3 : i32
    "tpu.region"() ({
      %run_scoped3A = tpu.sem_alloc : memref<!tpu.dma_semaphore, #tpu.memory_space<semaphore_mem>>
      %dma_start3A = arith.constant 0 : i32
      %dma_start3A_18 = tpu.memref_slice %arg2[%mul3A_4, %dma_start3A] : memref<2560x128xi32, #tpu.memory_space<hbm>> -> memref<80x128xi32, #tpu.memory_space<hbm>>
      %dma_start3A_19 = arith.constant 0 : i32
      %dma_start3A_20 = tpu.memref_slice %arg2[%mul3A_4, %dma_start3A_19] : memref<2560x128xi32, #tpu.memory_space<hbm>> -> memref<80x128xi32, #tpu.memory_space<hbm>>
      tpu.enqueue_dma source(%dma_start3A_20 : memref<80x128xi32, #tpu.memory_space<hbm>>) target(%arg7 : memref<80x128xi32, #tpu.memory_space<vmem>>) target_semaphore(%run_scoped3A : memref<!tpu.dma_semaphore, #tpu.memory_space<semaphore_mem>>)
      %dma_wait3A = arith.constant 0 : i32
      %dma_wait3A_21 = tpu.memref_slice %arg2[%mul3A_4, %dma_wait3A] : memref<2560x128xi32, #tpu.memory_space<hbm>> -> memref<80x128xi32, #tpu.memory_space<hbm>>
      %dma_wait3A_22 = arith.constant 0 : i32
      %dma_wait3A_23 = tpu.memref_slice %arg2[%mul3A_4, %dma_wait3A_22] : memref<2560x128xi32, #tpu.memory_space<hbm>> -> memref<80x128xi32, #tpu.memory_space<hbm>>
      tpu.wait_dma2 semaphore(%run_scoped3A : memref<!tpu.dma_semaphore, #tpu.memory_space<semaphore_mem>>) src(%dma_wait3A_23 : memref<80x128xi32, #tpu.memory_space<hbm>>) dst(%arg7 : memref<80x128xi32, #tpu.memory_space<vmem>>)
      tpu.yield
    }) : () -> ()
    %barrier3A = arith.constant 0 : index
    tpu.barrier barrier_id(%barrier3A)
    %scan3A = arith.constant 0 : i32
    %scan3A_5 = arith.constant 0 : i32
    %scan3A_6 = arith.constant 80 : i32
    %scan3A_7 = arith.addi %scan3A_5, %scan3A_6 : i32
    %scan3A_8 = arith.constant 1 : i32
    scf.for %scan3A_18 = %scan3A_5 to %scan3A_7 step %scan3A_8  : i32 {
      "tpu.region"() ({
        %run_scoped3A = tpu.sem_alloc : memref<!tpu.dma_semaphore, #tpu.memory_space<semaphore_mem>>
        %dma_start3A = arith.constant 0 : i32
        %dma_start3A_19 = tpu.memref_slice %arg7[%scan3A_18, %dma_start3A] : memref<80x128xi32, #tpu.memory_space<vmem>> -> memref<1x128xi32, #tpu.memory_space<vmem>>
        %dma_start3A_20 = tpu.memref_squeeze %dma_start3A_19 : memref<1x128xi32, #tpu.memory_space<vmem>> -> memref<128xi32, #tpu.memory_space<vmem>>
        %dma_start3A_21 = arith.constant 0 : i32
        %dma_start3A_22 = tpu.memref_slice %arg6[%dma_start3A_21] : memref<10240xf32, #tpu.memory_space<vmem_shared>> -> memref<10240xf32, #tpu.memory_space<vmem_shared>>
        tpu.enqueue_indirect_dma source(%arg8 : memref<128xf32, #tpu.memory_space<vmem>>) target(%dma_start3A_22 : memref<10240xf32, #tpu.memory_space<vmem_shared>>) offsets(%dma_start3A_20 : memref<128xi32, #tpu.memory_space<vmem>>) semaphore(%run_scoped3A : memref<!tpu.dma_semaphore, #tpu.memory_space<semaphore_mem>>) {add = true}
        %dma_wait3A = arith.constant 0 : i32
        %dma_wait3A_23 = tpu.memref_slice %arg7[%scan3A_18, %dma_wait3A] : memref<80x128xi32, #tpu.memory_space<vmem>> -> memref<1x128xi32, #tpu.memory_space<vmem>>
        %dma_wait3A_24 = tpu.memref_squeeze %dma_wait3A_23 : memref<1x128xi32, #tpu.memory_space<vmem>> -> memref<128xi32, #tpu.memory_space<vmem>>
        %dma_wait3A_25 = arith.constant 0 : i32
        %dma_wait3A_26 = tpu.memref_slice %arg6[%dma_wait3A_25] : memref<10240xf32, #tpu.memory_space<vmem_shared>> -> memref<10240xf32, #tpu.memory_space<vmem_shared>>
        tpu.wait_indirect_dma semaphore(%run_scoped3A : memref<!tpu.dma_semaphore, #tpu.memory_space<semaphore_mem>>) src(%arg8 : memref<128xf32, #tpu.memory_space<vmem>>) dst(%dma_wait3A_26 : memref<10240xf32, #tpu.memory_space<vmem_shared>>)
        tpu.yield
      }) : () -> ()
    }
    %scan3A_9 = arith.constant 80 : i32
    %barrier3A_10 = arith.constant 0 : index
    tpu.barrier barrier_id(%barrier3A_10)
    %mul3A_11 = arith.constant 640 : i32
    %mul3A_12 = arith.muli %arg1, %mul3A_11 : i32
    %mul3A_13 = arith.constant 10240 : i32
    %mul3A_14 = arith.muli %arg0, %mul3A_13 : i32
    %mul3A_15 = arith.constant 640 : i32
    %mul3A_16 = arith.muli %arg1, %mul3A_15 : i32
    %add3A_17 = arith.addi %mul3A_14, %mul3A_16 : i32
    "tpu.region"() ({
      %run_scoped3A = tpu.sem_alloc : memref<!tpu.dma_semaphore, #tpu.memory_space<semaphore_mem>>
      %dma_start3A = tpu.memref_slice %arg5[%add3A_17] : memref<20480xf32, #tpu.memory_space<hbm>> -> memref<640xf32, #tpu.memory_space<hbm>>
      %dma_start3A_18 = tpu.memref_slice %arg6[%mul3A_12] : memref<10240xf32, #tpu.memory_space<vmem_shared>> -> memref<640xf32, #tpu.memory_space<vmem_shared>>
      tpu.enqueue_dma source(%dma_start3A_18 : memref<640xf32, #tpu.memory_space<vmem_shared>>) target(%dma_start3A : memref<640xf32, #tpu.memory_space<hbm>>) target_semaphore(%run_scoped3A : memref<!tpu.dma_semaphore, #tpu.memory_space<semaphore_mem>>)
      %dma_wait3A = tpu.memref_slice %arg5[%add3A_17] : memref<20480xf32, #tpu.memory_space<hbm>> -> memref<640xf32, #tpu.memory_space<hbm>>
      %dma_wait3A_19 = tpu.memref_slice %arg6[%mul3A_12] : memref<10240xf32, #tpu.memory_space<vmem_shared>> -> memref<640xf32, #tpu.memory_space<vmem_shared>>
      tpu.wait_dma2 semaphore(%run_scoped3A : memref<!tpu.dma_semaphore, #tpu.memory_space<semaphore_mem>>) src(%dma_wait3A_19 : memref<640xf32, #tpu.memory_space<vmem_shared>>) dst(%dma_wait3A : memref<640xf32, #tpu.memory_space<hbm>>)
      tpu.yield
    }) : () -> ()
    return
  }
}

#map = affine_map<(d0, d1) -> (0, 0)>
#map1 = affine_map<(d0, d1) -> (0)>
#map2 = affine_map<(d0, d1) -> (0, 0, 0)>
module attributes {stable_mosaic.version = 14 : i64} {
  func.func @_edge_body(%arg0: i32, %arg1: i32, %arg2: memref<10240x128xf32, #tpu.memory_space<hbm>>, %arg3: memref<2560x128xi32, #tpu.memory_space<hbm>>, %arg4: memref<327680xi32, #tpu.memory_space<hbm>>, %arg5: memref<128x128xf32, #tpu.memory_space<hbm>>, %arg6: memref<2x10240x128xf32, #tpu.memory_space<hbm>>, %arg7: memref<10240x128xf32, #tpu.memory_space<vmem_shared>>, %arg8: memref<80x128xi32, #tpu.memory_space<vmem>>, %arg9: memref<2x128xi32, #tpu.memory_space<vmem>>, %arg10: memref<2x128x128xf32, #tpu.memory_space<vmem>>, %arg11: memref<!tpu.dma_semaphore, #tpu.memory_space<semaphore_mem>>, %arg12: memref<!tpu.dma_semaphore, #tpu.memory_space<semaphore_mem>>, %arg13: memref<!tpu.dma_semaphore, #tpu.memory_space<semaphore_mem>>) attributes {dimension_semantics = [#tpu.dimension_semantics<core_parallel>, #tpu.dimension_semantics<subcore_parallel>], iteration_bounds = array<i64: 2, 16>, scalar_prefetch = 0 : i64, scratch_operands = 7 : i64, tpu.core_type = #tpu.core_type<sc_vector_subcore>, window_params = [{transform_indices = #map}, {transform_indices = #map}, {transform_indices = #map1}, {transform_indices = #map}, {transform_indices = #map2}]} {
    %mul3A = arith.constant 16 : i32
    %mul3A_0 = arith.muli %arg0, %mul3A : i32
    %add3A = arith.addi %mul3A_0, %arg1 : i32
    %run_scoped3A = arith.constant 0 : i32
    "tpu.region"() ({
      %run_scoped3A_65 = tpu.sem_alloc : memref<!tpu.dma_semaphore, #tpu.memory_space<semaphore_mem>>
      %dma_start3A_66 = arith.constant 0 : i32
      %dma_start3A_67 = arith.constant 0 : i32
      %dma_start3A_68 = tpu.memref_slice %arg10[%run_scoped3A, %dma_start3A_66, %dma_start3A_67] : memref<2x128x128xf32, #tpu.memory_space<vmem>> -> memref<1x128x128xf32, #tpu.memory_space<vmem>>
      %dma_start3A_69 = tpu.memref_squeeze %dma_start3A_68 : memref<1x128x128xf32, #tpu.memory_space<vmem>> -> memref<128x128xf32, #tpu.memory_space<vmem>>
      %dma_start3A_70 = arith.constant 0 : i32
      %dma_start3A_71 = arith.constant 0 : i32
      %dma_start3A_72 = tpu.memref_slice %arg10[%run_scoped3A, %dma_start3A_70, %dma_start3A_71] : memref<2x128x128xf32, #tpu.memory_space<vmem>> -> memref<1x128x128xf32, #tpu.memory_space<vmem>>
      %dma_start3A_73 = tpu.memref_squeeze %dma_start3A_72 : memref<1x128x128xf32, #tpu.memory_space<vmem>> -> memref<128x128xf32, #tpu.memory_space<vmem>>
      tpu.enqueue_dma source(%arg5 : memref<128x128xf32, #tpu.memory_space<hbm>>) target(%dma_start3A_73 : memref<128x128xf32, #tpu.memory_space<vmem>>) target_semaphore(%run_scoped3A_65 : memref<!tpu.dma_semaphore, #tpu.memory_space<semaphore_mem>>)
      %dma_wait3A_74 = arith.constant 0 : i32
      %dma_wait3A_75 = arith.constant 0 : i32
      %dma_wait3A_76 = tpu.memref_slice %arg10[%run_scoped3A, %dma_wait3A_74, %dma_wait3A_75] : memref<2x128x128xf32, #tpu.memory_space<vmem>> -> memref<1x128x128xf32, #tpu.memory_space<vmem>>
      %dma_wait3A_77 = tpu.memref_squeeze %dma_wait3A_76 : memref<1x128x128xf32, #tpu.memory_space<vmem>> -> memref<128x128xf32, #tpu.memory_space<vmem>>
      %dma_wait3A_78 = arith.constant 0 : i32
      %dma_wait3A_79 = arith.constant 0 : i32
      %dma_wait3A_80 = tpu.memref_slice %arg10[%run_scoped3A, %dma_wait3A_78, %dma_wait3A_79] : memref<2x128x128xf32, #tpu.memory_space<vmem>> -> memref<1x128x128xf32, #tpu.memory_space<vmem>>
      %dma_wait3A_81 = tpu.memref_squeeze %dma_wait3A_80 : memref<1x128x128xf32, #tpu.memory_space<vmem>> -> memref<128x128xf32, #tpu.memory_space<vmem>>
      tpu.wait_dma2 semaphore(%run_scoped3A_65 : memref<!tpu.dma_semaphore, #tpu.memory_space<semaphore_mem>>) src(%arg5 : memref<128x128xf32, #tpu.memory_space<hbm>>) dst(%dma_wait3A_81 : memref<128x128xf32, #tpu.memory_space<vmem>>)
      tpu.yield
    }) : () -> ()
    %mul3A_1 = arith.constant 640 : i32
    %mul3A_2 = arith.muli %arg1, %mul3A_1 : i32
    %add3A_3 = arith.constant 0 : i32
    %add3A_4 = arith.addi %mul3A_2, %add3A_3 : i32
    %run_scoped3A_5 = arith.constant 0 : i32
    "tpu.region"() ({
      %run_scoped3A_65 = tpu.sem_alloc : memref<!tpu.dma_semaphore, #tpu.memory_space<semaphore_mem>>
      %dma_start3A_66 = arith.constant 0 : i32
      %dma_start3A_67 = arith.constant 0 : i32
      %dma_start3A_68 = tpu.memref_slice %arg10[%run_scoped3A_5, %dma_start3A_66, %dma_start3A_67] : memref<2x128x128xf32, #tpu.memory_space<vmem>> -> memref<1x128x128xf32, #tpu.memory_space<vmem>>
      %dma_start3A_69 = tpu.memref_squeeze %dma_start3A_68 : memref<1x128x128xf32, #tpu.memory_space<vmem>> -> memref<128x128xf32, #tpu.memory_space<vmem>>
      %dma_start3A_70 = arith.constant 0 : i32
      %dma_start3A_71 = tpu.memref_slice %arg7[%add3A_4, %dma_start3A_70] : memref<10240x128xf32, #tpu.memory_space<vmem_shared>> -> memref<128x128xf32, #tpu.memory_space<vmem_shared>>
      %dma_start3A_72 = arith.constant 0 : i32
      %dma_start3A_73 = tpu.memref_slice %arg7[%add3A_4, %dma_start3A_72] : memref<10240x128xf32, #tpu.memory_space<vmem_shared>> -> memref<128x128xf32, #tpu.memory_space<vmem_shared>>
      %dma_start3A_74 = arith.constant 0 : i32
      %dma_start3A_75 = arith.constant 0 : i32
      %dma_start3A_76 = tpu.memref_slice %arg10[%run_scoped3A_5, %dma_start3A_74, %dma_start3A_75] : memref<2x128x128xf32, #tpu.memory_space<vmem>> -> memref<1x128x128xf32, #tpu.memory_space<vmem>>
      %dma_start3A_77 = tpu.memref_squeeze %dma_start3A_76 : memref<1x128x128xf32, #tpu.memory_space<vmem>> -> memref<128x128xf32, #tpu.memory_space<vmem>>
      tpu.enqueue_dma source(%dma_start3A_77 : memref<128x128xf32, #tpu.memory_space<vmem>>) target(%dma_start3A_73 : memref<128x128xf32, #tpu.memory_space<vmem_shared>>) target_semaphore(%run_scoped3A_65 : memref<!tpu.dma_semaphore, #tpu.memory_space<semaphore_mem>>)
      %dma_wait3A_78 = arith.constant 0 : i32
      %dma_wait3A_79 = arith.constant 0 : i32
      %dma_wait3A_80 = tpu.memref_slice %arg10[%run_scoped3A_5, %dma_wait3A_78, %dma_wait3A_79] : memref<2x128x128xf32, #tpu.memory_space<vmem>> -> memref<1x128x128xf32, #tpu.memory_space<vmem>>
      %dma_wait3A_81 = tpu.memref_squeeze %dma_wait3A_80 : memref<1x128x128xf32, #tpu.memory_space<vmem>> -> memref<128x128xf32, #tpu.memory_space<vmem>>
      %dma_wait3A_82 = arith.constant 0 : i32
      %dma_wait3A_83 = tpu.memref_slice %arg7[%add3A_4, %dma_wait3A_82] : memref<10240x128xf32, #tpu.memory_space<vmem_shared>> -> memref<128x128xf32, #tpu.memory_space<vmem_shared>>
      %dma_wait3A_84 = arith.constant 0 : i32
      %dma_wait3A_85 = tpu.memref_slice %arg7[%add3A_4, %dma_wait3A_84] : memref<10240x128xf32, #tpu.memory_space<vmem_shared>> -> memref<128x128xf32, #tpu.memory_space<vmem_shared>>
      %dma_wait3A_86 = arith.constant 0 : i32
      %dma_wait3A_87 = arith.constant 0 : i32
      %dma_wait3A_88 = tpu.memref_slice %arg10[%run_scoped3A_5, %dma_wait3A_86, %dma_wait3A_87] : memref<2x128x128xf32, #tpu.memory_space<vmem>> -> memref<1x128x128xf32, #tpu.memory_space<vmem>>
      %dma_wait3A_89 = tpu.memref_squeeze %dma_wait3A_88 : memref<1x128x128xf32, #tpu.memory_space<vmem>> -> memref<128x128xf32, #tpu.memory_space<vmem>>
      tpu.wait_dma2 semaphore(%run_scoped3A_65 : memref<!tpu.dma_semaphore, #tpu.memory_space<semaphore_mem>>) src(%dma_wait3A_89 : memref<128x128xf32, #tpu.memory_space<vmem>>) dst(%dma_wait3A_85 : memref<128x128xf32, #tpu.memory_space<vmem_shared>>)
      tpu.yield
    }) : () -> ()
    %mul3A_6 = arith.constant 640 : i32
    %mul3A_7 = arith.muli %arg1, %mul3A_6 : i32
    %add3A_8 = arith.constant 128 : i32
    %add3A_9 = arith.addi %mul3A_7, %add3A_8 : i32
    %run_scoped3A_10 = arith.constant 0 : i32
    "tpu.region"() ({
      %run_scoped3A_65 = tpu.sem_alloc : memref<!tpu.dma_semaphore, #tpu.memory_space<semaphore_mem>>
      %dma_start3A_66 = arith.constant 0 : i32
      %dma_start3A_67 = arith.constant 0 : i32
      %dma_start3A_68 = tpu.memref_slice %arg10[%run_scoped3A_10, %dma_start3A_66, %dma_start3A_67] : memref<2x128x128xf32, #tpu.memory_space<vmem>> -> memref<1x128x128xf32, #tpu.memory_space<vmem>>
      %dma_start3A_69 = tpu.memref_squeeze %dma_start3A_68 : memref<1x128x128xf32, #tpu.memory_space<vmem>> -> memref<128x128xf32, #tpu.memory_space<vmem>>
      %dma_start3A_70 = arith.constant 0 : i32
      %dma_start3A_71 = tpu.memref_slice %arg7[%add3A_9, %dma_start3A_70] : memref<10240x128xf32, #tpu.memory_space<vmem_shared>> -> memref<128x128xf32, #tpu.memory_space<vmem_shared>>
      %dma_start3A_72 = arith.constant 0 : i32
      %dma_start3A_73 = tpu.memref_slice %arg7[%add3A_9, %dma_start3A_72] : memref<10240x128xf32, #tpu.memory_space<vmem_shared>> -> memref<128x128xf32, #tpu.memory_space<vmem_shared>>
      %dma_start3A_74 = arith.constant 0 : i32
      %dma_start3A_75 = arith.constant 0 : i32
      %dma_start3A_76 = tpu.memref_slice %arg10[%run_scoped3A_10, %dma_start3A_74, %dma_start3A_75] : memref<2x128x128xf32, #tpu.memory_space<vmem>> -> memref<1x128x128xf32, #tpu.memory_space<vmem>>
      %dma_start3A_77 = tpu.memref_squeeze %dma_start3A_76 : memref<1x128x128xf32, #tpu.memory_space<vmem>> -> memref<128x128xf32, #tpu.memory_space<vmem>>
      tpu.enqueue_dma source(%dma_start3A_77 : memref<128x128xf32, #tpu.memory_space<vmem>>) target(%dma_start3A_73 : memref<128x128xf32, #tpu.memory_space<vmem_shared>>) target_semaphore(%run_scoped3A_65 : memref<!tpu.dma_semaphore, #tpu.memory_space<semaphore_mem>>)
      %dma_wait3A_78 = arith.constant 0 : i32
      %dma_wait3A_79 = arith.constant 0 : i32
      %dma_wait3A_80 = tpu.memref_slice %arg10[%run_scoped3A_10, %dma_wait3A_78, %dma_wait3A_79] : memref<2x128x128xf32, #tpu.memory_space<vmem>> -> memref<1x128x128xf32, #tpu.memory_space<vmem>>
      %dma_wait3A_81 = tpu.memref_squeeze %dma_wait3A_80 : memref<1x128x128xf32, #tpu.memory_space<vmem>> -> memref<128x128xf32, #tpu.memory_space<vmem>>
      %dma_wait3A_82 = arith.constant 0 : i32
      %dma_wait3A_83 = tpu.memref_slice %arg7[%add3A_9, %dma_wait3A_82] : memref<10240x128xf32, #tpu.memory_space<vmem_shared>> -> memref<128x128xf32, #tpu.memory_space<vmem_shared>>
      %dma_wait3A_84 = arith.constant 0 : i32
      %dma_wait3A_85 = tpu.memref_slice %arg7[%add3A_9, %dma_wait3A_84] : memref<10240x128xf32, #tpu.memory_space<vmem_shared>> -> memref<128x128xf32, #tpu.memory_space<vmem_shared>>
      %dma_wait3A_86 = arith.constant 0 : i32
      %dma_wait3A_87 = arith.constant 0 : i32
      %dma_wait3A_88 = tpu.memref_slice %arg10[%run_scoped3A_10, %dma_wait3A_86, %dma_wait3A_87] : memref<2x128x128xf32, #tpu.memory_space<vmem>> -> memref<1x128x128xf32, #tpu.memory_space<vmem>>
      %dma_wait3A_89 = tpu.memref_squeeze %dma_wait3A_88 : memref<1x128x128xf32, #tpu.memory_space<vmem>> -> memref<128x128xf32, #tpu.memory_space<vmem>>
      tpu.wait_dma2 semaphore(%run_scoped3A_65 : memref<!tpu.dma_semaphore, #tpu.memory_space<semaphore_mem>>) src(%dma_wait3A_89 : memref<128x128xf32, #tpu.memory_space<vmem>>) dst(%dma_wait3A_85 : memref<128x128xf32, #tpu.memory_space<vmem_shared>>)
      tpu.yield
    }) : () -> ()
    %mul3A_11 = arith.constant 640 : i32
    %mul3A_12 = arith.muli %arg1, %mul3A_11 : i32
    %add3A_13 = arith.constant 256 : i32
    %add3A_14 = arith.addi %mul3A_12, %add3A_13 : i32
    %run_scoped3A_15 = arith.constant 0 : i32
    "tpu.region"() ({
      %run_scoped3A_65 = tpu.sem_alloc : memref<!tpu.dma_semaphore, #tpu.memory_space<semaphore_mem>>
      %dma_start3A_66 = arith.constant 0 : i32
      %dma_start3A_67 = arith.constant 0 : i32
      %dma_start3A_68 = tpu.memref_slice %arg10[%run_scoped3A_15, %dma_start3A_66, %dma_start3A_67] : memref<2x128x128xf32, #tpu.memory_space<vmem>> -> memref<1x128x128xf32, #tpu.memory_space<vmem>>
      %dma_start3A_69 = tpu.memref_squeeze %dma_start3A_68 : memref<1x128x128xf32, #tpu.memory_space<vmem>> -> memref<128x128xf32, #tpu.memory_space<vmem>>
      %dma_start3A_70 = arith.constant 0 : i32
      %dma_start3A_71 = tpu.memref_slice %arg7[%add3A_14, %dma_start3A_70] : memref<10240x128xf32, #tpu.memory_space<vmem_shared>> -> memref<128x128xf32, #tpu.memory_space<vmem_shared>>
      %dma_start3A_72 = arith.constant 0 : i32
      %dma_start3A_73 = tpu.memref_slice %arg7[%add3A_14, %dma_start3A_72] : memref<10240x128xf32, #tpu.memory_space<vmem_shared>> -> memref<128x128xf32, #tpu.memory_space<vmem_shared>>
      %dma_start3A_74 = arith.constant 0 : i32
      %dma_start3A_75 = arith.constant 0 : i32
      %dma_start3A_76 = tpu.memref_slice %arg10[%run_scoped3A_15, %dma_start3A_74, %dma_start3A_75] : memref<2x128x128xf32, #tpu.memory_space<vmem>> -> memref<1x128x128xf32, #tpu.memory_space<vmem>>
      %dma_start3A_77 = tpu.memref_squeeze %dma_start3A_76 : memref<1x128x128xf32, #tpu.memory_space<vmem>> -> memref<128x128xf32, #tpu.memory_space<vmem>>
      tpu.enqueue_dma source(%dma_start3A_77 : memref<128x128xf32, #tpu.memory_space<vmem>>) target(%dma_start3A_73 : memref<128x128xf32, #tpu.memory_space<vmem_shared>>) target_semaphore(%run_scoped3A_65 : memref<!tpu.dma_semaphore, #tpu.memory_space<semaphore_mem>>)
      %dma_wait3A_78 = arith.constant 0 : i32
      %dma_wait3A_79 = arith.constant 0 : i32
      %dma_wait3A_80 = tpu.memref_slice %arg10[%run_scoped3A_15, %dma_wait3A_78, %dma_wait3A_79] : memref<2x128x128xf32, #tpu.memory_space<vmem>> -> memref<1x128x128xf32, #tpu.memory_space<vmem>>
      %dma_wait3A_81 = tpu.memref_squeeze %dma_wait3A_80 : memref<1x128x128xf32, #tpu.memory_space<vmem>> -> memref<128x128xf32, #tpu.memory_space<vmem>>
      %dma_wait3A_82 = arith.constant 0 : i32
      %dma_wait3A_83 = tpu.memref_slice %arg7[%add3A_14, %dma_wait3A_82] : memref<10240x128xf32, #tpu.memory_space<vmem_shared>> -> memref<128x128xf32, #tpu.memory_space<vmem_shared>>
      %dma_wait3A_84 = arith.constant 0 : i32
      %dma_wait3A_85 = tpu.memref_slice %arg7[%add3A_14, %dma_wait3A_84] : memref<10240x128xf32, #tpu.memory_space<vmem_shared>> -> memref<128x128xf32, #tpu.memory_space<vmem_shared>>
      %dma_wait3A_86 = arith.constant 0 : i32
      %dma_wait3A_87 = arith.constant 0 : i32
      %dma_wait3A_88 = tpu.memref_slice %arg10[%run_scoped3A_15, %dma_wait3A_86, %dma_wait3A_87] : memref<2x128x128xf32, #tpu.memory_space<vmem>> -> memref<1x128x128xf32, #tpu.memory_space<vmem>>
      %dma_wait3A_89 = tpu.memref_squeeze %dma_wait3A_88 : memref<1x128x128xf32, #tpu.memory_space<vmem>> -> memref<128x128xf32, #tpu.memory_space<vmem>>
      tpu.wait_dma2 semaphore(%run_scoped3A_65 : memref<!tpu.dma_semaphore, #tpu.memory_space<semaphore_mem>>) src(%dma_wait3A_89 : memref<128x128xf32, #tpu.memory_space<vmem>>) dst(%dma_wait3A_85 : memref<128x128xf32, #tpu.memory_space<vmem_shared>>)
      tpu.yield
    }) : () -> ()
    %mul3A_16 = arith.constant 640 : i32
    %mul3A_17 = arith.muli %arg1, %mul3A_16 : i32
    %add3A_18 = arith.constant 384 : i32
    %add3A_19 = arith.addi %mul3A_17, %add3A_18 : i32
    %run_scoped3A_20 = arith.constant 0 : i32
    "tpu.region"() ({
      %run_scoped3A_65 = tpu.sem_alloc : memref<!tpu.dma_semaphore, #tpu.memory_space<semaphore_mem>>
      %dma_start3A_66 = arith.constant 0 : i32
      %dma_start3A_67 = arith.constant 0 : i32
      %dma_start3A_68 = tpu.memref_slice %arg10[%run_scoped3A_20, %dma_start3A_66, %dma_start3A_67] : memref<2x128x128xf32, #tpu.memory_space<vmem>> -> memref<1x128x128xf32, #tpu.memory_space<vmem>>
      %dma_start3A_69 = tpu.memref_squeeze %dma_start3A_68 : memref<1x128x128xf32, #tpu.memory_space<vmem>> -> memref<128x128xf32, #tpu.memory_space<vmem>>
      %dma_start3A_70 = arith.constant 0 : i32
      %dma_start3A_71 = tpu.memref_slice %arg7[%add3A_19, %dma_start3A_70] : memref<10240x128xf32, #tpu.memory_space<vmem_shared>> -> memref<128x128xf32, #tpu.memory_space<vmem_shared>>
      %dma_start3A_72 = arith.constant 0 : i32
      %dma_start3A_73 = tpu.memref_slice %arg7[%add3A_19, %dma_start3A_72] : memref<10240x128xf32, #tpu.memory_space<vmem_shared>> -> memref<128x128xf32, #tpu.memory_space<vmem_shared>>
      %dma_start3A_74 = arith.constant 0 : i32
      %dma_start3A_75 = arith.constant 0 : i32
      %dma_start3A_76 = tpu.memref_slice %arg10[%run_scoped3A_20, %dma_start3A_74, %dma_start3A_75] : memref<2x128x128xf32, #tpu.memory_space<vmem>> -> memref<1x128x128xf32, #tpu.memory_space<vmem>>
      %dma_start3A_77 = tpu.memref_squeeze %dma_start3A_76 : memref<1x128x128xf32, #tpu.memory_space<vmem>> -> memref<128x128xf32, #tpu.memory_space<vmem>>
      tpu.enqueue_dma source(%dma_start3A_77 : memref<128x128xf32, #tpu.memory_space<vmem>>) target(%dma_start3A_73 : memref<128x128xf32, #tpu.memory_space<vmem_shared>>) target_semaphore(%run_scoped3A_65 : memref<!tpu.dma_semaphore, #tpu.memory_space<semaphore_mem>>)
      %dma_wait3A_78 = arith.constant 0 : i32
      %dma_wait3A_79 = arith.constant 0 : i32
      %dma_wait3A_80 = tpu.memref_slice %arg10[%run_scoped3A_20, %dma_wait3A_78, %dma_wait3A_79] : memref<2x128x128xf32, #tpu.memory_space<vmem>> -> memref<1x128x128xf32, #tpu.memory_space<vmem>>
      %dma_wait3A_81 = tpu.memref_squeeze %dma_wait3A_80 : memref<1x128x128xf32, #tpu.memory_space<vmem>> -> memref<128x128xf32, #tpu.memory_space<vmem>>
      %dma_wait3A_82 = arith.constant 0 : i32
      %dma_wait3A_83 = tpu.memref_slice %arg7[%add3A_19, %dma_wait3A_82] : memref<10240x128xf32, #tpu.memory_space<vmem_shared>> -> memref<128x128xf32, #tpu.memory_space<vmem_shared>>
      %dma_wait3A_84 = arith.constant 0 : i32
      %dma_wait3A_85 = tpu.memref_slice %arg7[%add3A_19, %dma_wait3A_84] : memref<10240x128xf32, #tpu.memory_space<vmem_shared>> -> memref<128x128xf32, #tpu.memory_space<vmem_shared>>
      %dma_wait3A_86 = arith.constant 0 : i32
      %dma_wait3A_87 = arith.constant 0 : i32
      %dma_wait3A_88 = tpu.memref_slice %arg10[%run_scoped3A_20, %dma_wait3A_86, %dma_wait3A_87] : memref<2x128x128xf32, #tpu.memory_space<vmem>> -> memref<1x128x128xf32, #tpu.memory_space<vmem>>
      %dma_wait3A_89 = tpu.memref_squeeze %dma_wait3A_88 : memref<1x128x128xf32, #tpu.memory_space<vmem>> -> memref<128x128xf32, #tpu.memory_space<vmem>>
      tpu.wait_dma2 semaphore(%run_scoped3A_65 : memref<!tpu.dma_semaphore, #tpu.memory_space<semaphore_mem>>) src(%dma_wait3A_89 : memref<128x128xf32, #tpu.memory_space<vmem>>) dst(%dma_wait3A_85 : memref<128x128xf32, #tpu.memory_space<vmem_shared>>)
      tpu.yield
    }) : () -> ()
    %mul3A_21 = arith.constant 640 : i32
    %mul3A_22 = arith.muli %arg1, %mul3A_21 : i32
    %add3A_23 = arith.constant 512 : i32
    %add3A_24 = arith.addi %mul3A_22, %add3A_23 : i32
    %run_scoped3A_25 = arith.constant 0 : i32
    "tpu.region"() ({
      %run_scoped3A_65 = tpu.sem_alloc : memref<!tpu.dma_semaphore, #tpu.memory_space<semaphore_mem>>
      %dma_start3A_66 = arith.constant 0 : i32
      %dma_start3A_67 = arith.constant 0 : i32
      %dma_start3A_68 = tpu.memref_slice %arg10[%run_scoped3A_25, %dma_start3A_66, %dma_start3A_67] : memref<2x128x128xf32, #tpu.memory_space<vmem>> -> memref<1x128x128xf32, #tpu.memory_space<vmem>>
      %dma_start3A_69 = tpu.memref_squeeze %dma_start3A_68 : memref<1x128x128xf32, #tpu.memory_space<vmem>> -> memref<128x128xf32, #tpu.memory_space<vmem>>
      %dma_start3A_70 = arith.constant 0 : i32
      %dma_start3A_71 = tpu.memref_slice %arg7[%add3A_24, %dma_start3A_70] : memref<10240x128xf32, #tpu.memory_space<vmem_shared>> -> memref<128x128xf32, #tpu.memory_space<vmem_shared>>
      %dma_start3A_72 = arith.constant 0 : i32
      %dma_start3A_73 = tpu.memref_slice %arg7[%add3A_24, %dma_start3A_72] : memref<10240x128xf32, #tpu.memory_space<vmem_shared>> -> memref<128x128xf32, #tpu.memory_space<vmem_shared>>
      %dma_start3A_74 = arith.constant 0 : i32
      %dma_start3A_75 = arith.constant 0 : i32
      %dma_start3A_76 = tpu.memref_slice %arg10[%run_scoped3A_25, %dma_start3A_74, %dma_start3A_75] : memref<2x128x128xf32, #tpu.memory_space<vmem>> -> memref<1x128x128xf32, #tpu.memory_space<vmem>>
      %dma_start3A_77 = tpu.memref_squeeze %dma_start3A_76 : memref<1x128x128xf32, #tpu.memory_space<vmem>> -> memref<128x128xf32, #tpu.memory_space<vmem>>
      tpu.enqueue_dma source(%dma_start3A_77 : memref<128x128xf32, #tpu.memory_space<vmem>>) target(%dma_start3A_73 : memref<128x128xf32, #tpu.memory_space<vmem_shared>>) target_semaphore(%run_scoped3A_65 : memref<!tpu.dma_semaphore, #tpu.memory_space<semaphore_mem>>)
      %dma_wait3A_78 = arith.constant 0 : i32
      %dma_wait3A_79 = arith.constant 0 : i32
      %dma_wait3A_80 = tpu.memref_slice %arg10[%run_scoped3A_25, %dma_wait3A_78, %dma_wait3A_79] : memref<2x128x128xf32, #tpu.memory_space<vmem>> -> memref<1x128x128xf32, #tpu.memory_space<vmem>>
      %dma_wait3A_81 = tpu.memref_squeeze %dma_wait3A_80 : memref<1x128x128xf32, #tpu.memory_space<vmem>> -> memref<128x128xf32, #tpu.memory_space<vmem>>
      %dma_wait3A_82 = arith.constant 0 : i32
      %dma_wait3A_83 = tpu.memref_slice %arg7[%add3A_24, %dma_wait3A_82] : memref<10240x128xf32, #tpu.memory_space<vmem_shared>> -> memref<128x128xf32, #tpu.memory_space<vmem_shared>>
      %dma_wait3A_84 = arith.constant 0 : i32
      %dma_wait3A_85 = tpu.memref_slice %arg7[%add3A_24, %dma_wait3A_84] : memref<10240x128xf32, #tpu.memory_space<vmem_shared>> -> memref<128x128xf32, #tpu.memory_space<vmem_shared>>
      %dma_wait3A_86 = arith.constant 0 : i32
      %dma_wait3A_87 = arith.constant 0 : i32
      %dma_wait3A_88 = tpu.memref_slice %arg10[%run_scoped3A_25, %dma_wait3A_86, %dma_wait3A_87] : memref<2x128x128xf32, #tpu.memory_space<vmem>> -> memref<1x128x128xf32, #tpu.memory_space<vmem>>
      %dma_wait3A_89 = tpu.memref_squeeze %dma_wait3A_88 : memref<1x128x128xf32, #tpu.memory_space<vmem>> -> memref<128x128xf32, #tpu.memory_space<vmem>>
      tpu.wait_dma2 semaphore(%run_scoped3A_65 : memref<!tpu.dma_semaphore, #tpu.memory_space<semaphore_mem>>) src(%dma_wait3A_89 : memref<128x128xf32, #tpu.memory_space<vmem>>) dst(%dma_wait3A_85 : memref<128x128xf32, #tpu.memory_space<vmem_shared>>)
      tpu.yield
    }) : () -> ()
    %mul3A_26 = arith.constant 80 : i32
    %mul3A_27 = arith.muli %add3A, %mul3A_26 : i32
    "tpu.region"() ({
      %run_scoped3A_65 = tpu.sem_alloc : memref<!tpu.dma_semaphore, #tpu.memory_space<semaphore_mem>>
      %dma_start3A_66 = arith.constant 0 : i32
      %dma_start3A_67 = tpu.memref_slice %arg3[%mul3A_27, %dma_start3A_66] : memref<2560x128xi32, #tpu.memory_space<hbm>> -> memref<80x128xi32, #tpu.memory_space<hbm>>
      %dma_start3A_68 = arith.constant 0 : i32
      %dma_start3A_69 = tpu.memref_slice %arg3[%mul3A_27, %dma_start3A_68] : memref<2560x128xi32, #tpu.memory_space<hbm>> -> memref<80x128xi32, #tpu.memory_space<hbm>>
      tpu.enqueue_dma source(%dma_start3A_69 : memref<80x128xi32, #tpu.memory_space<hbm>>) target(%arg8 : memref<80x128xi32, #tpu.memory_space<vmem>>) target_semaphore(%run_scoped3A_65 : memref<!tpu.dma_semaphore, #tpu.memory_space<semaphore_mem>>)
      %dma_wait3A_70 = arith.constant 0 : i32
      %dma_wait3A_71 = tpu.memref_slice %arg3[%mul3A_27, %dma_wait3A_70] : memref<2560x128xi32, #tpu.memory_space<hbm>> -> memref<80x128xi32, #tpu.memory_space<hbm>>
      %dma_wait3A_72 = arith.constant 0 : i32
      %dma_wait3A_73 = tpu.memref_slice %arg3[%mul3A_27, %dma_wait3A_72] : memref<2560x128xi32, #tpu.memory_space<hbm>> -> memref<80x128xi32, #tpu.memory_space<hbm>>
      tpu.wait_dma2 semaphore(%run_scoped3A_65 : memref<!tpu.dma_semaphore, #tpu.memory_space<semaphore_mem>>) src(%dma_wait3A_73 : memref<80x128xi32, #tpu.memory_space<hbm>>) dst(%arg8 : memref<80x128xi32, #tpu.memory_space<vmem>>)
      tpu.yield
    }) : () -> ()
    %mul3A_28 = arith.constant 80 : i32
    %mul3A_29 = arith.muli %add3A, %mul3A_28 : i32
    %mul3A_30 = arith.constant 128 : i32
    %mul3A_31 = arith.muli %mul3A_29, %mul3A_30 : i32
    %run_scoped3A_32 = arith.constant 0 : i32
    "tpu.region"() ({
      %run_scoped3A_65 = tpu.sem_alloc : memref<!tpu.dma_semaphore, #tpu.memory_space<semaphore_mem>>
      %dma_start3A_66 = arith.constant 0 : i32
      %dma_start3A_67 = tpu.memref_slice %arg9[%run_scoped3A_32, %dma_start3A_66] : memref<2x128xi32, #tpu.memory_space<vmem>> -> memref<1x128xi32, #tpu.memory_space<vmem>>
      %dma_start3A_68 = tpu.memref_squeeze %dma_start3A_67 : memref<1x128xi32, #tpu.memory_space<vmem>> -> memref<128xi32, #tpu.memory_space<vmem>>
      %dma_start3A_69 = tpu.memref_slice %arg4[%mul3A_31] : memref<327680xi32, #tpu.memory_space<hbm>> -> memref<128xi32, #tpu.memory_space<hbm>>
      %dma_start3A_70 = arith.constant 0 : i32
      %dma_start3A_71 = tpu.memref_slice %arg9[%run_scoped3A_32, %dma_start3A_70] : memref<2x128xi32, #tpu.memory_space<vmem>> -> memref<1x128xi32, #tpu.memory_space<vmem>>
      %dma_start3A_72 = tpu.memref_squeeze %dma_start3A_71 : memref<1x128xi32, #tpu.memory_space<vmem>> -> memref<128xi32, #tpu.memory_space<vmem>>
      %dma_start3A_73 = tpu.memref_slice %arg4[%mul3A_31] : memref<327680xi32, #tpu.memory_space<hbm>> -> memref<128xi32, #tpu.memory_space<hbm>>
      tpu.enqueue_dma source(%dma_start3A_73 : memref<128xi32, #tpu.memory_space<hbm>>) target(%dma_start3A_72 : memref<128xi32, #tpu.memory_space<vmem>>) target_semaphore(%run_scoped3A_65 : memref<!tpu.dma_semaphore, #tpu.memory_space<semaphore_mem>>)
      %dma_wait3A_74 = arith.constant 0 : i32
      %dma_wait3A_75 = tpu.memref_slice %arg9[%run_scoped3A_32, %dma_wait3A_74] : memref<2x128xi32, #tpu.memory_space<vmem>> -> memref<1x128xi32, #tpu.memory_space<vmem>>
      %dma_wait3A_76 = tpu.memref_squeeze %dma_wait3A_75 : memref<1x128xi32, #tpu.memory_space<vmem>> -> memref<128xi32, #tpu.memory_space<vmem>>
      %dma_wait3A_77 = tpu.memref_slice %arg4[%mul3A_31] : memref<327680xi32, #tpu.memory_space<hbm>> -> memref<128xi32, #tpu.memory_space<hbm>>
      %dma_wait3A_78 = arith.constant 0 : i32
      %dma_wait3A_79 = tpu.memref_slice %arg9[%run_scoped3A_32, %dma_wait3A_78] : memref<2x128xi32, #tpu.memory_space<vmem>> -> memref<1x128xi32, #tpu.memory_space<vmem>>
      %dma_wait3A_80 = tpu.memref_squeeze %dma_wait3A_79 : memref<1x128xi32, #tpu.memory_space<vmem>> -> memref<128xi32, #tpu.memory_space<vmem>>
      %dma_wait3A_81 = tpu.memref_slice %arg4[%mul3A_31] : memref<327680xi32, #tpu.memory_space<hbm>> -> memref<128xi32, #tpu.memory_space<hbm>>
      tpu.wait_dma2 semaphore(%run_scoped3A_65 : memref<!tpu.dma_semaphore, #tpu.memory_space<semaphore_mem>>) src(%dma_wait3A_81 : memref<128xi32, #tpu.memory_space<hbm>>) dst(%dma_wait3A_80 : memref<128xi32, #tpu.memory_space<vmem>>)
      tpu.yield
    }) : () -> ()
    %barrier3A = arith.constant 0 : index
    tpu.barrier barrier_id(%barrier3A)
    %dma_start3A = arith.constant 0 : i32
    %dma_start3A_33 = arith.constant 0 : i32
    %dma_start3A_34 = arith.constant 0 : i32
    %dma_start3A_35 = arith.constant 0 : i32
    %dma_start3A_36 = tpu.memref_slice %arg10[%dma_start3A_33, %dma_start3A_34, %dma_start3A_35] : memref<2x128x128xf32, #tpu.memory_space<vmem>> -> memref<1x128x128xf32, #tpu.memory_space<vmem>>
    %dma_start3A_37 = tpu.memref_squeeze %dma_start3A_36 : memref<1x128x128xf32, #tpu.memory_space<vmem>> -> memref<128x128xf32, #tpu.memory_space<vmem>>
    %dma_start3A_38 = arith.constant 0 : i32
    %dma_start3A_39 = tpu.memref_slice %arg8[%dma_start3A, %dma_start3A_38] : memref<80x128xi32, #tpu.memory_space<vmem>> -> memref<1x128xi32, #tpu.memory_space<vmem>>
    %dma_start3A_40 = tpu.memref_squeeze %dma_start3A_39 : memref<1x128xi32, #tpu.memory_space<vmem>> -> memref<128xi32, #tpu.memory_space<vmem>>
    %dma_start3A_41 = arith.constant 0 : i32
    %dma_start3A_42 = arith.constant 0 : i32
    %dma_start3A_43 = tpu.memref_slice %arg2[%dma_start3A_41, %dma_start3A_42] : memref<10240x128xf32, #tpu.memory_space<hbm>> -> memref<10240x128xf32, #tpu.memory_space<hbm>>
    tpu.enqueue_indirect_dma source(%dma_start3A_43 : memref<10240x128xf32, #tpu.memory_space<hbm>>) target(%dma_start3A_37 : memref<128x128xf32, #tpu.memory_space<vmem>>) offsets(%dma_start3A_40 : memref<128xi32, #tpu.memory_space<vmem>>) semaphore(%arg11 : memref<!tpu.dma_semaphore, #tpu.memory_space<semaphore_mem>>)
    %scan3A = arith.constant 0 : i32
    %scan3A_44 = arith.constant 0 : i32
    %scan3A_45 = arith.constant 80 : i32
    %scan3A_46 = arith.addi %scan3A_44, %scan3A_45 : i32
    %scan3A_47 = arith.constant 1 : i32
    scf.for %scan3A_65 = %scan3A_44 to %scan3A_46 step %scan3A_47  : i32 {
      %jit3A = arith.constant 2 : i32
      %eq3A = arith.constant 0 : i32
      %eq3A_66 = arith.cmpi eq, %jit3A, %eq3A : i32
      %jit3A_67 = arith.constant 1 : i32
      %select_n3A = arith.select %eq3A_66, %jit3A_67, %jit3A : i32
      %rem3A = arith.remsi %scan3A_65, %select_n3A : i32
      %ne3A = arith.constant 0 : i32
      %ne3A_68 = arith.cmpi ne, %rem3A, %ne3A : i32
      %lt3A = arith.constant 0 : i32
      %lt3A_69 = arith.cmpi slt, %rem3A, %lt3A : i32
      %lt3A_70 = arith.constant 0 : i32
      %lt3A_71 = arith.cmpi slt, %select_n3A, %lt3A_70 : i32
      %ne3A_72 = arith.xori %lt3A_69, %lt3A_71 : i1
      %and3A = arith.andi %ne3A_72, %ne3A_68 : i1
      %add3A_73 = arith.addi %rem3A, %select_n3A : i32
      %select_n3A_74 = arith.select %and3A, %add3A_73, %rem3A : i32
      %add3A_75 = arith.constant 1 : i32
      %add3A_76 = arith.addi %scan3A_65, %add3A_75 : i32
      %jit3A_77 = arith.constant 2 : i32
      %eq3A_78 = arith.constant 0 : i32
      %eq3A_79 = arith.cmpi eq, %jit3A_77, %eq3A_78 : i32
      %jit3A_80 = arith.constant 1 : i32
      %select_n3A_81 = arith.select %eq3A_79, %jit3A_80, %jit3A_77 : i32
      %rem3A_82 = arith.remsi %add3A_76, %select_n3A_81 : i32
      %ne3A_83 = arith.constant 0 : i32
      %ne3A_84 = arith.cmpi ne, %rem3A_82, %ne3A_83 : i32
      %lt3A_85 = arith.constant 0 : i32
      %lt3A_86 = arith.cmpi slt, %rem3A_82, %lt3A_85 : i32
      %lt3A_87 = arith.constant 0 : i32
      %lt3A_88 = arith.cmpi slt, %select_n3A_81, %lt3A_87 : i32
      %ne3A_89 = arith.xori %lt3A_86, %lt3A_88 : i1
      %and3A_90 = arith.andi %ne3A_89, %ne3A_84 : i1
      %add3A_91 = arith.addi %rem3A_82, %select_n3A_81 : i32
      %select_n3A_92 = arith.select %and3A_90, %add3A_91, %rem3A_82 : i32
      %ge3A = arith.constant 1 : i32
      %ge3A_93 = arith.cmpi sge, %scan3A_65, %ge3A : i32
      %convert_element_type3A = arith.extui %ge3A_93 : i1 to i32
      %cond3A = arith.constant 0 : i32
      %cond3A_94 = arith.cmpi ne, %convert_element_type3A, %cond3A : i32
      scf.if %cond3A_94 {
        %dma_wait3A_127 = arith.constant 0 : i32
        %dma_wait3A_128 = arith.constant 0 : i32
        %dma_wait3A_129 = arith.constant 0 : i32
        %dma_wait3A_130 = tpu.memref_slice %arg10[%select_n3A_92, %dma_wait3A_128, %dma_wait3A_129] : memref<2x128x128xf32, #tpu.memory_space<vmem>> -> memref<1x128x128xf32, #tpu.memory_space<vmem>>
        %dma_wait3A_131 = tpu.memref_squeeze %dma_wait3A_130 : memref<1x128x128xf32, #tpu.memory_space<vmem>> -> memref<128x128xf32, #tpu.memory_space<vmem>>
        %dma_wait3A_132 = arith.constant 0 : i32
        %dma_wait3A_133 = tpu.memref_slice %arg8[%dma_wait3A_127, %dma_wait3A_132] : memref<80x128xi32, #tpu.memory_space<vmem>> -> memref<1x128xi32, #tpu.memory_space<vmem>>
        %dma_wait3A_134 = tpu.memref_squeeze %dma_wait3A_133 : memref<1x128xi32, #tpu.memory_space<vmem>> -> memref<128xi32, #tpu.memory_space<vmem>>
        %dma_wait3A_135 = arith.constant 0 : i32
        %dma_wait3A_136 = arith.constant 0 : i32
        %dma_wait3A_137 = tpu.memref_slice %arg2[%dma_wait3A_135, %dma_wait3A_136] : memref<10240x128xf32, #tpu.memory_space<hbm>> -> memref<10240x128xf32, #tpu.memory_space<hbm>>
        tpu.wait_indirect_dma semaphore(%arg12 : memref<!tpu.dma_semaphore, #tpu.memory_space<semaphore_mem>>) src(%dma_wait3A_137 : memref<10240x128xf32, #tpu.memory_space<hbm>>) dst(%dma_wait3A_131 : memref<128x128xf32, #tpu.memory_space<vmem>>)
      } else {
      }
      %add3A_95 = arith.constant 1 : i32
      %add3A_96 = arith.addi %scan3A_65, %add3A_95 : i32
      %lt3A_97 = arith.constant 80 : i32
      %lt3A_98 = arith.cmpi slt, %add3A_96, %lt3A_97 : i32
      %convert_element_type3A_99 = arith.extui %lt3A_98 : i1 to i32
      %cond3A_100 = arith.constant 0 : i32
      %cond3A_101 = arith.cmpi ne, %convert_element_type3A_99, %cond3A_100 : i32
      scf.if %cond3A_101 {
        %add3A_127 = arith.constant 1 : i32
        %add3A_128 = arith.addi %scan3A_65, %add3A_127 : i32
        %dma_start3A_129 = arith.constant 0 : i32
        %dma_start3A_130 = arith.constant 0 : i32
        %dma_start3A_131 = tpu.memref_slice %arg10[%select_n3A_92, %dma_start3A_129, %dma_start3A_130] : memref<2x128x128xf32, #tpu.memory_space<vmem>> -> memref<1x128x128xf32, #tpu.memory_space<vmem>>
        %dma_start3A_132 = tpu.memref_squeeze %dma_start3A_131 : memref<1x128x128xf32, #tpu.memory_space<vmem>> -> memref<128x128xf32, #tpu.memory_space<vmem>>
        %dma_start3A_133 = arith.constant 0 : i32
        %dma_start3A_134 = tpu.memref_slice %arg8[%add3A_128, %dma_start3A_133] : memref<80x128xi32, #tpu.memory_space<vmem>> -> memref<1x128xi32, #tpu.memory_space<vmem>>
        %dma_start3A_135 = tpu.memref_squeeze %dma_start3A_134 : memref<1x128xi32, #tpu.memory_space<vmem>> -> memref<128xi32, #tpu.memory_space<vmem>>
        %dma_start3A_136 = arith.constant 0 : i32
        %dma_start3A_137 = arith.constant 0 : i32
        %dma_start3A_138 = tpu.memref_slice %arg2[%dma_start3A_136, %dma_start3A_137] : memref<10240x128xf32, #tpu.memory_space<hbm>> -> memref<10240x128xf32, #tpu.memory_space<hbm>>
        tpu.enqueue_indirect_dma source(%dma_start3A_138 : memref<10240x128xf32, #tpu.memory_space<hbm>>) target(%dma_start3A_132 : memref<128x128xf32, #tpu.memory_space<vmem>>) offsets(%dma_start3A_135 : memref<128xi32, #tpu.memory_space<vmem>>) semaphore(%arg11 : memref<!tpu.dma_semaphore, #tpu.memory_space<semaphore_mem>>)
        %mul3A_139 = arith.constant 80 : i32
        %mul3A_140 = arith.muli %add3A, %mul3A_139 : i32
        %add3A_141 = arith.addi %mul3A_140, %scan3A_65 : i32
        %add3A_142 = arith.constant 1 : i32
        %add3A_143 = arith.addi %add3A_141, %add3A_142 : i32
        %mul3A_144 = arith.constant 128 : i32
        %mul3A_145 = arith.muli %add3A_143, %mul3A_144 : i32
        %dma_start3A_146 = arith.constant 0 : i32
        %dma_start3A_147 = tpu.memref_slice %arg9[%select_n3A_92, %dma_start3A_146] : memref<2x128xi32, #tpu.memory_space<vmem>> -> memref<1x128xi32, #tpu.memory_space<vmem>>
        %dma_start3A_148 = tpu.memref_squeeze %dma_start3A_147 : memref<1x128xi32, #tpu.memory_space<vmem>> -> memref<128xi32, #tpu.memory_space<vmem>>
        %dma_start3A_149 = tpu.memref_slice %arg4[%mul3A_145] : memref<327680xi32, #tpu.memory_space<hbm>> -> memref<128xi32, #tpu.memory_space<hbm>>
        %dma_start3A_150 = arith.constant 0 : i32
        %dma_start3A_151 = tpu.memref_slice %arg9[%select_n3A_92, %dma_start3A_150] : memref<2x128xi32, #tpu.memory_space<vmem>> -> memref<1x128xi32, #tpu.memory_space<vmem>>
        %dma_start3A_152 = tpu.memref_squeeze %dma_start3A_151 : memref<1x128xi32, #tpu.memory_space<vmem>> -> memref<128xi32, #tpu.memory_space<vmem>>
        %dma_start3A_153 = tpu.memref_slice %arg4[%mul3A_145] : memref<327680xi32, #tpu.memory_space<hbm>> -> memref<128xi32, #tpu.memory_space<hbm>>
        tpu.enqueue_dma source(%dma_start3A_153 : memref<128xi32, #tpu.memory_space<hbm>>) target(%dma_start3A_152 : memref<128xi32, #tpu.memory_space<vmem>>) target_semaphore(%arg13 : memref<!tpu.dma_semaphore, #tpu.memory_space<semaphore_mem>>)
      } else {
      }
      %dma_wait3A_102 = arith.constant 0 : i32
      %dma_wait3A_103 = arith.constant 0 : i32
      %dma_wait3A_104 = tpu.memref_slice %arg10[%select_n3A_74, %dma_wait3A_102, %dma_wait3A_103] : memref<2x128x128xf32, #tpu.memory_space<vmem>> -> memref<1x128x128xf32, #tpu.memory_space<vmem>>
      %dma_wait3A_105 = tpu.memref_squeeze %dma_wait3A_104 : memref<1x128x128xf32, #tpu.memory_space<vmem>> -> memref<128x128xf32, #tpu.memory_space<vmem>>
      %dma_wait3A_106 = arith.constant 0 : i32
      %dma_wait3A_107 = tpu.memref_slice %arg8[%scan3A_65, %dma_wait3A_106] : memref<80x128xi32, #tpu.memory_space<vmem>> -> memref<1x128xi32, #tpu.memory_space<vmem>>
      %dma_wait3A_108 = tpu.memref_squeeze %dma_wait3A_107 : memref<1x128xi32, #tpu.memory_space<vmem>> -> memref<128xi32, #tpu.memory_space<vmem>>
      %dma_wait3A_109 = arith.constant 0 : i32
      %dma_wait3A_110 = arith.constant 0 : i32
      %dma_wait3A_111 = tpu.memref_slice %arg2[%dma_wait3A_109, %dma_wait3A_110] : memref<10240x128xf32, #tpu.memory_space<hbm>> -> memref<10240x128xf32, #tpu.memory_space<hbm>>
      tpu.wait_indirect_dma semaphore(%arg11 : memref<!tpu.dma_semaphore, #tpu.memory_space<semaphore_mem>>) src(%dma_wait3A_111 : memref<10240x128xf32, #tpu.memory_space<hbm>>) dst(%dma_wait3A_105 : memref<128x128xf32, #tpu.memory_space<vmem>>)
      %ge3A_112 = arith.constant 1 : i32
      %ge3A_113 = arith.cmpi sge, %scan3A_65, %ge3A_112 : i32
      %convert_element_type3A_114 = arith.extui %ge3A_113 : i1 to i32
      %cond3A_115 = arith.constant 0 : i32
      %cond3A_116 = arith.cmpi ne, %convert_element_type3A_114, %cond3A_115 : i32
      scf.if %cond3A_116 {
        %mul3A_127 = arith.constant 80 : i32
        %mul3A_128 = arith.muli %add3A, %mul3A_127 : i32
        %mul3A_129 = arith.constant 128 : i32
        %mul3A_130 = arith.muli %mul3A_128, %mul3A_129 : i32
        %dma_wait3A_131 = arith.constant 0 : i32
        %dma_wait3A_132 = tpu.memref_slice %arg9[%select_n3A_74, %dma_wait3A_131] : memref<2x128xi32, #tpu.memory_space<vmem>> -> memref<1x128xi32, #tpu.memory_space<vmem>>
        %dma_wait3A_133 = tpu.memref_squeeze %dma_wait3A_132 : memref<1x128xi32, #tpu.memory_space<vmem>> -> memref<128xi32, #tpu.memory_space<vmem>>
        %dma_wait3A_134 = tpu.memref_slice %arg4[%mul3A_130] : memref<327680xi32, #tpu.memory_space<hbm>> -> memref<128xi32, #tpu.memory_space<hbm>>
        %dma_wait3A_135 = arith.constant 0 : i32
        %dma_wait3A_136 = tpu.memref_slice %arg9[%select_n3A_74, %dma_wait3A_135] : memref<2x128xi32, #tpu.memory_space<vmem>> -> memref<1x128xi32, #tpu.memory_space<vmem>>
        %dma_wait3A_137 = tpu.memref_squeeze %dma_wait3A_136 : memref<1x128xi32, #tpu.memory_space<vmem>> -> memref<128xi32, #tpu.memory_space<vmem>>
        %dma_wait3A_138 = tpu.memref_slice %arg4[%mul3A_130] : memref<327680xi32, #tpu.memory_space<hbm>> -> memref<128xi32, #tpu.memory_space<hbm>>
        tpu.wait_dma2 semaphore(%arg13 : memref<!tpu.dma_semaphore, #tpu.memory_space<semaphore_mem>>) src(%dma_wait3A_138 : memref<128xi32, #tpu.memory_space<hbm>>) dst(%dma_wait3A_137 : memref<128xi32, #tpu.memory_space<vmem>>)
      } else {
      }
      %dma_start3A_117 = arith.constant 0 : i32
      %dma_start3A_118 = arith.constant 0 : i32
      %dma_start3A_119 = tpu.memref_slice %arg10[%select_n3A_74, %dma_start3A_117, %dma_start3A_118] : memref<2x128x128xf32, #tpu.memory_space<vmem>> -> memref<1x128x128xf32, #tpu.memory_space<vmem>>
      %dma_start3A_120 = tpu.memref_squeeze %dma_start3A_119 : memref<1x128x128xf32, #tpu.memory_space<vmem>> -> memref<128x128xf32, #tpu.memory_space<vmem>>
      %dma_start3A_121 = arith.constant 0 : i32
      %dma_start3A_122 = tpu.memref_slice %arg9[%select_n3A_74, %dma_start3A_121] : memref<2x128xi32, #tpu.memory_space<vmem>> -> memref<1x128xi32, #tpu.memory_space<vmem>>
      %dma_start3A_123 = tpu.memref_squeeze %dma_start3A_122 : memref<1x128xi32, #tpu.memory_space<vmem>> -> memref<128xi32, #tpu.memory_space<vmem>>
      %dma_start3A_124 = arith.constant 0 : i32
      %dma_start3A_125 = arith.constant 0 : i32
      %dma_start3A_126 = tpu.memref_slice %arg7[%dma_start3A_124, %dma_start3A_125] : memref<10240x128xf32, #tpu.memory_space<vmem_shared>> -> memref<10240x128xf32, #tpu.memory_space<vmem_shared>>
      tpu.enqueue_indirect_dma source(%dma_start3A_120 : memref<128x128xf32, #tpu.memory_space<vmem>>) target(%dma_start3A_126 : memref<10240x128xf32, #tpu.memory_space<vmem_shared>>) offsets(%dma_start3A_123 : memref<128xi32, #tpu.memory_space<vmem>>) semaphore(%arg12 : memref<!tpu.dma_semaphore, #tpu.memory_space<semaphore_mem>>) {add = true}
    }
    %scan3A_48 = arith.constant 80 : i32
    %dma_wait3A = arith.constant 0 : i32
    %dma_wait3A_49 = arith.constant 1 : i32
    %dma_wait3A_50 = arith.constant 0 : i32
    %dma_wait3A_51 = arith.constant 0 : i32
    %dma_wait3A_52 = tpu.memref_slice %arg10[%dma_wait3A_49, %dma_wait3A_50, %dma_wait3A_51] : memref<2x128x128xf32, #tpu.memory_space<vmem>> -> memref<1x128x128xf32, #tpu.memory_space<vmem>>
    %dma_wait3A_53 = tpu.memref_squeeze %dma_wait3A_52 : memref<1x128x128xf32, #tpu.memory_space<vmem>> -> memref<128x128xf32, #tpu.memory_space<vmem>>
    %dma_wait3A_54 = arith.constant 0 : i32
    %dma_wait3A_55 = tpu.memref_slice %arg8[%dma_wait3A, %dma_wait3A_54] : memref<80x128xi32, #tpu.memory_space<vmem>> -> memref<1x128xi32, #tpu.memory_space<vmem>>
    %dma_wait3A_56 = tpu.memref_squeeze %dma_wait3A_55 : memref<1x128xi32, #tpu.memory_space<vmem>> -> memref<128xi32, #tpu.memory_space<vmem>>
    %dma_wait3A_57 = arith.constant 0 : i32
    %dma_wait3A_58 = arith.constant 0 : i32
    %dma_wait3A_59 = tpu.memref_slice %arg2[%dma_wait3A_57, %dma_wait3A_58] : memref<10240x128xf32, #tpu.memory_space<hbm>> -> memref<10240x128xf32, #tpu.memory_space<hbm>>
    tpu.wait_indirect_dma semaphore(%arg12 : memref<!tpu.dma_semaphore, #tpu.memory_space<semaphore_mem>>) src(%dma_wait3A_59 : memref<10240x128xf32, #tpu.memory_space<hbm>>) dst(%dma_wait3A_53 : memref<128x128xf32, #tpu.memory_space<vmem>>)
    %barrier3A_60 = arith.constant 0 : index
    tpu.barrier barrier_id(%barrier3A_60)
    %mul3A_61 = arith.constant 640 : i32
    %mul3A_62 = arith.muli %arg1, %mul3A_61 : i32
    %mul3A_63 = arith.constant 640 : i32
    %mul3A_64 = arith.muli %arg1, %mul3A_63 : i32
    "tpu.region"() ({
      %run_scoped3A_65 = tpu.sem_alloc : memref<!tpu.dma_semaphore, #tpu.memory_space<semaphore_mem>>
      %dma_start3A_66 = arith.constant 0 : i32
      %dma_start3A_67 = tpu.memref_slice %arg6[%arg0, %mul3A_64, %dma_start3A_66] : memref<2x10240x128xf32, #tpu.memory_space<hbm>> -> memref<1x640x128xf32, #tpu.memory_space<hbm>>
      %dma_start3A_68 = tpu.memref_squeeze %dma_start3A_67 : memref<1x640x128xf32, #tpu.memory_space<hbm>> -> memref<640x128xf32, #tpu.memory_space<hbm>>
      %dma_start3A_69 = arith.constant 0 : i32
      %dma_start3A_70 = tpu.memref_slice %arg7[%mul3A_62, %dma_start3A_69] : memref<10240x128xf32, #tpu.memory_space<vmem_shared>> -> memref<640x128xf32, #tpu.memory_space<vmem_shared>>
      tpu.enqueue_dma source(%dma_start3A_70 : memref<640x128xf32, #tpu.memory_space<vmem_shared>>) target(%dma_start3A_68 : memref<640x128xf32, #tpu.memory_space<hbm>>) target_semaphore(%run_scoped3A_65 : memref<!tpu.dma_semaphore, #tpu.memory_space<semaphore_mem>>)
      %dma_wait3A_71 = arith.constant 0 : i32
      %dma_wait3A_72 = tpu.memref_slice %arg6[%arg0, %mul3A_64, %dma_wait3A_71] : memref<2x10240x128xf32, #tpu.memory_space<hbm>> -> memref<1x640x128xf32, #tpu.memory_space<hbm>>
      %dma_wait3A_73 = tpu.memref_squeeze %dma_wait3A_72 : memref<1x640x128xf32, #tpu.memory_space<hbm>> -> memref<640x128xf32, #tpu.memory_space<hbm>>
      %dma_wait3A_74 = arith.constant 0 : i32
      %dma_wait3A_75 = tpu.memref_slice %arg7[%mul3A_62, %dma_wait3A_74] : memref<10240x128xf32, #tpu.memory_space<vmem_shared>> -> memref<640x128xf32, #tpu.memory_space<vmem_shared>>
      tpu.wait_dma2 semaphore(%run_scoped3A_65 : memref<!tpu.dma_semaphore, #tpu.memory_space<semaphore_mem>>) src(%dma_wait3A_75 : memref<640x128xf32, #tpu.memory_space<vmem_shared>>) dst(%dma_wait3A_73 : memref<640x128xf32, #tpu.memory_space<hbm>>)
      tpu.yield
    }) : () -> ()
    return
  }
}

#map = affine_map<(d0, d1) -> (0, 0)>
#map1 = affine_map<(d0, d1) -> (0)>
#map2 = affine_map<(d0, d1) -> (0, 0, 0)>
module attributes {stable_mosaic.version = 14 : i64} {
  func.func @_edge_body(%arg0: i32, %arg1: i32, %arg2: memref<10240x128xf32, #tpu.memory_space<hbm>>, %arg3: memref<2560x128xi32, #tpu.memory_space<hbm>>, %arg4: memref<327680xi32, #tpu.memory_space<hbm>>, %arg5: memref<128x128xf32, #tpu.memory_space<hbm>>, %arg6: memref<2x10240x128xf32, #tpu.memory_space<hbm>>, %arg7: memref<10240x128xf32, #tpu.memory_space<vmem_shared>>, %arg8: memref<80x128xi32, #tpu.memory_space<vmem>>, %arg9: memref<2x128xi32, #tpu.memory_space<vmem>>, %arg10: memref<2x128x128xf32, #tpu.memory_space<vmem>>, %arg11: memref<!tpu.dma_semaphore, #tpu.memory_space<semaphore_mem>>, %arg12: memref<!tpu.dma_semaphore, #tpu.memory_space<semaphore_mem>>, %arg13: memref<!tpu.dma_semaphore, #tpu.memory_space<semaphore_mem>>) attributes {dimension_semantics = [#tpu.dimension_semantics<core_parallel>, #tpu.dimension_semantics<subcore_parallel>], iteration_bounds = array<i64: 2, 16>, scalar_prefetch = 0 : i64, scratch_operands = 7 : i64, tpu.core_type = #tpu.core_type<sc_vector_subcore>, window_params = [{transform_indices = #map}, {transform_indices = #map}, {transform_indices = #map1}, {transform_indices = #map}, {transform_indices = #map2}]} {
    %mul3A = arith.constant 16 : i32
    %mul3A_0 = arith.muli %arg0, %mul3A : i32
    %add3A = arith.addi %mul3A_0, %arg1 : i32
    %run_scoped3A = arith.constant 0 : i32
    "tpu.region"() ({
      %run_scoped3A_65 = tpu.sem_alloc : memref<!tpu.dma_semaphore, #tpu.memory_space<semaphore_mem>>
      %dma_start3A_66 = arith.constant 0 : i32
      %dma_start3A_67 = arith.constant 0 : i32
      %dma_start3A_68 = tpu.memref_slice %arg10[%run_scoped3A, %dma_start3A_66, %dma_start3A_67] : memref<2x128x128xf32, #tpu.memory_space<vmem>> -> memref<1x128x128xf32, #tpu.memory_space<vmem>>
      %dma_start3A_69 = tpu.memref_squeeze %dma_start3A_68 : memref<1x128x128xf32, #tpu.memory_space<vmem>> -> memref<128x128xf32, #tpu.memory_space<vmem>>
      %dma_start3A_70 = arith.constant 0 : i32
      %dma_start3A_71 = arith.constant 0 : i32
      %dma_start3A_72 = tpu.memref_slice %arg10[%run_scoped3A, %dma_start3A_70, %dma_start3A_71] : memref<2x128x128xf32, #tpu.memory_space<vmem>> -> memref<1x128x128xf32, #tpu.memory_space<vmem>>
      %dma_start3A_73 = tpu.memref_squeeze %dma_start3A_72 : memref<1x128x128xf32, #tpu.memory_space<vmem>> -> memref<128x128xf32, #tpu.memory_space<vmem>>
      tpu.enqueue_dma source(%arg5 : memref<128x128xf32, #tpu.memory_space<hbm>>) target(%dma_start3A_73 : memref<128x128xf32, #tpu.memory_space<vmem>>) target_semaphore(%run_scoped3A_65 : memref<!tpu.dma_semaphore, #tpu.memory_space<semaphore_mem>>)
      %dma_wait3A_74 = arith.constant 0 : i32
      %dma_wait3A_75 = arith.constant 0 : i32
      %dma_wait3A_76 = tpu.memref_slice %arg10[%run_scoped3A, %dma_wait3A_74, %dma_wait3A_75] : memref<2x128x128xf32, #tpu.memory_space<vmem>> -> memref<1x128x128xf32, #tpu.memory_space<vmem>>
      %dma_wait3A_77 = tpu.memref_squeeze %dma_wait3A_76 : memref<1x128x128xf32, #tpu.memory_space<vmem>> -> memref<128x128xf32, #tpu.memory_space<vmem>>
      %dma_wait3A_78 = arith.constant 0 : i32
      %dma_wait3A_79 = arith.constant 0 : i32
      %dma_wait3A_80 = tpu.memref_slice %arg10[%run_scoped3A, %dma_wait3A_78, %dma_wait3A_79] : memref<2x128x128xf32, #tpu.memory_space<vmem>> -> memref<1x128x128xf32, #tpu.memory_space<vmem>>
      %dma_wait3A_81 = tpu.memref_squeeze %dma_wait3A_80 : memref<1x128x128xf32, #tpu.memory_space<vmem>> -> memref<128x128xf32, #tpu.memory_space<vmem>>
      tpu.wait_dma2 semaphore(%run_scoped3A_65 : memref<!tpu.dma_semaphore, #tpu.memory_space<semaphore_mem>>) src(%arg5 : memref<128x128xf32, #tpu.memory_space<hbm>>) dst(%dma_wait3A_81 : memref<128x128xf32, #tpu.memory_space<vmem>>)
      tpu.yield
    }) : () -> ()
    %mul3A_1 = arith.constant 640 : i32
    %mul3A_2 = arith.muli %arg1, %mul3A_1 : i32
    %add3A_3 = arith.constant 0 : i32
    %add3A_4 = arith.addi %mul3A_2, %add3A_3 : i32
    %run_scoped3A_5 = arith.constant 0 : i32
    "tpu.region"() ({
      %run_scoped3A_65 = tpu.sem_alloc : memref<!tpu.dma_semaphore, #tpu.memory_space<semaphore_mem>>
      %dma_start3A_66 = arith.constant 0 : i32
      %dma_start3A_67 = arith.constant 0 : i32
      %dma_start3A_68 = tpu.memref_slice %arg10[%run_scoped3A_5, %dma_start3A_66, %dma_start3A_67] : memref<2x128x128xf32, #tpu.memory_space<vmem>> -> memref<1x128x128xf32, #tpu.memory_space<vmem>>
      %dma_start3A_69 = tpu.memref_squeeze %dma_start3A_68 : memref<1x128x128xf32, #tpu.memory_space<vmem>> -> memref<128x128xf32, #tpu.memory_space<vmem>>
      %dma_start3A_70 = arith.constant 0 : i32
      %dma_start3A_71 = tpu.memref_slice %arg7[%add3A_4, %dma_start3A_70] : memref<10240x128xf32, #tpu.memory_space<vmem_shared>> -> memref<128x128xf32, #tpu.memory_space<vmem_shared>>
      %dma_start3A_72 = arith.constant 0 : i32
      %dma_start3A_73 = tpu.memref_slice %arg7[%add3A_4, %dma_start3A_72] : memref<10240x128xf32, #tpu.memory_space<vmem_shared>> -> memref<128x128xf32, #tpu.memory_space<vmem_shared>>
      %dma_start3A_74 = arith.constant 0 : i32
      %dma_start3A_75 = arith.constant 0 : i32
      %dma_start3A_76 = tpu.memref_slice %arg10[%run_scoped3A_5, %dma_start3A_74, %dma_start3A_75] : memref<2x128x128xf32, #tpu.memory_space<vmem>> -> memref<1x128x128xf32, #tpu.memory_space<vmem>>
      %dma_start3A_77 = tpu.memref_squeeze %dma_start3A_76 : memref<1x128x128xf32, #tpu.memory_space<vmem>> -> memref<128x128xf32, #tpu.memory_space<vmem>>
      tpu.enqueue_dma source(%dma_start3A_77 : memref<128x128xf32, #tpu.memory_space<vmem>>) target(%dma_start3A_73 : memref<128x128xf32, #tpu.memory_space<vmem_shared>>) target_semaphore(%run_scoped3A_65 : memref<!tpu.dma_semaphore, #tpu.memory_space<semaphore_mem>>)
      %dma_wait3A_78 = arith.constant 0 : i32
      %dma_wait3A_79 = arith.constant 0 : i32
      %dma_wait3A_80 = tpu.memref_slice %arg10[%run_scoped3A_5, %dma_wait3A_78, %dma_wait3A_79] : memref<2x128x128xf32, #tpu.memory_space<vmem>> -> memref<1x128x128xf32, #tpu.memory_space<vmem>>
      %dma_wait3A_81 = tpu.memref_squeeze %dma_wait3A_80 : memref<1x128x128xf32, #tpu.memory_space<vmem>> -> memref<128x128xf32, #tpu.memory_space<vmem>>
      %dma_wait3A_82 = arith.constant 0 : i32
      %dma_wait3A_83 = tpu.memref_slice %arg7[%add3A_4, %dma_wait3A_82] : memref<10240x128xf32, #tpu.memory_space<vmem_shared>> -> memref<128x128xf32, #tpu.memory_space<vmem_shared>>
      %dma_wait3A_84 = arith.constant 0 : i32
      %dma_wait3A_85 = tpu.memref_slice %arg7[%add3A_4, %dma_wait3A_84] : memref<10240x128xf32, #tpu.memory_space<vmem_shared>> -> memref<128x128xf32, #tpu.memory_space<vmem_shared>>
      %dma_wait3A_86 = arith.constant 0 : i32
      %dma_wait3A_87 = arith.constant 0 : i32
      %dma_wait3A_88 = tpu.memref_slice %arg10[%run_scoped3A_5, %dma_wait3A_86, %dma_wait3A_87] : memref<2x128x128xf32, #tpu.memory_space<vmem>> -> memref<1x128x128xf32, #tpu.memory_space<vmem>>
      %dma_wait3A_89 = tpu.memref_squeeze %dma_wait3A_88 : memref<1x128x128xf32, #tpu.memory_space<vmem>> -> memref<128x128xf32, #tpu.memory_space<vmem>>
      tpu.wait_dma2 semaphore(%run_scoped3A_65 : memref<!tpu.dma_semaphore, #tpu.memory_space<semaphore_mem>>) src(%dma_wait3A_89 : memref<128x128xf32, #tpu.memory_space<vmem>>) dst(%dma_wait3A_85 : memref<128x128xf32, #tpu.memory_space<vmem_shared>>)
      tpu.yield
    }) : () -> ()
    %mul3A_6 = arith.constant 640 : i32
    %mul3A_7 = arith.muli %arg1, %mul3A_6 : i32
    %add3A_8 = arith.constant 128 : i32
    %add3A_9 = arith.addi %mul3A_7, %add3A_8 : i32
    %run_scoped3A_10 = arith.constant 0 : i32
    "tpu.region"() ({
      %run_scoped3A_65 = tpu.sem_alloc : memref<!tpu.dma_semaphore, #tpu.memory_space<semaphore_mem>>
      %dma_start3A_66 = arith.constant 0 : i32
      %dma_start3A_67 = arith.constant 0 : i32
      %dma_start3A_68 = tpu.memref_slice %arg10[%run_scoped3A_10, %dma_start3A_66, %dma_start3A_67] : memref<2x128x128xf32, #tpu.memory_space<vmem>> -> memref<1x128x128xf32, #tpu.memory_space<vmem>>
      %dma_start3A_69 = tpu.memref_squeeze %dma_start3A_68 : memref<1x128x128xf32, #tpu.memory_space<vmem>> -> memref<128x128xf32, #tpu.memory_space<vmem>>
      %dma_start3A_70 = arith.constant 0 : i32
      %dma_start3A_71 = tpu.memref_slice %arg7[%add3A_9, %dma_start3A_70] : memref<10240x128xf32, #tpu.memory_space<vmem_shared>> -> memref<128x128xf32, #tpu.memory_space<vmem_shared>>
      %dma_start3A_72 = arith.constant 0 : i32
      %dma_start3A_73 = tpu.memref_slice %arg7[%add3A_9, %dma_start3A_72] : memref<10240x128xf32, #tpu.memory_space<vmem_shared>> -> memref<128x128xf32, #tpu.memory_space<vmem_shared>>
      %dma_start3A_74 = arith.constant 0 : i32
      %dma_start3A_75 = arith.constant 0 : i32
      %dma_start3A_76 = tpu.memref_slice %arg10[%run_scoped3A_10, %dma_start3A_74, %dma_start3A_75] : memref<2x128x128xf32, #tpu.memory_space<vmem>> -> memref<1x128x128xf32, #tpu.memory_space<vmem>>
      %dma_start3A_77 = tpu.memref_squeeze %dma_start3A_76 : memref<1x128x128xf32, #tpu.memory_space<vmem>> -> memref<128x128xf32, #tpu.memory_space<vmem>>
      tpu.enqueue_dma source(%dma_start3A_77 : memref<128x128xf32, #tpu.memory_space<vmem>>) target(%dma_start3A_73 : memref<128x128xf32, #tpu.memory_space<vmem_shared>>) target_semaphore(%run_scoped3A_65 : memref<!tpu.dma_semaphore, #tpu.memory_space<semaphore_mem>>)
      %dma_wait3A_78 = arith.constant 0 : i32
      %dma_wait3A_79 = arith.constant 0 : i32
      %dma_wait3A_80 = tpu.memref_slice %arg10[%run_scoped3A_10, %dma_wait3A_78, %dma_wait3A_79] : memref<2x128x128xf32, #tpu.memory_space<vmem>> -> memref<1x128x128xf32, #tpu.memory_space<vmem>>
      %dma_wait3A_81 = tpu.memref_squeeze %dma_wait3A_80 : memref<1x128x128xf32, #tpu.memory_space<vmem>> -> memref<128x128xf32, #tpu.memory_space<vmem>>
      %dma_wait3A_82 = arith.constant 0 : i32
      %dma_wait3A_83 = tpu.memref_slice %arg7[%add3A_9, %dma_wait3A_82] : memref<10240x128xf32, #tpu.memory_space<vmem_shared>> -> memref<128x128xf32, #tpu.memory_space<vmem_shared>>
      %dma_wait3A_84 = arith.constant 0 : i32
      %dma_wait3A_85 = tpu.memref_slice %arg7[%add3A_9, %dma_wait3A_84] : memref<10240x128xf32, #tpu.memory_space<vmem_shared>> -> memref<128x128xf32, #tpu.memory_space<vmem_shared>>
      %dma_wait3A_86 = arith.constant 0 : i32
      %dma_wait3A_87 = arith.constant 0 : i32
      %dma_wait3A_88 = tpu.memref_slice %arg10[%run_scoped3A_10, %dma_wait3A_86, %dma_wait3A_87] : memref<2x128x128xf32, #tpu.memory_space<vmem>> -> memref<1x128x128xf32, #tpu.memory_space<vmem>>
      %dma_wait3A_89 = tpu.memref_squeeze %dma_wait3A_88 : memref<1x128x128xf32, #tpu.memory_space<vmem>> -> memref<128x128xf32, #tpu.memory_space<vmem>>
      tpu.wait_dma2 semaphore(%run_scoped3A_65 : memref<!tpu.dma_semaphore, #tpu.memory_space<semaphore_mem>>) src(%dma_wait3A_89 : memref<128x128xf32, #tpu.memory_space<vmem>>) dst(%dma_wait3A_85 : memref<128x128xf32, #tpu.memory_space<vmem_shared>>)
      tpu.yield
    }) : () -> ()
    %mul3A_11 = arith.constant 640 : i32
    %mul3A_12 = arith.muli %arg1, %mul3A_11 : i32
    %add3A_13 = arith.constant 256 : i32
    %add3A_14 = arith.addi %mul3A_12, %add3A_13 : i32
    %run_scoped3A_15 = arith.constant 0 : i32
    "tpu.region"() ({
      %run_scoped3A_65 = tpu.sem_alloc : memref<!tpu.dma_semaphore, #tpu.memory_space<semaphore_mem>>
      %dma_start3A_66 = arith.constant 0 : i32
      %dma_start3A_67 = arith.constant 0 : i32
      %dma_start3A_68 = tpu.memref_slice %arg10[%run_scoped3A_15, %dma_start3A_66, %dma_start3A_67] : memref<2x128x128xf32, #tpu.memory_space<vmem>> -> memref<1x128x128xf32, #tpu.memory_space<vmem>>
      %dma_start3A_69 = tpu.memref_squeeze %dma_start3A_68 : memref<1x128x128xf32, #tpu.memory_space<vmem>> -> memref<128x128xf32, #tpu.memory_space<vmem>>
      %dma_start3A_70 = arith.constant 0 : i32
      %dma_start3A_71 = tpu.memref_slice %arg7[%add3A_14, %dma_start3A_70] : memref<10240x128xf32, #tpu.memory_space<vmem_shared>> -> memref<128x128xf32, #tpu.memory_space<vmem_shared>>
      %dma_start3A_72 = arith.constant 0 : i32
      %dma_start3A_73 = tpu.memref_slice %arg7[%add3A_14, %dma_start3A_72] : memref<10240x128xf32, #tpu.memory_space<vmem_shared>> -> memref<128x128xf32, #tpu.memory_space<vmem_shared>>
      %dma_start3A_74 = arith.constant 0 : i32
      %dma_start3A_75 = arith.constant 0 : i32
      %dma_start3A_76 = tpu.memref_slice %arg10[%run_scoped3A_15, %dma_start3A_74, %dma_start3A_75] : memref<2x128x128xf32, #tpu.memory_space<vmem>> -> memref<1x128x128xf32, #tpu.memory_space<vmem>>
      %dma_start3A_77 = tpu.memref_squeeze %dma_start3A_76 : memref<1x128x128xf32, #tpu.memory_space<vmem>> -> memref<128x128xf32, #tpu.memory_space<vmem>>
      tpu.enqueue_dma source(%dma_start3A_77 : memref<128x128xf32, #tpu.memory_space<vmem>>) target(%dma_start3A_73 : memref<128x128xf32, #tpu.memory_space<vmem_shared>>) target_semaphore(%run_scoped3A_65 : memref<!tpu.dma_semaphore, #tpu.memory_space<semaphore_mem>>)
      %dma_wait3A_78 = arith.constant 0 : i32
      %dma_wait3A_79 = arith.constant 0 : i32
      %dma_wait3A_80 = tpu.memref_slice %arg10[%run_scoped3A_15, %dma_wait3A_78, %dma_wait3A_79] : memref<2x128x128xf32, #tpu.memory_space<vmem>> -> memref<1x128x128xf32, #tpu.memory_space<vmem>>
      %dma_wait3A_81 = tpu.memref_squeeze %dma_wait3A_80 : memref<1x128x128xf32, #tpu.memory_space<vmem>> -> memref<128x128xf32, #tpu.memory_space<vmem>>
      %dma_wait3A_82 = arith.constant 0 : i32
      %dma_wait3A_83 = tpu.memref_slice %arg7[%add3A_14, %dma_wait3A_82] : memref<10240x128xf32, #tpu.memory_space<vmem_shared>> -> memref<128x128xf32, #tpu.memory_space<vmem_shared>>
      %dma_wait3A_84 = arith.constant 0 : i32
      %dma_wait3A_85 = tpu.memref_slice %arg7[%add3A_14, %dma_wait3A_84] : memref<10240x128xf32, #tpu.memory_space<vmem_shared>> -> memref<128x128xf32, #tpu.memory_space<vmem_shared>>
      %dma_wait3A_86 = arith.constant 0 : i32
      %dma_wait3A_87 = arith.constant 0 : i32
      %dma_wait3A_88 = tpu.memref_slice %arg10[%run_scoped3A_15, %dma_wait3A_86, %dma_wait3A_87] : memref<2x128x128xf32, #tpu.memory_space<vmem>> -> memref<1x128x128xf32, #tpu.memory_space<vmem>>
      %dma_wait3A_89 = tpu.memref_squeeze %dma_wait3A_88 : memref<1x128x128xf32, #tpu.memory_space<vmem>> -> memref<128x128xf32, #tpu.memory_space<vmem>>
      tpu.wait_dma2 semaphore(%run_scoped3A_65 : memref<!tpu.dma_semaphore, #tpu.memory_space<semaphore_mem>>) src(%dma_wait3A_89 : memref<128x128xf32, #tpu.memory_space<vmem>>) dst(%dma_wait3A_85 : memref<128x128xf32, #tpu.memory_space<vmem_shared>>)
      tpu.yield
    }) : () -> ()
    %mul3A_16 = arith.constant 640 : i32
    %mul3A_17 = arith.muli %arg1, %mul3A_16 : i32
    %add3A_18 = arith.constant 384 : i32
    %add3A_19 = arith.addi %mul3A_17, %add3A_18 : i32
    %run_scoped3A_20 = arith.constant 0 : i32
    "tpu.region"() ({
      %run_scoped3A_65 = tpu.sem_alloc : memref<!tpu.dma_semaphore, #tpu.memory_space<semaphore_mem>>
      %dma_start3A_66 = arith.constant 0 : i32
      %dma_start3A_67 = arith.constant 0 : i32
      %dma_start3A_68 = tpu.memref_slice %arg10[%run_scoped3A_20, %dma_start3A_66, %dma_start3A_67] : memref<2x128x128xf32, #tpu.memory_space<vmem>> -> memref<1x128x128xf32, #tpu.memory_space<vmem>>
      %dma_start3A_69 = tpu.memref_squeeze %dma_start3A_68 : memref<1x128x128xf32, #tpu.memory_space<vmem>> -> memref<128x128xf32, #tpu.memory_space<vmem>>
      %dma_start3A_70 = arith.constant 0 : i32
      %dma_start3A_71 = tpu.memref_slice %arg7[%add3A_19, %dma_start3A_70] : memref<10240x128xf32, #tpu.memory_space<vmem_shared>> -> memref<128x128xf32, #tpu.memory_space<vmem_shared>>
      %dma_start3A_72 = arith.constant 0 : i32
      %dma_start3A_73 = tpu.memref_slice %arg7[%add3A_19, %dma_start3A_72] : memref<10240x128xf32, #tpu.memory_space<vmem_shared>> -> memref<128x128xf32, #tpu.memory_space<vmem_shared>>
      %dma_start3A_74 = arith.constant 0 : i32
      %dma_start3A_75 = arith.constant 0 : i32
      %dma_start3A_76 = tpu.memref_slice %arg10[%run_scoped3A_20, %dma_start3A_74, %dma_start3A_75] : memref<2x128x128xf32, #tpu.memory_space<vmem>> -> memref<1x128x128xf32, #tpu.memory_space<vmem>>
      %dma_start3A_77 = tpu.memref_squeeze %dma_start3A_76 : memref<1x128x128xf32, #tpu.memory_space<vmem>> -> memref<128x128xf32, #tpu.memory_space<vmem>>
      tpu.enqueue_dma source(%dma_start3A_77 : memref<128x128xf32, #tpu.memory_space<vmem>>) target(%dma_start3A_73 : memref<128x128xf32, #tpu.memory_space<vmem_shared>>) target_semaphore(%run_scoped3A_65 : memref<!tpu.dma_semaphore, #tpu.memory_space<semaphore_mem>>)
      %dma_wait3A_78 = arith.constant 0 : i32
      %dma_wait3A_79 = arith.constant 0 : i32
      %dma_wait3A_80 = tpu.memref_slice %arg10[%run_scoped3A_20, %dma_wait3A_78, %dma_wait3A_79] : memref<2x128x128xf32, #tpu.memory_space<vmem>> -> memref<1x128x128xf32, #tpu.memory_space<vmem>>
      %dma_wait3A_81 = tpu.memref_squeeze %dma_wait3A_80 : memref<1x128x128xf32, #tpu.memory_space<vmem>> -> memref<128x128xf32, #tpu.memory_space<vmem>>
      %dma_wait3A_82 = arith.constant 0 : i32
      %dma_wait3A_83 = tpu.memref_slice %arg7[%add3A_19, %dma_wait3A_82] : memref<10240x128xf32, #tpu.memory_space<vmem_shared>> -> memref<128x128xf32, #tpu.memory_space<vmem_shared>>
      %dma_wait3A_84 = arith.constant 0 : i32
      %dma_wait3A_85 = tpu.memref_slice %arg7[%add3A_19, %dma_wait3A_84] : memref<10240x128xf32, #tpu.memory_space<vmem_shared>> -> memref<128x128xf32, #tpu.memory_space<vmem_shared>>
      %dma_wait3A_86 = arith.constant 0 : i32
      %dma_wait3A_87 = arith.constant 0 : i32
      %dma_wait3A_88 = tpu.memref_slice %arg10[%run_scoped3A_20, %dma_wait3A_86, %dma_wait3A_87] : memref<2x128x128xf32, #tpu.memory_space<vmem>> -> memref<1x128x128xf32, #tpu.memory_space<vmem>>
      %dma_wait3A_89 = tpu.memref_squeeze %dma_wait3A_88 : memref<1x128x128xf32, #tpu.memory_space<vmem>> -> memref<128x128xf32, #tpu.memory_space<vmem>>
      tpu.wait_dma2 semaphore(%run_scoped3A_65 : memref<!tpu.dma_semaphore, #tpu.memory_space<semaphore_mem>>) src(%dma_wait3A_89 : memref<128x128xf32, #tpu.memory_space<vmem>>) dst(%dma_wait3A_85 : memref<128x128xf32, #tpu.memory_space<vmem_shared>>)
      tpu.yield
    }) : () -> ()
    %mul3A_21 = arith.constant 640 : i32
    %mul3A_22 = arith.muli %arg1, %mul3A_21 : i32
    %add3A_23 = arith.constant 512 : i32
    %add3A_24 = arith.addi %mul3A_22, %add3A_23 : i32
    %run_scoped3A_25 = arith.constant 0 : i32
    "tpu.region"() ({
      %run_scoped3A_65 = tpu.sem_alloc : memref<!tpu.dma_semaphore, #tpu.memory_space<semaphore_mem>>
      %dma_start3A_66 = arith.constant 0 : i32
      %dma_start3A_67 = arith.constant 0 : i32
      %dma_start3A_68 = tpu.memref_slice %arg10[%run_scoped3A_25, %dma_start3A_66, %dma_start3A_67] : memref<2x128x128xf32, #tpu.memory_space<vmem>> -> memref<1x128x128xf32, #tpu.memory_space<vmem>>
      %dma_start3A_69 = tpu.memref_squeeze %dma_start3A_68 : memref<1x128x128xf32, #tpu.memory_space<vmem>> -> memref<128x128xf32, #tpu.memory_space<vmem>>
      %dma_start3A_70 = arith.constant 0 : i32
      %dma_start3A_71 = tpu.memref_slice %arg7[%add3A_24, %dma_start3A_70] : memref<10240x128xf32, #tpu.memory_space<vmem_shared>> -> memref<128x128xf32, #tpu.memory_space<vmem_shared>>
      %dma_start3A_72 = arith.constant 0 : i32
      %dma_start3A_73 = tpu.memref_slice %arg7[%add3A_24, %dma_start3A_72] : memref<10240x128xf32, #tpu.memory_space<vmem_shared>> -> memref<128x128xf32, #tpu.memory_space<vmem_shared>>
      %dma_start3A_74 = arith.constant 0 : i32
      %dma_start3A_75 = arith.constant 0 : i32
      %dma_start3A_76 = tpu.memref_slice %arg10[%run_scoped3A_25, %dma_start3A_74, %dma_start3A_75] : memref<2x128x128xf32, #tpu.memory_space<vmem>> -> memref<1x128x128xf32, #tpu.memory_space<vmem>>
      %dma_start3A_77 = tpu.memref_squeeze %dma_start3A_76 : memref<1x128x128xf32, #tpu.memory_space<vmem>> -> memref<128x128xf32, #tpu.memory_space<vmem>>
      tpu.enqueue_dma source(%dma_start3A_77 : memref<128x128xf32, #tpu.memory_space<vmem>>) target(%dma_start3A_73 : memref<128x128xf32, #tpu.memory_space<vmem_shared>>) target_semaphore(%run_scoped3A_65 : memref<!tpu.dma_semaphore, #tpu.memory_space<semaphore_mem>>)
      %dma_wait3A_78 = arith.constant 0 : i32
      %dma_wait3A_79 = arith.constant 0 : i32
      %dma_wait3A_80 = tpu.memref_slice %arg10[%run_scoped3A_25, %dma_wait3A_78, %dma_wait3A_79] : memref<2x128x128xf32, #tpu.memory_space<vmem>> -> memref<1x128x128xf32, #tpu.memory_space<vmem>>
      %dma_wait3A_81 = tpu.memref_squeeze %dma_wait3A_80 : memref<1x128x128xf32, #tpu.memory_space<vmem>> -> memref<128x128xf32, #tpu.memory_space<vmem>>
      %dma_wait3A_82 = arith.constant 0 : i32
      %dma_wait3A_83 = tpu.memref_slice %arg7[%add3A_24, %dma_wait3A_82] : memref<10240x128xf32, #tpu.memory_space<vmem_shared>> -> memref<128x128xf32, #tpu.memory_space<vmem_shared>>
      %dma_wait3A_84 = arith.constant 0 : i32
      %dma_wait3A_85 = tpu.memref_slice %arg7[%add3A_24, %dma_wait3A_84] : memref<10240x128xf32, #tpu.memory_space<vmem_shared>> -> memref<128x128xf32, #tpu.memory_space<vmem_shared>>
      %dma_wait3A_86 = arith.constant 0 : i32
      %dma_wait3A_87 = arith.constant 0 : i32
      %dma_wait3A_88 = tpu.memref_slice %arg10[%run_scoped3A_25, %dma_wait3A_86, %dma_wait3A_87] : memref<2x128x128xf32, #tpu.memory_space<vmem>> -> memref<1x128x128xf32, #tpu.memory_space<vmem>>
      %dma_wait3A_89 = tpu.memref_squeeze %dma_wait3A_88 : memref<1x128x128xf32, #tpu.memory_space<vmem>> -> memref<128x128xf32, #tpu.memory_space<vmem>>
      tpu.wait_dma2 semaphore(%run_scoped3A_65 : memref<!tpu.dma_semaphore, #tpu.memory_space<semaphore_mem>>) src(%dma_wait3A_89 : memref<128x128xf32, #tpu.memory_space<vmem>>) dst(%dma_wait3A_85 : memref<128x128xf32, #tpu.memory_space<vmem_shared>>)
      tpu.yield
    }) : () -> ()
    %mul3A_26 = arith.constant 80 : i32
    %mul3A_27 = arith.muli %add3A, %mul3A_26 : i32
    "tpu.region"() ({
      %run_scoped3A_65 = tpu.sem_alloc : memref<!tpu.dma_semaphore, #tpu.memory_space<semaphore_mem>>
      %dma_start3A_66 = arith.constant 0 : i32
      %dma_start3A_67 = tpu.memref_slice %arg3[%mul3A_27, %dma_start3A_66] : memref<2560x128xi32, #tpu.memory_space<hbm>> -> memref<80x128xi32, #tpu.memory_space<hbm>>
      %dma_start3A_68 = arith.constant 0 : i32
      %dma_start3A_69 = tpu.memref_slice %arg3[%mul3A_27, %dma_start3A_68] : memref<2560x128xi32, #tpu.memory_space<hbm>> -> memref<80x128xi32, #tpu.memory_space<hbm>>
      tpu.enqueue_dma source(%dma_start3A_69 : memref<80x128xi32, #tpu.memory_space<hbm>>) target(%arg8 : memref<80x128xi32, #tpu.memory_space<vmem>>) target_semaphore(%run_scoped3A_65 : memref<!tpu.dma_semaphore, #tpu.memory_space<semaphore_mem>>)
      %dma_wait3A_70 = arith.constant 0 : i32
      %dma_wait3A_71 = tpu.memref_slice %arg3[%mul3A_27, %dma_wait3A_70] : memref<2560x128xi32, #tpu.memory_space<hbm>> -> memref<80x128xi32, #tpu.memory_space<hbm>>
      %dma_wait3A_72 = arith.constant 0 : i32
      %dma_wait3A_73 = tpu.memref_slice %arg3[%mul3A_27, %dma_wait3A_72] : memref<2560x128xi32, #tpu.memory_space<hbm>> -> memref<80x128xi32, #tpu.memory_space<hbm>>
      tpu.wait_dma2 semaphore(%run_scoped3A_65 : memref<!tpu.dma_semaphore, #tpu.memory_space<semaphore_mem>>) src(%dma_wait3A_73 : memref<80x128xi32, #tpu.memory_space<hbm>>) dst(%arg8 : memref<80x128xi32, #tpu.memory_space<vmem>>)
      tpu.yield
    }) : () -> ()
    %mul3A_28 = arith.constant 80 : i32
    %mul3A_29 = arith.muli %add3A, %mul3A_28 : i32
    %mul3A_30 = arith.constant 128 : i32
    %mul3A_31 = arith.muli %mul3A_29, %mul3A_30 : i32
    %run_scoped3A_32 = arith.constant 0 : i32
    "tpu.region"() ({
      %run_scoped3A_65 = tpu.sem_alloc : memref<!tpu.dma_semaphore, #tpu.memory_space<semaphore_mem>>
      %dma_start3A_66 = arith.constant 0 : i32
      %dma_start3A_67 = tpu.memref_slice %arg9[%run_scoped3A_32, %dma_start3A_66] : memref<2x128xi32, #tpu.memory_space<vmem>> -> memref<1x128xi32, #tpu.memory_space<vmem>>
      %dma_start3A_68 = tpu.memref_squeeze %dma_start3A_67 : memref<1x128xi32, #tpu.memory_space<vmem>> -> memref<128xi32, #tpu.memory_space<vmem>>
      %dma_start3A_69 = tpu.memref_slice %arg4[%mul3A_31] : memref<327680xi32, #tpu.memory_space<hbm>> -> memref<128xi32, #tpu.memory_space<hbm>>
      %dma_start3A_70 = arith.constant 0 : i32
      %dma_start3A_71 = tpu.memref_slice %arg9[%run_scoped3A_32, %dma_start3A_70] : memref<2x128xi32, #tpu.memory_space<vmem>> -> memref<1x128xi32, #tpu.memory_space<vmem>>
      %dma_start3A_72 = tpu.memref_squeeze %dma_start3A_71 : memref<1x128xi32, #tpu.memory_space<vmem>> -> memref<128xi32, #tpu.memory_space<vmem>>
      %dma_start3A_73 = tpu.memref_slice %arg4[%mul3A_31] : memref<327680xi32, #tpu.memory_space<hbm>> -> memref<128xi32, #tpu.memory_space<hbm>>
      tpu.enqueue_dma source(%dma_start3A_73 : memref<128xi32, #tpu.memory_space<hbm>>) target(%dma_start3A_72 : memref<128xi32, #tpu.memory_space<vmem>>) target_semaphore(%run_scoped3A_65 : memref<!tpu.dma_semaphore, #tpu.memory_space<semaphore_mem>>)
      %dma_wait3A_74 = arith.constant 0 : i32
      %dma_wait3A_75 = tpu.memref_slice %arg9[%run_scoped3A_32, %dma_wait3A_74] : memref<2x128xi32, #tpu.memory_space<vmem>> -> memref<1x128xi32, #tpu.memory_space<vmem>>
      %dma_wait3A_76 = tpu.memref_squeeze %dma_wait3A_75 : memref<1x128xi32, #tpu.memory_space<vmem>> -> memref<128xi32, #tpu.memory_space<vmem>>
      %dma_wait3A_77 = tpu.memref_slice %arg4[%mul3A_31] : memref<327680xi32, #tpu.memory_space<hbm>> -> memref<128xi32, #tpu.memory_space<hbm>>
      %dma_wait3A_78 = arith.constant 0 : i32
      %dma_wait3A_79 = tpu.memref_slice %arg9[%run_scoped3A_32, %dma_wait3A_78] : memref<2x128xi32, #tpu.memory_space<vmem>> -> memref<1x128xi32, #tpu.memory_space<vmem>>
      %dma_wait3A_80 = tpu.memref_squeeze %dma_wait3A_79 : memref<1x128xi32, #tpu.memory_space<vmem>> -> memref<128xi32, #tpu.memory_space<vmem>>
      %dma_wait3A_81 = tpu.memref_slice %arg4[%mul3A_31] : memref<327680xi32, #tpu.memory_space<hbm>> -> memref<128xi32, #tpu.memory_space<hbm>>
      tpu.wait_dma2 semaphore(%run_scoped3A_65 : memref<!tpu.dma_semaphore, #tpu.memory_space<semaphore_mem>>) src(%dma_wait3A_81 : memref<128xi32, #tpu.memory_space<hbm>>) dst(%dma_wait3A_80 : memref<128xi32, #tpu.memory_space<vmem>>)
      tpu.yield
    }) : () -> ()
    %barrier3A = arith.constant 0 : index
    tpu.barrier barrier_id(%barrier3A)
    %dma_start3A = arith.constant 0 : i32
    %dma_start3A_33 = arith.constant 0 : i32
    %dma_start3A_34 = arith.constant 0 : i32
    %dma_start3A_35 = arith.constant 0 : i32
    %dma_start3A_36 = tpu.memref_slice %arg10[%dma_start3A_33, %dma_start3A_34, %dma_start3A_35] : memref<2x128x128xf32, #tpu.memory_space<vmem>> -> memref<1x128x128xf32, #tpu.memory_space<vmem>>
    %dma_start3A_37 = tpu.memref_squeeze %dma_start3A_36 : memref<1x128x128xf32, #tpu.memory_space<vmem>> -> memref<128x128xf32, #tpu.memory_space<vmem>>
    %dma_start3A_38 = arith.constant 0 : i32
    %dma_start3A_39 = tpu.memref_slice %arg8[%dma_start3A, %dma_start3A_38] : memref<80x128xi32, #tpu.memory_space<vmem>> -> memref<1x128xi32, #tpu.memory_space<vmem>>
    %dma_start3A_40 = tpu.memref_squeeze %dma_start3A_39 : memref<1x128xi32, #tpu.memory_space<vmem>> -> memref<128xi32, #tpu.memory_space<vmem>>
    %dma_start3A_41 = arith.constant 0 : i32
    %dma_start3A_42 = arith.constant 0 : i32
    %dma_start3A_43 = tpu.memref_slice %arg2[%dma_start3A_41, %dma_start3A_42] : memref<10240x128xf32, #tpu.memory_space<hbm>> -> memref<10240x128xf32, #tpu.memory_space<hbm>>
    tpu.enqueue_indirect_dma source(%dma_start3A_43 : memref<10240x128xf32, #tpu.memory_space<hbm>>) target(%dma_start3A_37 : memref<128x128xf32, #tpu.memory_space<vmem>>) offsets(%dma_start3A_40 : memref<128xi32, #tpu.memory_space<vmem>>) semaphore(%arg11 : memref<!tpu.dma_semaphore, #tpu.memory_space<semaphore_mem>>)
    %scan3A = arith.constant 0 : i32
    %scan3A_44 = arith.constant 0 : i32
    %scan3A_45 = arith.constant 80 : i32
    %scan3A_46 = arith.addi %scan3A_44, %scan3A_45 : i32
    %scan3A_47 = arith.constant 1 : i32
    scf.for %scan3A_65 = %scan3A_44 to %scan3A_46 step %scan3A_47  : i32 {
      %jit3A = arith.constant 2 : i32
      %eq3A = arith.constant 0 : i32
      %eq3A_66 = arith.cmpi eq, %jit3A, %eq3A : i32
      %jit3A_67 = arith.constant 1 : i32
      %select_n3A = arith.select %eq3A_66, %jit3A_67, %jit3A : i32
      %rem3A = arith.remsi %scan3A_65, %select_n3A : i32
      %ne3A = arith.constant 0 : i32
      %ne3A_68 = arith.cmpi ne, %rem3A, %ne3A : i32
      %lt3A = arith.constant 0 : i32
      %lt3A_69 = arith.cmpi slt, %rem3A, %lt3A : i32
      %lt3A_70 = arith.constant 0 : i32
      %lt3A_71 = arith.cmpi slt, %select_n3A, %lt3A_70 : i32
      %ne3A_72 = arith.xori %lt3A_69, %lt3A_71 : i1
      %and3A = arith.andi %ne3A_72, %ne3A_68 : i1
      %add3A_73 = arith.addi %rem3A, %select_n3A : i32
      %select_n3A_74 = arith.select %and3A, %add3A_73, %rem3A : i32
      %add3A_75 = arith.constant 1 : i32
      %add3A_76 = arith.addi %scan3A_65, %add3A_75 : i32
      %jit3A_77 = arith.constant 2 : i32
      %eq3A_78 = arith.constant 0 : i32
      %eq3A_79 = arith.cmpi eq, %jit3A_77, %eq3A_78 : i32
      %jit3A_80 = arith.constant 1 : i32
      %select_n3A_81 = arith.select %eq3A_79, %jit3A_80, %jit3A_77 : i32
      %rem3A_82 = arith.remsi %add3A_76, %select_n3A_81 : i32
      %ne3A_83 = arith.constant 0 : i32
      %ne3A_84 = arith.cmpi ne, %rem3A_82, %ne3A_83 : i32
      %lt3A_85 = arith.constant 0 : i32
      %lt3A_86 = arith.cmpi slt, %rem3A_82, %lt3A_85 : i32
      %lt3A_87 = arith.constant 0 : i32
      %lt3A_88 = arith.cmpi slt, %select_n3A_81, %lt3A_87 : i32
      %ne3A_89 = arith.xori %lt3A_86, %lt3A_88 : i1
      %and3A_90 = arith.andi %ne3A_89, %ne3A_84 : i1
      %add3A_91 = arith.addi %rem3A_82, %select_n3A_81 : i32
      %select_n3A_92 = arith.select %and3A_90, %add3A_91, %rem3A_82 : i32
      %ge3A = arith.constant 1 : i32
      %ge3A_93 = arith.cmpi sge, %scan3A_65, %ge3A : i32
      %convert_element_type3A = arith.extui %ge3A_93 : i1 to i32
      %cond3A = arith.constant 0 : i32
      %cond3A_94 = arith.cmpi ne, %convert_element_type3A, %cond3A : i32
      scf.if %cond3A_94 {
        %dma_wait3A_127 = arith.constant 0 : i32
        %dma_wait3A_128 = arith.constant 0 : i32
        %dma_wait3A_129 = arith.constant 0 : i32
        %dma_wait3A_130 = tpu.memref_slice %arg10[%select_n3A_92, %dma_wait3A_128, %dma_wait3A_129] : memref<2x128x128xf32, #tpu.memory_space<vmem>> -> memref<1x128x128xf32, #tpu.memory_space<vmem>>
        %dma_wait3A_131 = tpu.memref_squeeze %dma_wait3A_130 : memref<1x128x128xf32, #tpu.memory_space<vmem>> -> memref<128x128xf32, #tpu.memory_space<vmem>>
        %dma_wait3A_132 = arith.constant 0 : i32
        %dma_wait3A_133 = tpu.memref_slice %arg8[%dma_wait3A_127, %dma_wait3A_132] : memref<80x128xi32, #tpu.memory_space<vmem>> -> memref<1x128xi32, #tpu.memory_space<vmem>>
        %dma_wait3A_134 = tpu.memref_squeeze %dma_wait3A_133 : memref<1x128xi32, #tpu.memory_space<vmem>> -> memref<128xi32, #tpu.memory_space<vmem>>
        %dma_wait3A_135 = arith.constant 0 : i32
        %dma_wait3A_136 = arith.constant 0 : i32
        %dma_wait3A_137 = tpu.memref_slice %arg2[%dma_wait3A_135, %dma_wait3A_136] : memref<10240x128xf32, #tpu.memory_space<hbm>> -> memref<10240x128xf32, #tpu.memory_space<hbm>>
        tpu.wait_indirect_dma semaphore(%arg12 : memref<!tpu.dma_semaphore, #tpu.memory_space<semaphore_mem>>) src(%dma_wait3A_137 : memref<10240x128xf32, #tpu.memory_space<hbm>>) dst(%dma_wait3A_131 : memref<128x128xf32, #tpu.memory_space<vmem>>)
      } else {
      }
      %add3A_95 = arith.constant 1 : i32
      %add3A_96 = arith.addi %scan3A_65, %add3A_95 : i32
      %lt3A_97 = arith.constant 80 : i32
      %lt3A_98 = arith.cmpi slt, %add3A_96, %lt3A_97 : i32
      %convert_element_type3A_99 = arith.extui %lt3A_98 : i1 to i32
      %cond3A_100 = arith.constant 0 : i32
      %cond3A_101 = arith.cmpi ne, %convert_element_type3A_99, %cond3A_100 : i32
      scf.if %cond3A_101 {
        %add3A_127 = arith.constant 1 : i32
        %add3A_128 = arith.addi %scan3A_65, %add3A_127 : i32
        %dma_start3A_129 = arith.constant 0 : i32
        %dma_start3A_130 = arith.constant 0 : i32
        %dma_start3A_131 = tpu.memref_slice %arg10[%select_n3A_92, %dma_start3A_129, %dma_start3A_130] : memref<2x128x128xf32, #tpu.memory_space<vmem>> -> memref<1x128x128xf32, #tpu.memory_space<vmem>>
        %dma_start3A_132 = tpu.memref_squeeze %dma_start3A_131 : memref<1x128x128xf32, #tpu.memory_space<vmem>> -> memref<128x128xf32, #tpu.memory_space<vmem>>
        %dma_start3A_133 = arith.constant 0 : i32
        %dma_start3A_134 = tpu.memref_slice %arg8[%add3A_128, %dma_start3A_133] : memref<80x128xi32, #tpu.memory_space<vmem>> -> memref<1x128xi32, #tpu.memory_space<vmem>>
        %dma_start3A_135 = tpu.memref_squeeze %dma_start3A_134 : memref<1x128xi32, #tpu.memory_space<vmem>> -> memref<128xi32, #tpu.memory_space<vmem>>
        %dma_start3A_136 = arith.constant 0 : i32
        %dma_start3A_137 = arith.constant 0 : i32
        %dma_start3A_138 = tpu.memref_slice %arg2[%dma_start3A_136, %dma_start3A_137] : memref<10240x128xf32, #tpu.memory_space<hbm>> -> memref<10240x128xf32, #tpu.memory_space<hbm>>
        tpu.enqueue_indirect_dma source(%dma_start3A_138 : memref<10240x128xf32, #tpu.memory_space<hbm>>) target(%dma_start3A_132 : memref<128x128xf32, #tpu.memory_space<vmem>>) offsets(%dma_start3A_135 : memref<128xi32, #tpu.memory_space<vmem>>) semaphore(%arg11 : memref<!tpu.dma_semaphore, #tpu.memory_space<semaphore_mem>>)
        %mul3A_139 = arith.constant 80 : i32
        %mul3A_140 = arith.muli %add3A, %mul3A_139 : i32
        %add3A_141 = arith.addi %mul3A_140, %scan3A_65 : i32
        %add3A_142 = arith.constant 1 : i32
        %add3A_143 = arith.addi %add3A_141, %add3A_142 : i32
        %mul3A_144 = arith.constant 128 : i32
        %mul3A_145 = arith.muli %add3A_143, %mul3A_144 : i32
        %dma_start3A_146 = arith.constant 0 : i32
        %dma_start3A_147 = tpu.memref_slice %arg9[%select_n3A_92, %dma_start3A_146] : memref<2x128xi32, #tpu.memory_space<vmem>> -> memref<1x128xi32, #tpu.memory_space<vmem>>
        %dma_start3A_148 = tpu.memref_squeeze %dma_start3A_147 : memref<1x128xi32, #tpu.memory_space<vmem>> -> memref<128xi32, #tpu.memory_space<vmem>>
        %dma_start3A_149 = tpu.memref_slice %arg4[%mul3A_145] : memref<327680xi32, #tpu.memory_space<hbm>> -> memref<128xi32, #tpu.memory_space<hbm>>
        %dma_start3A_150 = arith.constant 0 : i32
        %dma_start3A_151 = tpu.memref_slice %arg9[%select_n3A_92, %dma_start3A_150] : memref<2x128xi32, #tpu.memory_space<vmem>> -> memref<1x128xi32, #tpu.memory_space<vmem>>
        %dma_start3A_152 = tpu.memref_squeeze %dma_start3A_151 : memref<1x128xi32, #tpu.memory_space<vmem>> -> memref<128xi32, #tpu.memory_space<vmem>>
        %dma_start3A_153 = tpu.memref_slice %arg4[%mul3A_145] : memref<327680xi32, #tpu.memory_space<hbm>> -> memref<128xi32, #tpu.memory_space<hbm>>
        tpu.enqueue_dma source(%dma_start3A_153 : memref<128xi32, #tpu.memory_space<hbm>>) target(%dma_start3A_152 : memref<128xi32, #tpu.memory_space<vmem>>) target_semaphore(%arg13 : memref<!tpu.dma_semaphore, #tpu.memory_space<semaphore_mem>>)
      } else {
      }
      %dma_wait3A_102 = arith.constant 0 : i32
      %dma_wait3A_103 = arith.constant 0 : i32
      %dma_wait3A_104 = tpu.memref_slice %arg10[%select_n3A_74, %dma_wait3A_102, %dma_wait3A_103] : memref<2x128x128xf32, #tpu.memory_space<vmem>> -> memref<1x128x128xf32, #tpu.memory_space<vmem>>
      %dma_wait3A_105 = tpu.memref_squeeze %dma_wait3A_104 : memref<1x128x128xf32, #tpu.memory_space<vmem>> -> memref<128x128xf32, #tpu.memory_space<vmem>>
      %dma_wait3A_106 = arith.constant 0 : i32
      %dma_wait3A_107 = tpu.memref_slice %arg8[%scan3A_65, %dma_wait3A_106] : memref<80x128xi32, #tpu.memory_space<vmem>> -> memref<1x128xi32, #tpu.memory_space<vmem>>
      %dma_wait3A_108 = tpu.memref_squeeze %dma_wait3A_107 : memref<1x128xi32, #tpu.memory_space<vmem>> -> memref<128xi32, #tpu.memory_space<vmem>>
      %dma_wait3A_109 = arith.constant 0 : i32
      %dma_wait3A_110 = arith.constant 0 : i32
      %dma_wait3A_111 = tpu.memref_slice %arg2[%dma_wait3A_109, %dma_wait3A_110] : memref<10240x128xf32, #tpu.memory_space<hbm>> -> memref<10240x128xf32, #tpu.memory_space<hbm>>
      tpu.wait_indirect_dma semaphore(%arg11 : memref<!tpu.dma_semaphore, #tpu.memory_space<semaphore_mem>>) src(%dma_wait3A_111 : memref<10240x128xf32, #tpu.memory_space<hbm>>) dst(%dma_wait3A_105 : memref<128x128xf32, #tpu.memory_space<vmem>>)
      %ge3A_112 = arith.constant 1 : i32
      %ge3A_113 = arith.cmpi sge, %scan3A_65, %ge3A_112 : i32
      %convert_element_type3A_114 = arith.extui %ge3A_113 : i1 to i32
      %cond3A_115 = arith.constant 0 : i32
      %cond3A_116 = arith.cmpi ne, %convert_element_type3A_114, %cond3A_115 : i32
      scf.if %cond3A_116 {
        %mul3A_127 = arith.constant 80 : i32
        %mul3A_128 = arith.muli %add3A, %mul3A_127 : i32
        %mul3A_129 = arith.constant 128 : i32
        %mul3A_130 = arith.muli %mul3A_128, %mul3A_129 : i32
        %dma_wait3A_131 = arith.constant 0 : i32
        %dma_wait3A_132 = tpu.memref_slice %arg9[%select_n3A_74, %dma_wait3A_131] : memref<2x128xi32, #tpu.memory_space<vmem>> -> memref<1x128xi32, #tpu.memory_space<vmem>>
        %dma_wait3A_133 = tpu.memref_squeeze %dma_wait3A_132 : memref<1x128xi32, #tpu.memory_space<vmem>> -> memref<128xi32, #tpu.memory_space<vmem>>
        %dma_wait3A_134 = tpu.memref_slice %arg4[%mul3A_130] : memref<327680xi32, #tpu.memory_space<hbm>> -> memref<128xi32, #tpu.memory_space<hbm>>
        %dma_wait3A_135 = arith.constant 0 : i32
        %dma_wait3A_136 = tpu.memref_slice %arg9[%select_n3A_74, %dma_wait3A_135] : memref<2x128xi32, #tpu.memory_space<vmem>> -> memref<1x128xi32, #tpu.memory_space<vmem>>
        %dma_wait3A_137 = tpu.memref_squeeze %dma_wait3A_136 : memref<1x128xi32, #tpu.memory_space<vmem>> -> memref<128xi32, #tpu.memory_space<vmem>>
        %dma_wait3A_138 = tpu.memref_slice %arg4[%mul3A_130] : memref<327680xi32, #tpu.memory_space<hbm>> -> memref<128xi32, #tpu.memory_space<hbm>>
        tpu.wait_dma2 semaphore(%arg13 : memref<!tpu.dma_semaphore, #tpu.memory_space<semaphore_mem>>) src(%dma_wait3A_138 : memref<128xi32, #tpu.memory_space<hbm>>) dst(%dma_wait3A_137 : memref<128xi32, #tpu.memory_space<vmem>>)
      } else {
      }
      %dma_start3A_117 = arith.constant 0 : i32
      %dma_start3A_118 = arith.constant 0 : i32
      %dma_start3A_119 = tpu.memref_slice %arg10[%select_n3A_74, %dma_start3A_117, %dma_start3A_118] : memref<2x128x128xf32, #tpu.memory_space<vmem>> -> memref<1x128x128xf32, #tpu.memory_space<vmem>>
      %dma_start3A_120 = tpu.memref_squeeze %dma_start3A_119 : memref<1x128x128xf32, #tpu.memory_space<vmem>> -> memref<128x128xf32, #tpu.memory_space<vmem>>
      %dma_start3A_121 = arith.constant 0 : i32
      %dma_start3A_122 = tpu.memref_slice %arg9[%select_n3A_74, %dma_start3A_121] : memref<2x128xi32, #tpu.memory_space<vmem>> -> memref<1x128xi32, #tpu.memory_space<vmem>>
      %dma_start3A_123 = tpu.memref_squeeze %dma_start3A_122 : memref<1x128xi32, #tpu.memory_space<vmem>> -> memref<128xi32, #tpu.memory_space<vmem>>
      %dma_start3A_124 = arith.constant 0 : i32
      %dma_start3A_125 = arith.constant 0 : i32
      %dma_start3A_126 = tpu.memref_slice %arg7[%dma_start3A_124, %dma_start3A_125] : memref<10240x128xf32, #tpu.memory_space<vmem_shared>> -> memref<10240x128xf32, #tpu.memory_space<vmem_shared>>
      tpu.enqueue_indirect_dma source(%dma_start3A_120 : memref<128x128xf32, #tpu.memory_space<vmem>>) target(%dma_start3A_126 : memref<10240x128xf32, #tpu.memory_space<vmem_shared>>) offsets(%dma_start3A_123 : memref<128xi32, #tpu.memory_space<vmem>>) semaphore(%arg12 : memref<!tpu.dma_semaphore, #tpu.memory_space<semaphore_mem>>) {add = true}
    }
    %scan3A_48 = arith.constant 80 : i32
    %dma_wait3A = arith.constant 0 : i32
    %dma_wait3A_49 = arith.constant 1 : i32
    %dma_wait3A_50 = arith.constant 0 : i32
    %dma_wait3A_51 = arith.constant 0 : i32
    %dma_wait3A_52 = tpu.memref_slice %arg10[%dma_wait3A_49, %dma_wait3A_50, %dma_wait3A_51] : memref<2x128x128xf32, #tpu.memory_space<vmem>> -> memref<1x128x128xf32, #tpu.memory_space<vmem>>
    %dma_wait3A_53 = tpu.memref_squeeze %dma_wait3A_52 : memref<1x128x128xf32, #tpu.memory_space<vmem>> -> memref<128x128xf32, #tpu.memory_space<vmem>>
    %dma_wait3A_54 = arith.constant 0 : i32
    %dma_wait3A_55 = tpu.memref_slice %arg8[%dma_wait3A, %dma_wait3A_54] : memref<80x128xi32, #tpu.memory_space<vmem>> -> memref<1x128xi32, #tpu.memory_space<vmem>>
    %dma_wait3A_56 = tpu.memref_squeeze %dma_wait3A_55 : memref<1x128xi32, #tpu.memory_space<vmem>> -> memref<128xi32, #tpu.memory_space<vmem>>
    %dma_wait3A_57 = arith.constant 0 : i32
    %dma_wait3A_58 = arith.constant 0 : i32
    %dma_wait3A_59 = tpu.memref_slice %arg2[%dma_wait3A_57, %dma_wait3A_58] : memref<10240x128xf32, #tpu.memory_space<hbm>> -> memref<10240x128xf32, #tpu.memory_space<hbm>>
    tpu.wait_indirect_dma semaphore(%arg12 : memref<!tpu.dma_semaphore, #tpu.memory_space<semaphore_mem>>) src(%dma_wait3A_59 : memref<10240x128xf32, #tpu.memory_space<hbm>>) dst(%dma_wait3A_53 : memref<128x128xf32, #tpu.memory_space<vmem>>)
    %barrier3A_60 = arith.constant 0 : index
    tpu.barrier barrier_id(%barrier3A_60)
    %mul3A_61 = arith.constant 640 : i32
    %mul3A_62 = arith.muli %arg1, %mul3A_61 : i32
    %mul3A_63 = arith.constant 640 : i32
    %mul3A_64 = arith.muli %arg1, %mul3A_63 : i32
    "tpu.region"() ({
      %run_scoped3A_65 = tpu.sem_alloc : memref<!tpu.dma_semaphore, #tpu.memory_space<semaphore_mem>>
      %dma_start3A_66 = arith.constant 0 : i32
      %dma_start3A_67 = tpu.memref_slice %arg6[%arg0, %mul3A_64, %dma_start3A_66] : memref<2x10240x128xf32, #tpu.memory_space<hbm>> -> memref<1x640x128xf32, #tpu.memory_space<hbm>>
      %dma_start3A_68 = tpu.memref_squeeze %dma_start3A_67 : memref<1x640x128xf32, #tpu.memory_space<hbm>> -> memref<640x128xf32, #tpu.memory_space<hbm>>
      %dma_start3A_69 = arith.constant 0 : i32
      %dma_start3A_70 = tpu.memref_slice %arg7[%mul3A_62, %dma_start3A_69] : memref<10240x128xf32, #tpu.memory_space<vmem_shared>> -> memref<640x128xf32, #tpu.memory_space<vmem_shared>>
      tpu.enqueue_dma source(%dma_start3A_70 : memref<640x128xf32, #tpu.memory_space<vmem_shared>>) target(%dma_start3A_68 : memref<640x128xf32, #tpu.memory_space<hbm>>) target_semaphore(%run_scoped3A_65 : memref<!tpu.dma_semaphore, #tpu.memory_space<semaphore_mem>>)
      %dma_wait3A_71 = arith.constant 0 : i32
      %dma_wait3A_72 = tpu.memref_slice %arg6[%arg0, %mul3A_64, %dma_wait3A_71] : memref<2x10240x128xf32, #tpu.memory_space<hbm>> -> memref<1x640x128xf32, #tpu.memory_space<hbm>>
      %dma_wait3A_73 = tpu.memref_squeeze %dma_wait3A_72 : memref<1x640x128xf32, #tpu.memory_space<hbm>> -> memref<640x128xf32, #tpu.memory_space<hbm>>
      %dma_wait3A_74 = arith.constant 0 : i32
      %dma_wait3A_75 = tpu.memref_slice %arg7[%mul3A_62, %dma_wait3A_74] : memref<10240x128xf32, #tpu.memory_space<vmem_shared>> -> memref<640x128xf32, #tpu.memory_space<vmem_shared>>
      tpu.wait_dma2 semaphore(%run_scoped3A_65 : memref<!tpu.dma_semaphore, #tpu.memory_space<semaphore_mem>>) src(%dma_wait3A_75 : memref<640x128xf32, #tpu.memory_space<vmem_shared>>) dst(%dma_wait3A_73 : memref<640x128xf32, #tpu.memory_space<hbm>>)
      tpu.yield
    }) : () -> ()
    return
  }
}

module attributes {stable_mosaic.version = 14 : i64} {
  func.func @_proj_body(%arg0: i32, %arg1: memref<2048x128xf32, #tpu.memory_space<vmem>>, %arg2: memref<2048x1xf32, #tpu.memory_space<vmem>>, %arg3: memref<2048x1xf32, #tpu.memory_space<vmem>>, %arg4: memref<128x128xf32, #tpu.memory_space<vmem>>, %arg5: memref<1x128xf32, #tpu.memory_space<vmem>>, %arg6: memref<128x128xf32, #tpu.memory_space<vmem>>, %arg7: memref<2048x128xf32, #tpu.memory_space<vmem>>, %arg8: memref<2048x128xf32, #tpu.memory_space<vmem>>, %arg9: memref<2048x1xf32, #tpu.memory_space<vmem>>) attributes {dimension_semantics = [#tpu.dimension_semantics<arbitrary>], iteration_bounds = array<i64: 5>, scalar_prefetch = 0 : i64, scratch_operands = 0 : i64, tpu.core_type = #tpu.core_type<tc>, window_params = [{transform_indices = @transform_0, window_bounds = array<i64: 2048, 128>}, {transform_indices = @transform_1, window_bounds = array<i64: 2048, 1>}, {transform_indices = @transform_2, window_bounds = array<i64: 2048, 1>}, {pipeline_mode = #tpu.pipeline_mode<synchronous>, transform_indices = @transform_3, window_bounds = array<i64: 128, 128>}, {pipeline_mode = #tpu.pipeline_mode<synchronous>, transform_indices = @transform_4, window_bounds = array<i64: 1, 128>}, {pipeline_mode = #tpu.pipeline_mode<synchronous>, transform_indices = @transform_5, window_bounds = array<i64: 128, 128>}, {transform_indices = @transform_6, window_bounds = array<i64: 2048, 128>}, {transform_indices = @transform_7, window_bounds = array<i64: 2048, 128>}, {transform_indices = @transform_8, window_bounds = array<i64: 2048, 1>}]} {
    %get3A = arith.constant 0 : index
    %get3A_0 = arith.constant 0 : index
    %get3A_1 = vector.load %arg2[%get3A, %get3A_0] : memref<2048x1xf32, #tpu.memory_space<vmem>>, vector<2048x1xf32>
    %get3A_2 = arith.constant 0 : index
    %get3A_3 = arith.constant 0 : index
    %get3A_4 = vector.load %arg3[%get3A_2, %get3A_3] : memref<2048x1xf32, #tpu.memory_space<vmem>>, vector<2048x1xf32>
    %add3A = arith.addf %get3A_1, %get3A_4 : vector<2048x1xf32>
    %add3A_5 = arith.constant 1.000000e+00 : f32
    %add3A_6 = vector.broadcast %add3A_5 : f32 to vector<2048x1xf32>
    %add3A_7 = arith.addf %add3A, %add3A_6 : vector<2048x1xf32>
    %rsqrt3A = math.rsqrt %add3A_7 : vector<2048x1xf32>
    %get3A_8 = arith.constant 0 : index
    %get3A_9 = arith.constant 0 : index
    %get3A_10 = vector.load %arg1[%get3A_8, %get3A_9] : memref<2048x128xf32, #tpu.memory_space<vmem>>, vector<2048x128xf32>
    %get3A_11 = arith.constant 0 : index
    %get3A_12 = arith.constant 0 : index
    %get3A_13 = vector.load %arg4[%get3A_11, %get3A_12] : memref<128x128xf32, #tpu.memory_space<vmem>>, vector<128x128xf32>
    %dot_general3A = arith.constant dense<0.000000e+00> : vector<2048x128xf32>
    %dot_general3A_14 = tpu.matmul %get3A_10, %get3A_13, %dot_general3A {dimension_numbers = #tpu.dot_dimension_numbers<[1], [0], [0], [1], [0, 0, 1, 1], [], []>, precision = #tpu.contract_precision<fp32>, transpose_lhs_hint = false} : vector<2048x128xf32>, vector<128x128xf32>, vector<2048x128xf32> -> vector<2048x128xf32>
    %get3A_15 = arith.constant 0 : index
    %get3A_16 = arith.constant 0 : index
    %get3A_17 = vector.load %arg5[%get3A_15, %get3A_16] : memref<1x128xf32, #tpu.memory_space<vmem>>, vector<1x128xf32>
    %add3A_18 = vector.broadcast %get3A_17 : vector<1x128xf32> to vector<2048x128xf32>
    %add3A_19 = arith.addf %dot_general3A_14, %add3A_18 : vector<2048x128xf32>
    %get3A_20 = arith.constant 0 : index
    %get3A_21 = arith.constant 0 : index
    %get3A_22 = vector.load %arg6[%get3A_20, %get3A_21] : memref<128x128xf32, #tpu.memory_space<vmem>>, vector<128x128xf32>
    %dot_general3A_23 = arith.constant dense<0.000000e+00> : vector<2048x128xf32>
    %dot_general3A_24 = tpu.matmul %add3A_19, %get3A_22, %dot_general3A_23 {dimension_numbers = #tpu.dot_dimension_numbers<[1], [0], [0], [1], [0, 0, 1, 1], [], []>, precision = #tpu.contract_precision<fp32>, transpose_lhs_hint = false} : vector<2048x128xf32>, vector<128x128xf32>, vector<2048x128xf32> -> vector<2048x128xf32>
    %mul3A = vector.broadcast %rsqrt3A : vector<2048x1xf32> to vector<2048x128xf32>
    %mul3A_25 = arith.mulf %dot_general3A_24, %mul3A : vector<2048x128xf32>
    %iota3A = tpu.iota {dimensions = array<i32: 0>} : vector<2048x1xi32>
    %mul3A_26 = arith.constant 2048 : i32
    %mul3A_27 = arith.muli %arg0, %mul3A_26 : i32
    %add3A_28 = vector.broadcast %mul3A_27 : i32 to vector<2048x1xi32>
    %add3A_29 = arith.addi %iota3A, %add3A_28 : vector<2048x1xi32>
    %lt3A = arith.constant 10000 : i32
    %lt3A_30 = vector.broadcast %lt3A : i32 to vector<2048x1xi32>
    %lt3A_31 = arith.cmpi slt, %add3A_29, %lt3A_30 : vector<2048x1xi32>
    %jit3A = arith.constant 0.000000e+00 : f32
    %broadcast_in_dim3A = vector.shape_cast %lt3A_31 : vector<2048x1xi1> to vector<2048x1xi1>
    %broadcast_in_dim3A_32 = vector.broadcast %broadcast_in_dim3A : vector<2048x1xi1> to vector<2048x128xi1>
    %broadcast_in_dim3A_33 = vector.broadcast %jit3A : f32 to vector<2048x128xf32>
    %select_n3A = arith.select %broadcast_in_dim3A_32, %mul3A_25, %broadcast_in_dim3A_33 : vector<2048x128xi1>, vector<2048x128xf32>
    %swap3A = arith.constant 0 : index
    %swap3A_34 = arith.constant 0 : index
    %swap3A_35 = vector.load %arg8[%swap3A, %swap3A_34] : memref<2048x128xf32, #tpu.memory_space<vmem>>, vector<2048x128xf32>
    tpu.vector_store %arg8[%swap3A, %swap3A_34], %select_n3A {strides = array<i32>} : memref<2048x128xf32, #tpu.memory_space<vmem>>, vector<2048x128xf32>,
    %swap3A_36 = arith.constant 0 : index
    %swap3A_37 = arith.constant 0 : index
    %swap3A_38 = vector.load %arg7[%swap3A_36, %swap3A_37] : memref<2048x128xf32, #tpu.memory_space<vmem>>, vector<2048x128xf32>
    tpu.vector_store %arg7[%swap3A_36, %swap3A_37], %add3A_19 {strides = array<i32>} : memref<2048x128xf32, #tpu.memory_space<vmem>>, vector<2048x128xf32>,
    %swap3A_39 = arith.constant 0 : index
    %swap3A_40 = arith.constant 0 : index
    %swap3A_41 = vector.load %arg9[%swap3A_39, %swap3A_40] : memref<2048x1xf32, #tpu.memory_space<vmem>>, vector<2048x1xf32>
    tpu.vector_store %arg9[%swap3A_39, %swap3A_40], %rsqrt3A {strides = array<i32>} : memref<2048x1xf32, #tpu.memory_space<vmem>>, vector<2048x1xf32>,
    return
  }
  func.func @transform_0(%arg0: i32) -> (i32, i32) {
    %c0_i32 = arith.constant 0 : i32
    %c0_i32_0 = arith.constant 0 : i32
    return %arg0, %c0_i32 : i32, i32
  }
  func.func @transform_1(%arg0: i32) -> (i32, i32) {
    %c0_i32 = arith.constant 0 : i32
    %c0_i32_0 = arith.constant 0 : i32
    return %arg0, %c0_i32 : i32, i32
  }
  func.func @transform_2(%arg0: i32) -> (i32, i32) {
    %c0_i32 = arith.constant 0 : i32
    %c0_i32_0 = arith.constant 0 : i32
    return %arg0, %c0_i32 : i32, i32
  }
  func.func @transform_3(%arg0: i32) -> (i32, i32) {
    %c0_i32 = arith.constant 0 : i32
    %c0_i32_0 = arith.constant 0 : i32
    %c0_i32_1 = arith.constant 0 : i32
    return %c0_i32, %c0_i32_0 : i32, i32
  }
  func.func @transform_4(%arg0: i32) -> (i32, i32) {
    %c0_i32 = arith.constant 0 : i32
    %c0_i32_0 = arith.constant 0 : i32
    %c0_i32_1 = arith.constant 0 : i32
    return %c0_i32, %c0_i32_0 : i32, i32
  }
  func.func @transform_5(%arg0: i32) -> (i32, i32) {
    %c0_i32 = arith.constant 0 : i32
    %c0_i32_0 = arith.constant 0 : i32
    %c0_i32_1 = arith.constant 0 : i32
    return %c0_i32, %c0_i32_0 : i32, i32
  }
  func.func @transform_6(%arg0: i32) -> (i32, i32) {
    %c0_i32 = arith.constant 0 : i32
    %c0_i32_0 = arith.constant 0 : i32
    return %arg0, %c0_i32 : i32, i32
  }
  func.func @transform_7(%arg0: i32) -> (i32, i32) {
    %c0_i32 = arith.constant 0 : i32
    %c0_i32_0 = arith.constant 0 : i32
    return %arg0, %c0_i32 : i32, i32
  }
  func.func @transform_8(%arg0: i32) -> (i32, i32) {
    %c0_i32 = arith.constant 0 : i32
    %c0_i32_0 = arith.constant 0 : i32
    return %arg0, %c0_i32 : i32, i32
  }
}

module attributes {stable_mosaic.version = 14 : i64} {
  func.func @_layer_body(%arg0: i32, %arg1: memref<2x2048x128xf32, #tpu.memory_space<vmem>>, %arg2: memref<2048x128xf32, #tpu.memory_space<vmem>>, %arg3: memref<2048x128xf32, #tpu.memory_space<vmem>>, %arg4: memref<2048x1xf32, #tpu.memory_space<vmem>>, %arg5: memref<1x128xf32, #tpu.memory_space<vmem>>, %arg6: memref<1x128xf32, #tpu.memory_space<vmem>>, %arg7: memref<1x128xf32, #tpu.memory_space<vmem>>, %arg8: memref<128x128xf32, #tpu.memory_space<vmem>>, %arg9: memref<2048x128xf32, #tpu.memory_space<vmem>>, %arg10: memref<2048x128xf32, #tpu.memory_space<vmem>>) attributes {dimension_semantics = [#tpu.dimension_semantics<arbitrary>], iteration_bounds = array<i64: 5>, scalar_prefetch = 0 : i64, scratch_operands = 0 : i64, tpu.core_type = #tpu.core_type<tc>, window_params = [{transform_indices = @transform_0, window_bounds = array<i64: 2, 2048, 128>}, {transform_indices = @transform_1, window_bounds = array<i64: 2048, 128>}, {transform_indices = @transform_2, window_bounds = array<i64: 2048, 128>}, {transform_indices = @transform_3, window_bounds = array<i64: 2048, 1>}, {pipeline_mode = #tpu.pipeline_mode<synchronous>, transform_indices = @transform_4, window_bounds = array<i64: 1, 128>}, {pipeline_mode = #tpu.pipeline_mode<synchronous>, transform_indices = @transform_5, window_bounds = array<i64: 1, 128>}, {pipeline_mode = #tpu.pipeline_mode<synchronous>, transform_indices = @transform_6, window_bounds = array<i64: 1, 128>}, {pipeline_mode = #tpu.pipeline_mode<synchronous>, transform_indices = @transform_7, window_bounds = array<i64: 128, 128>}, {transform_indices = @transform_8, window_bounds = array<i64: 2048, 128>}, {transform_indices = @transform_9, window_bounds = array<i64: 2048, 128>}]} {
    %get3A = arith.constant 0 : index
    %get3A_0 = arith.constant 0 : index
    %get3A_1 = vector.load %arg4[%get3A, %get3A_0] : memref<2048x1xf32, #tpu.memory_space<vmem>>, vector<2048x1xf32>
    %get3A_2 = arith.constant 0 : index
    %get3A_3 = arith.constant 0 : index
    %get3A_4 = arith.constant 0 : index
    %get3A_5 = vector.load %arg1[%get3A_2, %get3A_3, %get3A_4] : memref<2x2048x128xf32, #tpu.memory_space<vmem>>, vector<1x2048x128xf32>
    %get3A_6 = vector.shape_cast %get3A_5 : vector<1x2048x128xf32> to vector<2048x128xf32>
    %get3A_7 = arith.constant 1 : index
    %get3A_8 = arith.constant 0 : index
    %get3A_9 = arith.constant 0 : index
    %get3A_10 = vector.load %arg1[%get3A_7, %get3A_8, %get3A_9] : memref<2x2048x128xf32, #tpu.memory_space<vmem>>, vector<1x2048x128xf32>
    %get3A_11 = vector.shape_cast %get3A_10 : vector<1x2048x128xf32> to vector<2048x128xf32>
    %add3A = arith.addf %get3A_6, %get3A_11 : vector<2048x128xf32>
    %get3A_12 = arith.constant 0 : index
    %get3A_13 = arith.constant 0 : index
    %get3A_14 = vector.load %arg2[%get3A_12, %get3A_13] : memref<2048x128xf32, #tpu.memory_space<vmem>>, vector<2048x128xf32>
    %add3A_15 = arith.addf %add3A, %get3A_14 : vector<2048x128xf32>
    %mul3A = vector.broadcast %get3A_1 : vector<2048x1xf32> to vector<2048x128xf32>
    %mul3A_16 = arith.mulf %mul3A, %add3A_15 : vector<2048x128xf32>
    %get3A_17 = arith.constant 0 : index
    %get3A_18 = arith.constant 0 : index
    %get3A_19 = vector.load %arg6[%get3A_17, %get3A_18] : memref<1x128xf32, #tpu.memory_space<vmem>>, vector<1x128xf32>
    %get3A_20 = arith.constant 0 : index
    %get3A_21 = arith.constant 0 : index
    %get3A_22 = vector.load %arg5[%get3A_20, %get3A_21] : memref<1x128xf32, #tpu.memory_space<vmem>>, vector<1x128xf32>
    %add3A_23 = vector.broadcast %get3A_22 : vector<1x128xf32> to vector<2048x128xf32>
    %add3A_24 = arith.addf %mul3A_16, %add3A_23 : vector<2048x128xf32>
    %mul3A_25 = arith.constant 0.999994993 : f32
    %mul3A_26 = vector.broadcast %mul3A_25 : f32 to vector<2048x128xf32>
    %mul3A_27 = arith.mulf %add3A_24, %mul3A_26 : vector<2048x128xf32>
    %mul3A_28 = vector.broadcast %get3A_19 : vector<1x128xf32> to vector<2048x128xf32>
    %mul3A_29 = arith.mulf %mul3A_28, %mul3A_27 : vector<2048x128xf32>
    %get3A_30 = arith.constant 0 : index
    %get3A_31 = arith.constant 0 : index
    %get3A_32 = vector.load %arg7[%get3A_30, %get3A_31] : memref<1x128xf32, #tpu.memory_space<vmem>>, vector<1x128xf32>
    %add3A_33 = vector.broadcast %get3A_32 : vector<1x128xf32> to vector<2048x128xf32>
    %add3A_34 = arith.addf %mul3A_29, %add3A_33 : vector<2048x128xf32>
    %get3A_35 = arith.constant 0 : index
    %get3A_36 = arith.constant 0 : index
    %get3A_37 = vector.load %arg3[%get3A_35, %get3A_36] : memref<2048x128xf32, #tpu.memory_space<vmem>>, vector<2048x128xf32>
    %max3A = arith.constant 0.000000e+00 : f32
    %max3A_38 = vector.broadcast %max3A : f32 to vector<2048x128xf32>
    %max3A_39 = arith.maximumf %add3A_34, %max3A_38 : vector<2048x128xf32>
    %add3A_40 = arith.addf %get3A_37, %max3A_39 : vector<2048x128xf32>
    %get3A_41 = arith.constant 0 : index
    %get3A_42 = arith.constant 0 : index
    %get3A_43 = vector.load %arg8[%get3A_41, %get3A_42] : memref<128x128xf32, #tpu.memory_space<vmem>>, vector<128x128xf32>
    %dot_general3A = arith.constant dense<0.000000e+00> : vector<2048x128xf32>
    %dot_general3A_44 = tpu.matmul %add3A_40, %get3A_43, %dot_general3A {dimension_numbers = #tpu.dot_dimension_numbers<[1], [0], [0], [1], [0, 0, 1, 1], [], []>, precision = #tpu.contract_precision<fp32>, transpose_lhs_hint = false} : vector<2048x128xf32>, vector<128x128xf32>, vector<2048x128xf32> -> vector<2048x128xf32>
    %mul3A_45 = vector.broadcast %get3A_1 : vector<2048x1xf32> to vector<2048x128xf32>
    %mul3A_46 = arith.mulf %dot_general3A_44, %mul3A_45 : vector<2048x128xf32>
    %iota3A = tpu.iota {dimensions = array<i32: 0>} : vector<2048x1xi32>
    %mul3A_47 = arith.constant 2048 : i32
    %mul3A_48 = arith.muli %arg0, %mul3A_47 : i32
    %add3A_49 = vector.broadcast %mul3A_48 : i32 to vector<2048x1xi32>
    %add3A_50 = arith.addi %iota3A, %add3A_49 : vector<2048x1xi32>
    %swap3A = arith.constant 0 : index
    %swap3A_51 = arith.constant 0 : index
    %swap3A_52 = vector.load %arg9[%swap3A, %swap3A_51] : memref<2048x128xf32, #tpu.memory_space<vmem>>, vector<2048x128xf32>
    tpu.vector_store %arg9[%swap3A, %swap3A_51], %add3A_40 {strides = array<i32>} : memref<2048x128xf32, #tpu.memory_space<vmem>>, vector<2048x128xf32>,
    %lt3A = arith.constant 10000 : i32
    %lt3A_53 = vector.broadcast %lt3A : i32 to vector<2048x1xi32>
    %lt3A_54 = arith.cmpi slt, %add3A_50, %lt3A_53 : vector<2048x1xi32>
    %jit3A = arith.constant 0.000000e+00 : f32
    %broadcast_in_dim3A = vector.shape_cast %lt3A_54 : vector<2048x1xi1> to vector<2048x1xi1>
    %broadcast_in_dim3A_55 = vector.broadcast %broadcast_in_dim3A : vector<2048x1xi1> to vector<2048x128xi1>
    %broadcast_in_dim3A_56 = vector.broadcast %jit3A : f32 to vector<2048x128xf32>
    %select_n3A = arith.select %broadcast_in_dim3A_55, %mul3A_46, %broadcast_in_dim3A_56 : vector<2048x128xi1>, vector<2048x128xf32>
    %swap3A_57 = arith.constant 0 : index
    %swap3A_58 = arith.constant 0 : index
    %swap3A_59 = vector.load %arg10[%swap3A_57, %swap3A_58] : memref<2048x128xf32, #tpu.memory_space<vmem>>, vector<2048x128xf32>
    tpu.vector_store %arg10[%swap3A_57, %swap3A_58], %select_n3A {strides = array<i32>} : memref<2048x128xf32, #tpu.memory_space<vmem>>, vector<2048x128xf32>,
    return
  }
  func.func @transform_0(%arg0: i32) -> (i32, i32, i32) {
    %c0_i32 = arith.constant 0 : i32
    %c0_i32_0 = arith.constant 0 : i32
    %c0_i32_1 = arith.constant 0 : i32
    return %c0_i32, %arg0, %c0_i32_0 : i32, i32, i32
  }
  func.func @transform_1(%arg0: i32) -> (i32, i32) {
    %c0_i32 = arith.constant 0 : i32
    %c0_i32_0 = arith.constant 0 : i32
    return %arg0, %c0_i32 : i32, i32
  }
  func.func @transform_2(%arg0: i32) -> (i32, i32) {
    %c0_i32 = arith.constant 0 : i32
    %c0_i32_0 = arith.constant 0 : i32
    return %arg0, %c0_i32 : i32, i32
  }
  func.func @transform_3(%arg0: i32) -> (i32, i32) {
    %c0_i32 = arith.constant 0 : i32
    %c0_i32_0 = arith.constant 0 : i32
    return %arg0, %c0_i32 : i32, i32
  }
  func.func @transform_4(%arg0: i32) -> (i32, i32) {
    %c0_i32 = arith.constant 0 : i32
    %c0_i32_0 = arith.constant 0 : i32
    %c0_i32_1 = arith.constant 0 : i32
    return %c0_i32, %c0_i32_0 : i32, i32
  }
  func.func @transform_5(%arg0: i32) -> (i32, i32) {
    %c0_i32 = arith.constant 0 : i32
    %c0_i32_0 = arith.constant 0 : i32
    %c0_i32_1 = arith.constant 0 : i32
    return %c0_i32, %c0_i32_0 : i32, i32
  }
  func.func @transform_6(%arg0: i32) -> (i32, i32) {
    %c0_i32 = arith.constant 0 : i32
    %c0_i32_0 = arith.constant 0 : i32
    %c0_i32_1 = arith.constant 0 : i32
    return %c0_i32, %c0_i32_0 : i32, i32
  }
  func.func @transform_7(%arg0: i32) -> (i32, i32) {
    %c0_i32 = arith.constant 0 : i32
    %c0_i32_0 = arith.constant 0 : i32
    %c0_i32_1 = arith.constant 0 : i32
    return %c0_i32, %c0_i32_0 : i32, i32
  }
  func.func @transform_8(%arg0: i32) -> (i32, i32) {
    %c0_i32 = arith.constant 0 : i32
    %c0_i32_0 = arith.constant 0 : i32
    return %arg0, %c0_i32 : i32, i32
  }
  func.func @transform_9(%arg0: i32) -> (i32, i32) {
    %c0_i32 = arith.constant 0 : i32
    %c0_i32_0 = arith.constant 0 : i32
    return %arg0, %c0_i32 : i32, i32
  }
}

module attributes {stable_mosaic.version = 14 : i64} {
  func.func @_final_body(%arg0: i32, %arg1: memref<2x2048x128xf32, #tpu.memory_space<vmem>>, %arg2: memref<2048x128xf32, #tpu.memory_space<vmem>>, %arg3: memref<2048x128xf32, #tpu.memory_space<vmem>>, %arg4: memref<2048x1xf32, #tpu.memory_space<vmem>>, %arg5: memref<1x128xf32, #tpu.memory_space<vmem>>, %arg6: memref<1x128xf32, #tpu.memory_space<vmem>>, %arg7: memref<1x128xf32, #tpu.memory_space<vmem>>, %arg8: memref<2048x1xi32, #tpu.memory_space<vmem>>, %arg9: memref<128x128xf32, #tpu.memory_space<vmem>>, %arg10: memref<1x128xf32, #tpu.memory_space<vmem>>, %arg11: memref<256x128xf32, #tpu.memory_space<vmem>>, %arg12: memref<256x128xf32, #tpu.memory_space<vmem>>, %arg13: memref<256x1xf32, #tpu.memory_space<vmem>>) attributes {dimension_semantics = [#tpu.dimension_semantics<arbitrary>], iteration_bounds = array<i64: 5>, scalar_prefetch = 0 : i64, scratch_operands = 2 : i64, tpu.core_type = #tpu.core_type<tc>, window_params = [{transform_indices = @transform_0, window_bounds = array<i64: 2, 2048, 128>}, {transform_indices = @transform_1, window_bounds = array<i64: 2048, 128>}, {transform_indices = @transform_2, window_bounds = array<i64: 2048, 128>}, {transform_indices = @transform_3, window_bounds = array<i64: 2048, 1>}, {pipeline_mode = #tpu.pipeline_mode<synchronous>, transform_indices = @transform_4, window_bounds = array<i64: 1, 128>}, {pipeline_mode = #tpu.pipeline_mode<synchronous>, transform_indices = @transform_5, window_bounds = array<i64: 1, 128>}, {pipeline_mode = #tpu.pipeline_mode<synchronous>, transform_indices = @transform_6, window_bounds = array<i64: 1, 128>}, {transform_indices = @transform_7, window_bounds = array<i64: 2048, 1>}, {pipeline_mode = #tpu.pipeline_mode<synchronous>, transform_indices = @transform_8, window_bounds = array<i64: 128, 128>}, {pipeline_mode = #tpu.pipeline_mode<synchronous>, transform_indices = @transform_9, window_bounds = array<i64: 1, 128>}, {pipeline_mode = #tpu.pipeline_mode<synchronous>, transform_indices = @transform_10, window_bounds = array<i64: 256, 128>}]} {
    %get3A = arith.constant 0 : index
    %get3A_0 = arith.constant 0 : index
    %get3A_1 = vector.load %arg4[%get3A, %get3A_0] : memref<2048x1xf32, #tpu.memory_space<vmem>>, vector<2048x1xf32>
    %get3A_2 = arith.constant 0 : index
    %get3A_3 = arith.constant 0 : index
    %get3A_4 = arith.constant 0 : index
    %get3A_5 = vector.load %arg1[%get3A_2, %get3A_3, %get3A_4] : memref<2x2048x128xf32, #tpu.memory_space<vmem>>, vector<1x2048x128xf32>
    %get3A_6 = vector.shape_cast %get3A_5 : vector<1x2048x128xf32> to vector<2048x128xf32>
    %get3A_7 = arith.constant 1 : index
    %get3A_8 = arith.constant 0 : index
    %get3A_9 = arith.constant 0 : index
    %get3A_10 = vector.load %arg1[%get3A_7, %get3A_8, %get3A_9] : memref<2x2048x128xf32, #tpu.memory_space<vmem>>, vector<1x2048x128xf32>
    %get3A_11 = vector.shape_cast %get3A_10 : vector<1x2048x128xf32> to vector<2048x128xf32>
    %add3A = arith.addf %get3A_6, %get3A_11 : vector<2048x128xf32>
    %get3A_12 = arith.constant 0 : index
    %get3A_13 = arith.constant 0 : index
    %get3A_14 = vector.load %arg2[%get3A_12, %get3A_13] : memref<2048x128xf32, #tpu.memory_space<vmem>>, vector<2048x128xf32>
    %add3A_15 = arith.addf %add3A, %get3A_14 : vector<2048x128xf32>
    %mul3A = vector.broadcast %get3A_1 : vector<2048x1xf32> to vector<2048x128xf32>
    %mul3A_16 = arith.mulf %mul3A, %add3A_15 : vector<2048x128xf32>
    %get3A_17 = arith.constant 0 : index
    %get3A_18 = arith.constant 0 : index
    %get3A_19 = vector.load %arg6[%get3A_17, %get3A_18] : memref<1x128xf32, #tpu.memory_space<vmem>>, vector<1x128xf32>
    %get3A_20 = arith.constant 0 : index
    %get3A_21 = arith.constant 0 : index
    %get3A_22 = vector.load %arg5[%get3A_20, %get3A_21] : memref<1x128xf32, #tpu.memory_space<vmem>>, vector<1x128xf32>
    %add3A_23 = vector.broadcast %get3A_22 : vector<1x128xf32> to vector<2048x128xf32>
    %add3A_24 = arith.addf %mul3A_16, %add3A_23 : vector<2048x128xf32>
    %mul3A_25 = arith.constant 0.999994993 : f32
    %mul3A_26 = vector.broadcast %mul3A_25 : f32 to vector<2048x128xf32>
    %mul3A_27 = arith.mulf %add3A_24, %mul3A_26 : vector<2048x128xf32>
    %mul3A_28 = vector.broadcast %get3A_19 : vector<1x128xf32> to vector<2048x128xf32>
    %mul3A_29 = arith.mulf %mul3A_28, %mul3A_27 : vector<2048x128xf32>
    %get3A_30 = arith.constant 0 : index
    %get3A_31 = arith.constant 0 : index
    %get3A_32 = vector.load %arg7[%get3A_30, %get3A_31] : memref<1x128xf32, #tpu.memory_space<vmem>>, vector<1x128xf32>
    %add3A_33 = vector.broadcast %get3A_32 : vector<1x128xf32> to vector<2048x128xf32>
    %add3A_34 = arith.addf %mul3A_29, %add3A_33 : vector<2048x128xf32>
    %get3A_35 = arith.constant 0 : index
    %get3A_36 = arith.constant 0 : index
    %get3A_37 = vector.load %arg3[%get3A_35, %get3A_36] : memref<2048x128xf32, #tpu.memory_space<vmem>>, vector<2048x128xf32>
    %max3A = arith.constant 0.000000e+00 : f32
    %max3A_38 = vector.broadcast %max3A : f32 to vector<2048x128xf32>
    %max3A_39 = arith.maximumf %add3A_34, %max3A_38 : vector<2048x128xf32>
    %add3A_40 = arith.addf %get3A_37, %max3A_39 : vector<2048x128xf32>
    %get3A_41 = arith.constant 0 : index
    %get3A_42 = arith.constant 0 : index
    %get3A_43 = vector.load %arg8[%get3A_41, %get3A_42] : memref<2048x1xi32, #tpu.memory_space<vmem>>, vector<2048x1xi32>
    %iota3A = tpu.iota {dimensions = array<i32: 1>} : vector<2048x256xi32>
    %eq3A = vector.broadcast %get3A_43 : vector<2048x1xi32> to vector<2048x256xi32>
    %eq3A_44 = arith.cmpi eq, %eq3A, %iota3A : vector<2048x256xi32>
    %convert_element_type3A = arith.extui %eq3A_44 : vector<2048x256xi1> to vector<2048x256xi32>
    %convert_element_type3A_45 = arith.sitofp %convert_element_type3A : vector<2048x256xi32> to vector<2048x256xf32>
    %eq3A_46 = arith.constant 0 : i32
    %eq3A_47 = arith.cmpi eq, %arg0, %eq3A_46 : i32
    %convert_element_type3A_48 = arith.extui %eq3A_47 : i1 to i32
    %cond3A = arith.constant 0 : i32
    %cond3A_49 = arith.cmpi ne, %convert_element_type3A_48, %cond3A : i32
    scf.if %cond3A_49 {
      %broadcast_in_dim3A_72 = arith.constant 0.000000e+00 : f32
      %broadcast_in_dim3A_73 = vector.broadcast %broadcast_in_dim3A_72 : f32 to vector<256x128xf32>
      %swap3A_74 = arith.constant 0 : index
      %swap3A_75 = arith.constant 0 : index
      %swap3A_76 = vector.load %arg12[%swap3A_74, %swap3A_75] : memref<256x128xf32, #tpu.memory_space<vmem>>, vector<256x128xf32>
      tpu.vector_store %arg12[%swap3A_74, %swap3A_75], %broadcast_in_dim3A_73 {strides = array<i32>} : memref<256x128xf32, #tpu.memory_space<vmem>>, vector<256x128xf32>,
      %broadcast_in_dim3A_77 = arith.constant 0.000000e+00 : f32
      %broadcast_in_dim3A_78 = vector.broadcast %broadcast_in_dim3A_77 : f32 to vector<256x1xf32>
      %swap3A_79 = arith.constant 0 : index
      %swap3A_80 = arith.constant 0 : index
      %swap3A_81 = vector.load %arg13[%swap3A_79, %swap3A_80] : memref<256x1xf32, #tpu.memory_space<vmem>>, vector<256x1xf32>
      tpu.vector_store %arg13[%swap3A_79, %swap3A_80], %broadcast_in_dim3A_78 {strides = array<i32>} : memref<256x1xf32, #tpu.memory_space<vmem>>, vector<256x1xf32>,
    } else {
    }
    %get3A_50 = arith.constant 0 : index
    %get3A_51 = arith.constant 0 : index
    %get3A_52 = vector.load %arg12[%get3A_50, %get3A_51] : memref<256x128xf32, #tpu.memory_space<vmem>>, vector<256x128xf32>
    %dot_general3A = arith.constant dense<0.000000e+00> : vector<256x128xf32>
    %dot_general3A_53 = tpu.matmul %convert_element_type3A_45, %add3A_40, %dot_general3A {dimension_numbers = #tpu.dot_dimension_numbers<[0], [0], [1], [1], [0, 1, 1, 1], [], []>, precision = #tpu.contract_precision<fp32>, transpose_lhs_hint = false} : vector<2048x256xf32>, vector<2048x128xf32>, vector<256x128xf32> -> vector<256x128xf32>
    %add3A_54 = arith.addf %get3A_52, %dot_general3A_53 : vector<256x128xf32>
    %swap3A = arith.constant 0 : index
    %swap3A_55 = arith.constant 0 : index
    %swap3A_56 = vector.load %arg12[%swap3A, %swap3A_55] : memref<256x128xf32, #tpu.memory_space<vmem>>, vector<256x128xf32>
    tpu.vector_store %arg12[%swap3A, %swap3A_55], %add3A_54 {strides = array<i32>} : memref<256x128xf32, #tpu.memory_space<vmem>>, vector<256x128xf32>,
    %get3A_57 = arith.constant 0 : index
    %get3A_58 = arith.constant 0 : index
    %get3A_59 = vector.load %arg13[%get3A_57, %get3A_58] : memref<256x1xf32, #tpu.memory_space<vmem>>, vector<256x1xf32>
    %broadcast_in_dim3A = arith.constant 1.000000e+00 : f32
    %broadcast_in_dim3A_60 = vector.broadcast %broadcast_in_dim3A : f32 to vector<2048x1xf32>
    %dot_general3A_61 = arith.constant dense<0.000000e+00> : vector<256x1xf32>
    %dot_general3A_62 = tpu.matmul %convert_element_type3A_45, %broadcast_in_dim3A_60, %dot_general3A_61 {dimension_numbers = #tpu.dot_dimension_numbers<[0], [0], [1], [1], [0, 1, 1, 1], [], []>, precision = #tpu.contract_precision<fp32>, transpose_lhs_hint = false} : vector<2048x256xf32>, vector<2048x1xf32>, vector<256x1xf32> -> vector<256x1xf32>
    %add3A_63 = arith.addf %get3A_59, %dot_general3A_62 : vector<256x1xf32>
    %swap3A_64 = arith.constant 0 : index
    %swap3A_65 = arith.constant 0 : index
    %swap3A_66 = vector.load %arg13[%swap3A_64, %swap3A_65] : memref<256x1xf32, #tpu.memory_space<vmem>>, vector<256x1xf32>
    tpu.vector_store %arg13[%swap3A_64, %swap3A_65], %add3A_63 {strides = array<i32>} : memref<256x1xf32, #tpu.memory_space<vmem>>, vector<256x1xf32>,
    %eq3A_67 = arith.constant 4 : i32
    %eq3A_68 = arith.cmpi eq, %arg0, %eq3A_67 : i32
    %convert_element_type3A_69 = arith.extui %eq3A_68 : i1 to i32
    %cond3A_70 = arith.constant 0 : i32
    %cond3A_71 = arith.cmpi ne, %convert_element_type3A_69, %cond3A_70 : i32
    scf.if %cond3A_71 {
      %get3A_72 = arith.constant 0 : index
      %get3A_73 = arith.constant 0 : index
      %get3A_74 = vector.load %arg12[%get3A_72, %get3A_73] : memref<256x128xf32, #tpu.memory_space<vmem>>, vector<256x128xf32>
      %get3A_75 = arith.constant 0 : index
      %get3A_76 = arith.constant 0 : index
      %get3A_77 = vector.load %arg13[%get3A_75, %get3A_76] : memref<256x1xf32, #tpu.memory_space<vmem>>, vector<256x1xf32>
      %max3A_78 = arith.constant 1.000000e+00 : f32
      %max3A_79 = vector.broadcast %max3A_78 : f32 to vector<256x1xf32>
      %max3A_80 = arith.maximumf %get3A_77, %max3A_79 : vector<256x1xf32>
      %div3A = vector.broadcast %max3A_80 : vector<256x1xf32> to vector<256x128xf32>
      %div3A_81 = arith.divf %get3A_74, %div3A : vector<256x128xf32>
      %get3A_82 = arith.constant 0 : index
      %get3A_83 = arith.constant 0 : index
      %get3A_84 = vector.load %arg9[%get3A_82, %get3A_83] : memref<128x128xf32, #tpu.memory_space<vmem>>, vector<128x128xf32>
      %dot_general3A_85 = arith.constant dense<0.000000e+00> : vector<256x128xf32>
      %dot_general3A_86 = tpu.matmul %div3A_81, %get3A_84, %dot_general3A_85 {dimension_numbers = #tpu.dot_dimension_numbers<[1], [0], [0], [1], [0, 0, 1, 1], [], []>, precision = #tpu.contract_precision<fp32>, transpose_lhs_hint = false} : vector<256x128xf32>, vector<128x128xf32>, vector<256x128xf32> -> vector<256x128xf32>
      %get3A_87 = arith.constant 0 : index
      %get3A_88 = arith.constant 0 : index
      %get3A_89 = vector.load %arg10[%get3A_87, %get3A_88] : memref<1x128xf32, #tpu.memory_space<vmem>>, vector<1x128xf32>
      %add3A_90 = vector.broadcast %get3A_89 : vector<1x128xf32> to vector<256x128xf32>
      %add3A_91 = arith.addf %dot_general3A_86, %add3A_90 : vector<256x128xf32>
      %swap3A_92 = arith.constant 0 : index
      %swap3A_93 = arith.constant 0 : index
      %swap3A_94 = vector.load %arg11[%swap3A_92, %swap3A_93] : memref<256x128xf32, #tpu.memory_space<vmem>>, vector<256x128xf32>
      tpu.vector_store %arg11[%swap3A_92, %swap3A_93], %add3A_91 {strides = array<i32>} : memref<256x128xf32, #tpu.memory_space<vmem>>, vector<256x128xf32>,
    } else {
    }
    return
  }
  func.func @transform_0(%arg0: i32) -> (i32, i32, i32) {
    %c0_i32 = arith.constant 0 : i32
    %c0_i32_0 = arith.constant 0 : i32
    %c0_i32_1 = arith.constant 0 : i32
    return %c0_i32, %arg0, %c0_i32_0 : i32, i32, i32
  }
  func.func @transform_1(%arg0: i32) -> (i32, i32) {
    %c0_i32 = arith.constant 0 : i32
    %c0_i32_0 = arith.constant 0 : i32
    return %arg0, %c0_i32 : i32, i32
  }
  func.func @transform_2(%arg0: i32) -> (i32, i32) {
    %c0_i32 = arith.constant 0 : i32
    %c0_i32_0 = arith.constant 0 : i32
    return %arg0, %c0_i32 : i32, i32
  }
  func.func @transform_3(%arg0: i32) -> (i32, i32) {
    %c0_i32 = arith.constant 0 : i32
    %c0_i32_0 = arith.constant 0 : i32
    return %arg0, %c0_i32 : i32, i32
  }
  func.func @transform_4(%arg0: i32) -> (i32, i32) {
    %c0_i32 = arith.constant 0 : i32
    %c0_i32_0 = arith.constant 0 : i32
    %c0_i32_1 = arith.constant 0 : i32
    return %c0_i32, %c0_i32_0 : i32, i32
  }
  func.func @transform_5(%arg0: i32) -> (i32, i32) {
    %c0_i32 = arith.constant 0 : i32
    %c0_i32_0 = arith.constant 0 : i32
    %c0_i32_1 = arith.constant 0 : i32
    return %c0_i32, %c0_i32_0 : i32, i32
  }
  func.func @transform_6(%arg0: i32) -> (i32, i32) {
    %c0_i32 = arith.constant 0 : i32
    %c0_i32_0 = arith.constant 0 : i32
    %c0_i32_1 = arith.constant 0 : i32
    return %c0_i32, %c0_i32_0 : i32, i32
  }
  func.func @transform_7(%arg0: i32) -> (i32, i32) {
    %c0_i32 = arith.constant 0 : i32
    %c0_i32_0 = arith.constant 0 : i32
    return %arg0, %c0_i32 : i32, i32
  }
  func.func @transform_8(%arg0: i32) -> (i32, i32) {
    %c0_i32 = arith.constant 0 : i32
    %c0_i32_0 = arith.constant 0 : i32
    %c0_i32_1 = arith.constant 0 : i32
    return %c0_i32, %c0_i32_0 : i32, i32
  }
  func.func @transform_9(%arg0: i32) -> (i32, i32) {
    %c0_i32 = arith.constant 0 : i32
    %c0_i32_0 = arith.constant 0 : i32
    %c0_i32_1 = arith.constant 0 : i32
    return %c0_i32, %c0_i32_0 : i32, i32
  }
  func.func @transform_10(%arg0: i32) -> (i32, i32) {
    %c0_i32 = arith.constant 0 : i32
    %c0_i32_0 = arith.constant 0 : i32
    %c0_i32_1 = arith.constant 0 : i32
    return %c0_i32, %c0_i32_0 : i32, i32
  }
}

</mosaic_0001>

<sc_bundles>
// kernel: kernel.10.cloned.1.call-start
scs
__scs_entry_jumppad:
0x0: {  	(pc) =	sbr.rel $0x88, $3  }
0x1: {  	(tag) =	ssettag $0x0;
	lr =	simm.s32 $0x1  }
0x2: {  	[smem:$0x3F8E] =	sst lr;
	_ =	strace $0xD0000000  }
0x3: {  	_ = 	snop  }
0x4: {  	_ = 	snop  }
0x5: {  	_ = 	snop  }
0x6: {  	_ = 	snop  }
0x7: {  	_ = 	snop  }
__scs_overlays_trampoline_lowered:
0x8: {  	[smem:$0x3F9D] =	sst s0  }
0x9: {  	[smem:$0x3F9E] =	sst s1  }
0xa: {  	[smem:$0x3F9F] =	sst s2  }
0xb: {  	[smem:$0x3FA0] =	sst s3  }
0xc: {  	[smem:$0x3FA1] =	sst s4  }
0xd: {  	[smem:$0x3FA2] =	sst s5  }
0xe: {  	[smem:$0x3FA3] =	sst s6  }
0xf: {  	[smem:$0x3FA4] =	sst s7  }
0x10: {  	[smem:$0x3FA5] =	sst s8  }
0x11: {  	[smem:$0x3FA6] =	sst s9;
	s0 =	simm.s32 @!p0 $0x0  }
0x12: {  	s1 =	sld [smem:$0x3F8C];
	s0 =	simm.s32 @p0 $0x1  }
0x13: {  	[smem:$0x3FA7] =	sst s0;
	s0 =	simm.s32 @!p1 $0x0  }
0x14: {  	s2 =	sld [smem:$0x3F8B];
	s0 =	simm.s32 @p1 $0x1  }
0x15: {  	[smem:$0x3FA8] =	sst s0;
	s0 =	simm.s32 @!p2 $0x0  }
0x16: {  	s3 =	sld [smem:$0x3FDB];
	s0 =	simm.s32 @p2 $0x1  }
0x17: {  	s4 =	simm.s32 $0x1BF5;
	[smem:$0x3FAA] =	sst s0  }
0x18: {  	s0 =	sld [smem:$0x3F8D];
	_ =	swait.ge [sflag:s4], $0x0  }
0x19: {  	s7 =	sld [smem:$0x3F8E]  }
0x1a: {  	s8 =	sadd.s32 $0xFFFFE003, lr  }
0x1b: {  	s9 =	sadd.s32 $0xFFFFFEF7, lr;
	s5 =	simm.s32 $0xFFFFFFFF;
	p2 =	slt.u32 s8, $0xFFFFF086  }
0x1c: {  	p1 =	slt.u32 s9, $0xF7A;
	s5 =	simm.s32 @!p2 $0x0  }
0x1d: {  	s5 =	simm.s32 @p1 $0x1;
	p0 =	seq.s32 s7, s2  }
0x1e: {  	s7 =	smul.u32 @!p0 $0xF7A, s2;
	p2 =	seq.s32 @!p0 s5, $0x0  }
0x1f: {  	s9 =	smul.u32 $0xF7A, s1;
	s8 =	simm.s32 @!p0 $0x1BF5;
	p2 =	por !p2, p0  }
0x20: {  	[sflag:s8] =	ssyncset.s32 @!p0 $0xFFFFF086;
	s6 =	sadd.s32 @!p0 s3, s7;
	s7 =	simm.s32 @!p0 $0x108  }
0x21: {  	s3 =	sadd.s32 s3, s9;
	s6 =	sadd.s32 @!p0 $0x88, s6;
	s7 =	simm.s32 @p2 $0x1082  }
0x22: {  	[simem:s7], [sflag:s8] =	dma.local @!p0 [hbm:s6], $0xF7A  }
0x23: {  	s9 =	sor.u32 $0xD0000000, s2;
	s6 =	simm.s32 $0x108;
	_ =	swait.ge @!p0 [sflag:s8], $0x0  }
0x24: {  	s3 =	sadd.s32 $0x88, s3;
	s6 =	simm.s32 @!p1 $0x1082;
	[sflag:s4] =	ssyncset.s32 $0xFFFFF086  }
0x25: {  	[simem:s6], [sflag:s4] =	dma.local [hbm:s3], $0xF7A  }
0x26: {  	[smem:$0x3F8E] =	sst s1;
	(tag) =	ssettag s2;
	_ =	strace s9  }
0x27: {  	s1 =	sld [smem:$0x3F9E]  }
0x28: {  	s2 =	sld [smem:$0x3F9F]  }
0x29: {  	s4 =	sld [smem:$0x3FA1]  }
0x2a: {  	p0 =	seq.s32 s5, $0x0;
	s5 =	sld [smem:$0x3FA2]  }
0x2b: {  	s6 =	sld [smem:$0x3FA3]  }
0x2c: {  	s7 =	sld [smem:$0x3FA4]  }
0x2d: {  	s3 =	simm.s32 $0x108;
	s8 =	sld [smem:$0x3FA5]  }
0x2e: {  	s3 =	simm.s32 @!p0 $0x1082;
	s9 =	sld [smem:$0x3FA6]  }
0x2f: {  	lr =	sadd.s32 s0, s3;
	s0 =	sld [smem:$0x3F9D]  }
0x30: {  	s3 =	sld [smem:$0x3FA0]  }
0x31: {  	[smem:$0x3FA9] =	sst s10  }
0x32: {  	s10 =	sld [smem:$0x3FA7];
	_ =	sdelay $0x3  }
0x33: {  	p0 =	seq.s32 s10, $0x1;
	s10 =	sld [smem:$0x3FA9];
	_ =	sdelay $0x3  }
0x34: {  	[smem:$0x3FA9] =	sst s10  }
0x35: {  	s10 =	sld [smem:$0x3FA8];
	_ =	sdelay $0x3  }
0x36: {  	p1 =	seq.s32 s10, $0x1;
	s10 =	sld [smem:$0x3FA9];
	_ =	sdelay $0x3  }
0x37: {  	[smem:$0x3FA9] =	sst s10  }
0x38: {  	s10 =	sld [smem:$0x3FAA]  }
0x39: {  	_ = 	snop;
	(pc) =	sbr.ind lr, $3  }
0x3a: {  	_ = 	snop  }
0x3b: {  	_ = 	snop  }
0x3c: {  	p2 =	seq.s32 s10, $0x1;
	s10 =	sld [smem:$0x3FA9]  }
0x3d: {  	_ =	shalt  }
0x3e: {  	_ =	shalt  }
0x3f: {  	_ =	shalt  }
0x40: {  	_ =	shalt  }
0x41: {  	_ =	shalt  }
0x42: {  	_ =	shalt  }
0x43: {  	_ =	shalt  }
0x44: {  	_ =	shalt  }
0x45: {  	_ =	shalt  }
0x46: {  	_ =	shalt  }
0x47: {  	_ =	shalt  }
0x48: {  	_ =	shalt  }
0x49: {  	_ =	shalt  }
0x4a: {  	_ =	shalt  }
0x4b: {  	_ =	shalt  }
0x4c: {  	_ =	shalt  }
0x4d: {  	_ =	shalt  }
0x4e: {  	_ =	shalt  }
0x4f: {  	_ =	shalt  }
0x50: {  	_ =	shalt  }
0x51: {  	_ =	shalt  }
0x52: {  	_ =	shalt  }
0x53: {  	_ =	shalt  }
0x54: {  	_ =	shalt  }
0x55: {  	_ =	shalt  }
0x56: {  	_ =	shalt  }
0x57: {  	_ =	shalt  }
0x58: {  	_ =	shalt  }
0x59: {  	_ =	shalt  }
0x5a: {  	_ =	shalt  }
0x5b: {  	_ =	shalt  }
0x5c: {  	_ =	shalt  }
0x5d: {  	_ =	shalt  }
0x5e: {  	_ =	shalt  }
0x5f: {  	_ =	shalt  }
0x60: {  	_ =	shalt  }
0x61: {  	_ =	shalt  }
0x62: {  	_ =	shalt  }
0x63: {  	_ =	shalt  }
0x64: {  	_ =	shalt  }
0x65: {  	_ =	shalt  }
0x66: {  	_ =	shalt  }
0x67: {  	_ =	shalt  }
0x68: {  	_ =	shalt  }
0x69: {  	_ =	shalt  }
0x6a: {  	_ =	shalt  }
0x6b: {  	_ =	shalt  }
0x6c: {  	_ =	shalt  }
0x6d: {  	_ =	shalt  }
0x6e: {  	_ =	shalt  }
0x6f: {  	_ =	shalt  }
0x70: {  	_ =	shalt  }
0x71: {  	_ =	shalt  }
0x72: {  	_ =	shalt  }
0x73: {  	_ =	shalt  }
0x74: {  	_ =	shalt  }
0x75: {  	_ =	shalt  }
0x76: {  	_ =	shalt  }
0x77: {  	_ =	shalt  }
0x78: {  	_ =	shalt  }
0x79: {  	_ =	shalt  }
0x7a: {  	_ =	shalt  }
0x7b: {  	_ =	shalt  }
0x7c: {  	_ =	shalt  }
0x7d: {  	_ =	shalt  }
0x7e: {  	_ =	shalt  }
0x7f: {  	_ =	shalt  }
0x80: {  	_ =	shalt  }
0x81: {  	_ =	shalt  }
0x82: {  	_ =	shalt  }
0x83: {  	_ =	shalt  }
0x84: {  	_ =	shalt  }
0x85: {  	_ =	shalt  }
0x86: {  	_ =	shalt  }
0x87: {  	_ =	shalt  }
.Lfunc_end0:
.L_simem_size_0:
called_computation_lowered:
.L_overlay_start_0:
0x88: {  	s2 =	sld [smem:$0x3FD9]  }
0x89: {  	s3 =	sld [smem:$0x3FFE];
	_ =	sdelay $0x1  }
0x8a: {  	s1 =	srdreg.scid  }
0x8b: {  	s0 =	sand.u32 $0x1, s1  }
0x8c: {  	s17 =	sshll.u32 s0, $0xA;
	s2 =	sadd.s32 s3, s2  }
0x8d: {  	s2 =	sadd.s32 s2, s17  }
0x8e: {  	[smem:$0x3FB5] =	sst s2  }
0x8f: {  	_ = 	snop  }
0x90: {  	s2 =	sld [smem:$0x3FD0];
	(tm) =	ssettm $0x1  }
0x91: {  	s18 =	sld [smem:$0x3FFB];
	_ =	sdelay $0x3  }
0x92: {  	_ =	strace s18  }
0x93: {  	s3 =	sld [smem:$0x3FFC];
	_ =	sdelay $0x3  }
0x94: {  	_ =	strace s3  }
0x95: {  	s3 =	sld [smem:$0x3FFD];
	_ =	sdelay $0x3  }
0x96: {  	_ =	strace s3  }
0x97: {  	_ =	strace $0x8FFFFFFF  }
0x98: {  	s19 =	sld [smem:$0x3FDB];
	_ =	sdelay $0x1  }
0x99: {  	s4 =	simm.s32 $_scs_section_size  }
0x9a: {  	s5 =	simm.s32 $_size__tile_overlayer_lowered;
	s6 =	simm.s32 $_tile_overlayer_lowered  }
0x9b: {  	s22 =	simm.s32 $0x1BFF;
	s21 =	sshll.u32 s6, $0x1;
	s3 =	sadd.s32 s4, s19  }
0x9c: {  	s7 =	simm.s32 $0x0;
	s20 =	sshll.u32 s5, $0x1;
	s5 =	sadd.s32 s21, s3  }
0x9d: {  	[timem:s7], [sflag:s22] =	dma.local [hbm:s5], s20  }
0x9e: {  	_ =	swait.ge [sflag:s22], s20  }
0x9f: {  	s4 =	ssub.s32 $0x0, s20;
	[sflag:s22] =	ssyncset.done $0x0  }
0xa0: {  	[sflag:s22] =	ssyncadd.s32 s4;
	_ =	sdelay $0x1  }
0xa1: {  	s23 =	simm.s32 $0x1B8B  }
0xa2: {  	_ =	swait.ge [sflag:s23], $0x1  }
0xa3: {  	[sflag:s23] =	ssyncset.done $0x0  }
0xa4: {  	s25 =	simm.s32 $0x1B8E;
	s24 =	sld [smem:$0x3FFE];
	[sflag:s23] =	ssyncadd.s32 $0xFFFFFFFF  }
0xa5: {  	s26 =	simm.s32 $execute0_lowered;
	[smem:$0x3FD2] =	sst s25  }
0xa6: {  	s5 =	sshll.u32 s26, $0x1;
	_ =	strace $0x80000046;
	[dreg:$0x1] =	wrdreg $0xFFFFFFFF  }
0xa7: {  	s28 =	simm.s32 $_size_execute0_lowered;
	s3 =	sadd.s32 s3, s5;
	[dreg:$0x0] =	wrdreg $0x0  }
0xa8: {  	s5 =	sshll.u32 s28, $0x1;
	[dreg:$0x2] =	wrdreg s3  }
0xa9: {  	[dreg:$0x3] =	wrdreg s5  }
0xaa: {  	[dreg:$0x4] =	wrdreg $0xC0  }
0xab: {  	_ =	task [dreg:s7], $0x5FFFF  }
0xac: {  	[dreg:$0x1] =	wrdreg $0xFFFFFFFF  }
0xad: {  	[dreg:$0x0] =	wrdreg $0x60  }
0xae: {  	[dreg:$0x2] =	wrdreg s24  }
0xaf: {  	[dreg:$0x3] =	wrdreg s2  }
0xb0: {  	[dreg:$0x4] =	wrdreg $0x0  }
0xb1: {  	[dreg:$0x5] =	wrdreg $0x9  }
0xb2: {  	_ =	task.clear_ibuf [dreg:s7], $0x6FFFF;
	_ =	strace $0x90000046  }
0xb3: {  	s29 =	simm.s32 $0x9;
	_ =	strace $0x80000048  }
0xb4: {  	_ =	swait.ge [sflag:s29], $0x1  }
0xb5: {  	[sflag:s29] =	ssyncadd.s32 $0xFFFFFFFF  }
0xb6: {  	_ =	strace $0x90000048  }
0xb7: {  	_ =	sfence  }
0xb8: {  	s30 =	sld [smem:$0x0];
	_ =	sdelay $0x2  }
0xb9: {  	s31 =	sshll.u32 s1, $0xD;
	s1 =	sshrl.u32 s1, $0x2  }
0xba: {  	s3 =	sand.u32 $0x4000, s31;
	s1 =	sadd.s32 s1, s30  }
0xbb: {  	s0 =	sor.u32 s3, s0;
	s1 =	sshll.u32 s1, $0x11  }
0xbc: {  	s0 =	sor.u32 s1, s0  }
0xbd: {  	s0 =	sadd.s32 $0x8F2B, s0  }
0xbe: {  	[sflag:s0] =	ssyncadd.remote.s32 $0x1  }
0xbf: {  	_ =	sfence.sel $0xFFFF  }
0xc0: {  	[dreg:$0x0] =	wrdreg $0xFFFFFFFF;
	(pc) =	sbr.abs _section_cstart, $3  }
0xc1: {  	[dreg:$0x1] =	wrdreg $0xFFFFFFFF  }
0xc2: {  	_ =	task.clear_ibuf [dreg:s7], $0x2FFFF;
	_ =	strace $0x9FFFFFFF  }
0xc3: {  	(tm) =	ssettm $0x7FFFFFFF  }
tec
execute0_lowered:
.L_overlay_start_1:
0x0: {  	(tag) =	ssettag $0x1  }
0x1: {  	s5 =	rddreg [dreg:$0x0]  }
0x2: {  	s0 =	srdreg.scid;
	s8 =	rddreg [dreg:$0x1]  }
0x3: {  	s2 =	rddreg [dreg:$0x2];
	s1 =	stileid.u32  }
0x4: {  	s3 =	simm.s32 $0x0;
	s13 =	simm.s32 $0x280;
	s14 =	simm.s32 $0x80  }
0x5: {  	s15 =	simm.s32 $0x0;
	s4 =	sand.u32 $0x1, s0;
	s0 =	rddreg [dreg:$0x3]  }
0x6: {  	[smem:$0x7FF] =	sst s3;
	s7 =	smul.u32 $0x280, s1;
	s31 =	sshll.u32 s1, $0x6  }
0x7: {  	s6 =	sshll.u32 s4, $0x4;
	_ =	strace $0x80000047;
	s10 =	smul.u32 $0x2800, s4  }
0x8: {  	s30 =	ssub.s32 $0x2, s4;
	s4 =	sadd.s32 $0x1A800, s5;
	s6 =	sor.u32 s1, s6  }
0x9: {  	s11 =	sshrl.u32 s30, $0x1;
	s6 =	smul.u32 $0x500, s6;
	s10 =	sadd.s32 s7, s10  }
0xa: {  	s12 =	sadd.s32 s7, s2;
	s11 =	ssub.s32 s30, s11;
	s10 =	sshrl.u32 s10, $0x3  }
0xb: {  	s9 =	sadd.s32 s6, s5;
	s5 =	sadd.s32 $0x1A600, s5;
	s6 =	sor.u32 $0x1C01, s31  }
0xc: {  	s8 =	sadd.s32 s8, s10;
	s10 =	sshrl.u32 s12, $0x3;
	s12 =	simm.s32 $0x2A80  }
0xd: {  	s7 =	sadd.s32 $0x10600, s9;
	s9 =	smax.u32 s11, $0x1;
	s11 =	simm.s32 $0x1  }
.LBB2_1:
0xe: {  	[spmem:s10], [sflag:s6] =	dma.local [hbm:s5], $0x50  }
0xf: {  	_ =	swait.ge [sflag:s11], $0x50  }
0x10: {  	[sflag:s11] =	ssyncset.done $0x0  }
0x11: {  	[sflag:s11] =	ssyncadd.s32 $0xFFFFFFB0  }
0x12: {  	[tilespmem:s12], [sflag:$0x1] =	stream.linear.gather [hbm4b:s4+s3], $0x80, $0x38;
	[tilespmem:$0x2B00] =	vst v63  }
0x13: {  	_ =	swait.ge [sflag:s11], $0x80  }
0x14: {  	[sflag:s11] =	ssyncset.done $0x0  }
0x15: {  	[sflag:s11] =	ssyncadd.s32 $0xFFFFFF80  }
0x16: {  	[tilespmem:s13], [sflag:$0x1] =	stream.linear.gather [hbm4b:s7+s3], $0x2800, $0x38;
	[tilespmem:$0x2B00] =	vst v63  }
0x17: {  	_ =	swait.ge [sflag:s11], $0x2800  }
0x18: {  	[sflag:s11] =	ssyncset.done $0x0  }
0x19: {  	[sflag:s11] =	ssyncadd.s32 $0xFFFFD800  }
0x1a: {  	s16 =	simm.s32 $0x280;
	[bflag:$0x0] =	sbarrier.arrive $0xFFFF  }
0x1b: {  	[spmem:s2] =	stream.indirect.scatter.add.f32 [tilespmem:s12], [sflag:$0x1], $0x1, s16, s14, $0xb8;
	[tilespmem:$0x2B00] =	vst v63  }
0x1c: {  	s16 =	simm.s32 $0x200;
	_ =	swait.ge [sflag:s11], $0x80  }
.LBB2_2:
0x1d: {  	s17 =	sshra.s32 s16, $0x2;
	[sflag:s11] =	ssyncset.done $0x0;
	p0 =	sne.s32 s16, $0x9E00  }
.Ltmp0:
0x1e: {  	s17 =	sadd.s32 $0x280, s17;
	[sflag:s11] =	ssyncadd.s32 $0xFFFFFF80;
	(pc) =	sbr.rel @p0 .LBB2_2-.Ltmp0, $3  }
0x1f: {  	[spmem:s2] =	stream.indirect.scatter.add.f32 [tilespmem:s12], [sflag:$0x1], $0x1, s17, s14, $0xb8;
	[tilespmem:$0x2B00] =	vst v63  }
0x20: {  	s16 =	sadd.s32 $0x200, s16;
	_ =	sdelay $0x1  }
0x21: {  	_ =	swait.ge [sflag:s11], $0x80  }
0x22: {  	[sflag:s11] =	ssyncset.done $0x0;
	s15 =	sadd.s32 $0x1, s15  }
0x23: {  	[sflag:s11] =	ssyncadd.s32 $0xFFFFFF80;
	p0 =	sne.s32 s15, s9  }
.Ltmp1:
0x24: {  	[bflag:$0x0] =	sbarrier.arrive $0xFFFF;
	(pc) =	sbr.rel @p0 .LBB2_1-.Ltmp1, $4  }
0x25: {  	[hbm:s8], [sflag:s6] =	dma.local [spmem:s10], $0x50  }
0x26: {  	_ =	swait.ge [sflag:s11], $0x50  }
0x27: {  	[sflag:s11] =	ssyncset.done $0x0  }
0x28: {  	[sflag:s11] =	ssyncadd.s32 $0xFFFFFFB0  }
0x29: {  	_ =	sfence.sel $0x180000  }
0x2a: {  	[bflag:$0x0] =	sbarrier.arrive $0xFFFF  }
0x2b: {  	p0 =	sne.s32 s1, $0x0;
	_ =	strace $0x90000047  }
0x2c: {  	s0 =	sadd.s32 @!p0 $0x100000, s0;
	[bflag:$0x2] =	sbarrier.arrive $0xFFFF  }
0x2d: {  	[sflag:s0] =	ssyncadd.tile.s32 @!p0 $0x1;
	_ =	shalt  }
.Lfunc_end2:
_tile_overlayer_lowered:
.L_overlay_start_2:
0x2e: {  	(tag) =	ssettag $0x2  }
0x2f: {  	s0 =	rddreg [dreg:$0x0];
	s2 =	stileid.u32  }
0x30: {  	s1 =	rddreg [dreg:$0x1];
	p0 =	sne.s32 s2, $0x0  }
0x31: {  	s3 =	rddreg [dreg:$0x2];
	[bflag:$0x3] =	sbarrier.arrive $0xFFFF;
	s2 =	simm.s32 @!p0 $0x1C01  }
0x32: {  	[timem:s3], [sflag:s2] =	dma.local @!p0 [hbm:s0], s1  }
0x33: {  	s0 =	simm.s32 @!p0 $0x1  }
0x34: {  	_ =	swait.ge @!p0 [sflag:s0], s1  }
0x35: {  	s1 =	ssub.s32 @!p0 $0x0, s1;
	[sflag:s0] =	ssyncset.done @!p0 $0x0  }
0x36: {  	[sflag:s0] =	ssyncadd.s32 @!p0 s1  }
0x37: {  	[bflag:$0x3] =	sbarrier.arrive $0xFFFF  }
0x38: {  	_ =	shalt  }

// kernel: kernel.13.cloned.1.call-start
scs
__scs_entry_jumppad:
0x0: {  	(pc) =	sbr.rel $0x88, $3  }
0x1: {  	(tag) =	ssettag $0x0;
	lr =	simm.s32 $0x1  }
0x2: {  	[smem:$0x3F8E] =	sst lr;
	_ =	strace $0xD0000000  }
0x3: {  	_ = 	snop  }
0x4: {  	_ = 	snop  }
0x5: {  	_ = 	snop  }
0x6: {  	_ = 	snop  }
0x7: {  	_ = 	snop  }
__scs_overlays_trampoline_lowered:
0x8: {  	[smem:$0x3F9D] =	sst s0  }
0x9: {  	[smem:$0x3F9E] =	sst s1  }
0xa: {  	[smem:$0x3F9F] =	sst s2  }
0xb: {  	[smem:$0x3FA0] =	sst s3  }
0xc: {  	[smem:$0x3FA1] =	sst s4  }
0xd: {  	[smem:$0x3FA2] =	sst s5  }
0xe: {  	[smem:$0x3FA3] =	sst s6  }
0xf: {  	[smem:$0x3FA4] =	sst s7  }
0x10: {  	[smem:$0x3FA5] =	sst s8  }
0x11: {  	[smem:$0x3FA6] =	sst s9;
	s0 =	simm.s32 @!p0 $0x0  }
0x12: {  	s1 =	sld [smem:$0x3F8C];
	s0 =	simm.s32 @p0 $0x1  }
0x13: {  	[smem:$0x3FA7] =	sst s0;
	s0 =	simm.s32 @!p1 $0x0  }
0x14: {  	s2 =	sld [smem:$0x3F8B];
	s0 =	simm.s32 @p1 $0x1  }
0x15: {  	[smem:$0x3FA8] =	sst s0;
	s0 =	simm.s32 @!p2 $0x0  }
0x16: {  	s3 =	sld [smem:$0x3FDB];
	s0 =	simm.s32 @p2 $0x1  }
0x17: {  	s4 =	simm.s32 $0x1BF5;
	[smem:$0x3FAA] =	sst s0  }
0x18: {  	s0 =	sld [smem:$0x3F8D];
	_ =	swait.ge [sflag:s4], $0x0  }
0x19: {  	s7 =	sld [smem:$0x3F8E]  }
0x1a: {  	s8 =	sadd.s32 $0xFFFFE003, lr  }
0x1b: {  	s9 =	sadd.s32 $0xFFFFFEF7, lr;
	s5 =	simm.s32 $0xFFFFFFFF;
	p2 =	slt.u32 s8, $0xFFFFF086  }
0x1c: {  	p1 =	slt.u32 s9, $0xF7A;
	s5 =	simm.s32 @!p2 $0x0  }
0x1d: {  	s5 =	simm.s32 @p1 $0x1;
	p0 =	seq.s32 s7, s2  }
0x1e: {  	s7 =	smul.u32 @!p0 $0xF7A, s2;
	p2 =	seq.s32 @!p0 s5, $0x0  }
0x1f: {  	s9 =	smul.u32 $0xF7A, s1;
	s8 =	simm.s32 @!p0 $0x1BF5;
	p2 =	por !p2, p0  }
0x20: {  	[sflag:s8] =	ssyncset.s32 @!p0 $0xFFFFF086;
	s6 =	sadd.s32 @!p0 s3, s7;
	s7 =	simm.s32 @!p0 $0x108  }
0x21: {  	s3 =	sadd.s32 s3, s9;
	s6 =	sadd.s32 @!p0 $0x88, s6;
	s7 =	simm.s32 @p2 $0x1082  }
0x22: {  	[simem:s7], [sflag:s8] =	dma.local @!p0 [hbm:s6], $0xF7A  }
0x23: {  	s9 =	sor.u32 $0xD0000000, s2;
	s6 =	simm.s32 $0x108;
	_ =	swait.ge @!p0 [sflag:s8], $0x0  }
0x24: {  	s3 =	sadd.s32 $0x88, s3;
	s6 =	simm.s32 @!p1 $0x1082;
	[sflag:s4] =	ssyncset.s32 $0xFFFFF086  }
0x25: {  	[simem:s6], [sflag:s4] =	dma.local [hbm:s3], $0xF7A  }
0x26: {  	[smem:$0x3F8E] =	sst s1;
	(tag) =	ssettag s2;
	_ =	strace s9  }
0x27: {  	s1 =	sld [smem:$0x3F9E]  }
0x28: {  	s2 =	sld [smem:$0x3F9F]  }
0x29: {  	s4 =	sld [smem:$0x3FA1]  }
0x2a: {  	p0 =	seq.s32 s5, $0x0;
	s5 =	sld [smem:$0x3FA2]  }
0x2b: {  	s6 =	sld [smem:$0x3FA3]  }
0x2c: {  	s7 =	sld [smem:$0x3FA4]  }
0x2d: {  	s3 =	simm.s32 $0x108;
	s8 =	sld [smem:$0x3FA5]  }
0x2e: {  	s3 =	simm.s32 @!p0 $0x1082;
	s9 =	sld [smem:$0x3FA6]  }
0x2f: {  	lr =	sadd.s32 s0, s3;
	s0 =	sld [smem:$0x3F9D]  }
0x30: {  	s3 =	sld [smem:$0x3FA0]  }
0x31: {  	[smem:$0x3FA9] =	sst s10  }
0x32: {  	s10 =	sld [smem:$0x3FA7];
	_ =	sdelay $0x3  }
0x33: {  	p0 =	seq.s32 s10, $0x1;
	s10 =	sld [smem:$0x3FA9];
	_ =	sdelay $0x3  }
0x34: {  	[smem:$0x3FA9] =	sst s10  }
0x35: {  	s10 =	sld [smem:$0x3FA8];
	_ =	sdelay $0x3  }
0x36: {  	p1 =	seq.s32 s10, $0x1;
	s10 =	sld [smem:$0x3FA9];
	_ =	sdelay $0x3  }
0x37: {  	[smem:$0x3FA9] =	sst s10  }
0x38: {  	s10 =	sld [smem:$0x3FAA]  }
0x39: {  	_ = 	snop;
	(pc) =	sbr.ind lr, $3  }
0x3a: {  	_ = 	snop  }
0x3b: {  	_ = 	snop  }
0x3c: {  	p2 =	seq.s32 s10, $0x1;
	s10 =	sld [smem:$0x3FA9]  }
0x3d: {  	_ =	shalt  }
0x3e: {  	_ =	shalt  }
0x3f: {  	_ =	shalt  }
0x40: {  	_ =	shalt  }
0x41: {  	_ =	shalt  }
0x42: {  	_ =	shalt  }
0x43: {  	_ =	shalt  }
0x44: {  	_ =	shalt  }
0x45: {  	_ =	shalt  }
0x46: {  	_ =	shalt  }
0x47: {  	_ =	shalt  }
0x48: {  	_ =	shalt  }
0x49: {  	_ =	shalt  }
0x4a: {  	_ =	shalt  }
0x4b: {  	_ =	shalt  }
0x4c: {  	_ =	shalt  }
0x4d: {  	_ =	shalt  }
0x4e: {  	_ =	shalt  }
0x4f: {  	_ =	shalt  }
0x50: {  	_ =	shalt  }
0x51: {  	_ =	shalt  }
0x52: {  	_ =	shalt  }
0x53: {  	_ =	shalt  }
0x54: {  	_ =	shalt  }
0x55: {  	_ =	shalt  }
0x56: {  	_ =	shalt  }
0x57: {  	_ =	shalt  }
0x58: {  	_ =	shalt  }
0x59: {  	_ =	shalt  }
0x5a: {  	_ =	shalt  }
0x5b: {  	_ =	shalt  }
0x5c: {  	_ =	shalt  }
0x5d: {  	_ =	shalt  }
0x5e: {  	_ =	shalt  }
0x5f: {  	_ =	shalt  }
0x60: {  	_ =	shalt  }
0x61: {  	_ =	shalt  }
0x62: {  	_ =	shalt  }
0x63: {  	_ =	shalt  }
0x64: {  	_ =	shalt  }
0x65: {  	_ =	shalt  }
0x66: {  	_ =	shalt  }
0x67: {  	_ =	shalt  }
0x68: {  	_ =	shalt  }
0x69: {  	_ =	shalt  }
0x6a: {  	_ =	shalt  }
0x6b: {  	_ =	shalt  }
0x6c: {  	_ =	shalt  }
0x6d: {  	_ =	shalt  }
0x6e: {  	_ =	shalt  }
0x6f: {  	_ =	shalt  }
0x70: {  	_ =	shalt  }
0x71: {  	_ =	shalt  }
0x72: {  	_ =	shalt  }
0x73: {  	_ =	shalt  }
0x74: {  	_ =	shalt  }
0x75: {  	_ =	shalt  }
0x76: {  	_ =	shalt  }
0x77: {  	_ =	shalt  }
0x78: {  	_ =	shalt  }
0x79: {  	_ =	shalt  }
0x7a: {  	_ =	shalt  }
0x7b: {  	_ =	shalt  }
0x7c: {  	_ =	shalt  }
0x7d: {  	_ =	shalt  }
0x7e: {  	_ =	shalt  }
0x7f: {  	_ =	shalt  }
0x80: {  	_ =	shalt  }
0x81: {  	_ =	shalt  }
0x82: {  	_ =	shalt  }
0x83: {  	_ =	shalt  }
0x84: {  	_ =	shalt  }
0x85: {  	_ =	shalt  }
0x86: {  	_ =	shalt  }
0x87: {  	_ =	shalt  }
.Lfunc_end0:
.L_simem_size_0:
called_computation.1_lowered:
.L_overlay_start_0:
0x88: {  	s2 =	sld [smem:$0x3FD9]  }
0x89: {  	s3 =	sld [smem:$0x3FFE];
	_ =	sdelay $0x1  }
0x8a: {  	s1 =	srdreg.scid  }
0x8b: {  	s0 =	sand.u32 $0x1, s1  }
0x8c: {  	s17 =	sshll.u32 s0, $0xA;
	s2 =	sadd.s32 s3, s2  }
0x8d: {  	s2 =	sadd.s32 s2, s17  }
0x8e: {  	[smem:$0x3FB5] =	sst s2  }
0x8f: {  	_ = 	snop  }
0x90: {  	s2 =	sld [smem:$0x3FD0];
	(tm) =	ssettm $0x1  }
0x91: {  	s18 =	sld [smem:$0x3FFB];
	_ =	sdelay $0x3  }
0x92: {  	_ =	strace s18  }
0x93: {  	s3 =	sld [smem:$0x3FFC];
	_ =	sdelay $0x3  }
0x94: {  	_ =	strace s3  }
0x95: {  	s3 =	sld [smem:$0x3FFD];
	_ =	sdelay $0x3  }
0x96: {  	_ =	strace s3  }
0x97: {  	_ =	strace $0x8FFFFFFF  }
0x98: {  	s19 =	sld [smem:$0x3FDB];
	_ =	sdelay $0x1  }
0x99: {  	s4 =	simm.s32 $_scs_section_size  }
0x9a: {  	s5 =	simm.s32 $_size__tile_overlayer_lowered;
	s6 =	simm.s32 $_tile_overlayer_lowered  }
0x9b: {  	s22 =	simm.s32 $0x1BFF;
	s21 =	sshll.u32 s6, $0x1;
	s3 =	sadd.s32 s4, s19  }
0x9c: {  	s7 =	simm.s32 $0x0;
	s20 =	sshll.u32 s5, $0x1;
	s5 =	sadd.s32 s21, s3  }
0x9d: {  	[timem:s7], [sflag:s22] =	dma.local [hbm:s5], s20  }
0x9e: {  	_ =	swait.ge [sflag:s22], s20  }
0x9f: {  	s4 =	ssub.s32 $0x0, s20;
	[sflag:s22] =	ssyncset.done $0x0  }
0xa0: {  	[sflag:s22] =	ssyncadd.s32 s4;
	_ =	sdelay $0x1  }
0xa1: {  	s23 =	simm.s32 $0x1B8B  }
0xa2: {  	_ =	swait.ge [sflag:s23], $0x1  }
0xa3: {  	[sflag:s23] =	ssyncset.done $0x0  }
0xa4: {  	s25 =	simm.s32 $0x1B8E;
	s24 =	sld [smem:$0x3FFE];
	[sflag:s23] =	ssyncadd.s32 $0xFFFFFFFF  }
0xa5: {  	s26 =	simm.s32 $execute0_lowered;
	[smem:$0x3FD2] =	sst s25  }
0xa6: {  	s5 =	sshll.u32 s26, $0x1;
	_ =	strace $0x80000049;
	[dreg:$0x1] =	wrdreg $0xFFFFFFFF  }
0xa7: {  	s28 =	simm.s32 $_size_execute0_lowered;
	s3 =	sadd.s32 s3, s5;
	[dreg:$0x0] =	wrdreg $0x0  }
0xa8: {  	s5 =	sshll.u32 s28, $0x1;
	[dreg:$0x2] =	wrdreg s3  }
0xa9: {  	[dreg:$0x3] =	wrdreg s5  }
0xaa: {  	[dreg:$0x4] =	wrdreg $0xC0  }
0xab: {  	_ =	task [dreg:s7], $0x5FFFF  }
0xac: {  	[dreg:$0x1] =	wrdreg $0xFFFFFFFF  }
0xad: {  	[dreg:$0x0] =	wrdreg $0x60  }
0xae: {  	[dreg:$0x2] =	wrdreg s24  }
0xaf: {  	[dreg:$0x3] =	wrdreg s2  }
0xb0: {  	[dreg:$0x4] =	wrdreg $0x0  }
0xb1: {  	[dreg:$0x5] =	wrdreg $0x9  }
0xb2: {  	_ =	task.clear_ibuf [dreg:s7], $0x6FFFF;
	_ =	strace $0x90000049  }
0xb3: {  	s29 =	simm.s32 $0x9;
	_ =	strace $0x8000004B  }
0xb4: {  	_ =	swait.ge [sflag:s29], $0x1  }
0xb5: {  	[sflag:s29] =	ssyncadd.s32 $0xFFFFFFFF  }
0xb6: {  	_ =	strace $0x9000004B  }
0xb7: {  	_ =	sfence  }
0xb8: {  	s30 =	sld [smem:$0x0];
	_ =	sdelay $0x2  }
0xb9: {  	s31 =	sshll.u32 s1, $0xD;
	s1 =	sshrl.u32 s1, $0x2  }
0xba: {  	s3 =	sand.u32 $0x4000, s31;
	s1 =	sadd.s32 s1, s30  }
0xbb: {  	s0 =	sor.u32 s3, s0;
	s1 =	sshll.u32 s1, $0x11  }
0xbc: {  	s0 =	sor.u32 s1, s0  }
0xbd: {  	s0 =	sadd.s32 $0x8F2B, s0  }
0xbe: {  	[sflag:s0] =	ssyncadd.remote.s32 $0x1  }
0xbf: {  	_ =	sfence.sel $0xFFFF  }
0xc0: {  	[dreg:$0x0] =	wrdreg $0xFFFFFFFF;
	(pc) =	sbr.abs _section_cstart, $3  }
0xc1: {  	[dreg:$0x1] =	wrdreg $0xFFFFFFFF  }
0xc2: {  	_ =	task.clear_ibuf [dreg:s7], $0x2FFFF;
	_ =	strace $0x9FFFFFFF  }
0xc3: {  	(tm) =	ssettm $0x7FFFFFFF  }
tec
execute0_lowered:
.L_overlay_start_1:
0x0: {  	(tag) =	ssettag $0x1  }
0x1: {  	s0 =	srdreg.scid;
	s1 =	rddreg [dreg:$0x0]  }
0x2: {  	s10 =	stileid.u32;
	s3 =	rddreg [dreg:$0x2];
	s4 =	simm.s32 $0x0  }
0x3: {  	s17 =	simm.s32 $0x16900;
	s18 =	simm.s32 $0x4;
	s19 =	simm.s32 $0x14000  }
0x4: {  	s20 =	simm.s32 $0x16800;
	s21 =	simm.s32 $0x80;
	s23 =	simm.s32 $0x1A900  }
0x5: {  	s24 =	simm.s32 $0x16880;
	s25 =	simm.s32 $0x1;
	s26 =	simm.s32 $0x2  }
0x6: {  	s28 =	simm.s32 $0x3;
	s29 =	simm.s32 $0x0;
	s7 =	smul.u32 $0x14000, s10  }
0x7: {  	s0 =	sand.u32 $0x1, s0;
	[smem:$0x7FF] =	sst s4;
	s8 =	smul.u32 $0x50000, s10  }
0x8: {  	s5 =	sadd.s32 $0x1A600, s1;
	s12 =	sadd.s32 $0x10600, s1;
	s15 =	smul.u32 $0x500, s10  }
0x9: {  	s2 =	sshll.u32 s0, $0x4;
	s6 =	smul.u32 $0x140000, s0;
	_ =	strace $0x8000004A  }
0xa: {  	s31 =	ssub.s32 $0x2, s0;
	s0 =	smul.u32 $0x5000, s0;
	s2 =	sor.u32 s10, s2  }
0xb: {  	s8 =	sshrl.u32 s8, $0x2;
	s9 =	sshrl.u32 s31, $0x1;
	s2 =	smul.u32 $0x500, s2  }
0xc: {  	s6 =	sadd.s32 s7, s6;
	s14 =	ssub.s32 s31, s9;
	s0 =	sadd.s32 s0, s12  }
0xd: {  	s6 =	sshrl.u32 s6, $0x3;
	s0 =	sadd.s32 s15, s0;
	s14 =	smax.u32 s14, $0x1  }
0xe: {  	s11 =	sadd.s32 s2, s1;
	s1 =	sadd.s32 s6, s1;
	s6 =	sadd.s32 s8, s3  }
0xf: {  	s12 =	sadd.s32 s12, s2;
	s16 =	sadd.s32 $0x20, s0;
	s7 =	sadd.s32 $0x4000, s6  }
0x10: {  	s8 =	sadd.s32 $0x8000, s6;
	s9 =	sadd.s32 $0xC000, s6;
	s10 =	sadd.s32 $0x10000, s6  }
0x11: {  	s11 =	sadd.s32 $0x6600, s11;
	s13 =	sadd.s32 $0x6A600, s1;
	s15 =	sadd.s32 $0x10, s12  }
.LBB2_1:
0x12: {  	s0 =	rddreg [dreg:$0x1]  }
0x13: {  	[tilespmem:s17], [sflag:$0x4] =	stream.linear.gather [hbm4b:s0+s4], $0x4000, $0x38;
	[tilespmem:$0x1E900] =	vst v63  }
0x14: {  	_ =	swait.ge [sflag:s18], $0x4000  }
0x15: {  	[sflag:s18] =	ssyncset.done $0x0  }
0x16: {  	[sflag:s18] =	ssyncadd.s32 $0xFFFFC000  }
0x17: {  	[spmem:s6] =	stream.linear.scatter [tilespmem:s17], [sflag:$0x4], $0x4000, $0x38;
	[tilespmem:$0x1E900] =	vst v63  }
0x18: {  	_ =	swait.ge [sflag:s18], $0x4000  }
0x19: {  	[sflag:s18] =	ssyncset.done $0x0  }
0x1a: {  	[sflag:s18] =	ssyncadd.s32 $0xFFFFC000  }
0x1b: {  	[spmem:s7] =	stream.linear.scatter [tilespmem:s17], [sflag:$0x4], $0x4000, $0x38;
	[tilespmem:$0x1E900] =	vst v63  }
0x1c: {  	_ =	swait.ge [sflag:s18], $0x4000  }
0x1d: {  	[sflag:s18] =	ssyncset.done $0x0  }
0x1e: {  	[sflag:s18] =	ssyncadd.s32 $0xFFFFC000  }
0x1f: {  	[spmem:s8] =	stream.linear.scatter [tilespmem:s17], [sflag:$0x4], $0x4000, $0x38;
	[tilespmem:$0x1E900] =	vst v63  }
0x20: {  	_ =	swait.ge [sflag:s18], $0x4000  }
0x21: {  	[sflag:s18] =	ssyncset.done $0x0  }
0x22: {  	[sflag:s18] =	ssyncadd.s32 $0xFFFFC000  }
0x23: {  	[spmem:s9] =	stream.linear.scatter [tilespmem:s17], [sflag:$0x4], $0x4000, $0x38;
	[tilespmem:$0x1E900] =	vst v63  }
0x24: {  	_ =	swait.ge [sflag:s18], $0x4000  }
0x25: {  	[sflag:s18] =	ssyncset.done $0x0  }
0x26: {  	[sflag:s18] =	ssyncadd.s32 $0xFFFFC000  }
0x27: {  	[spmem:s10] =	stream.linear.scatter [tilespmem:s17], [sflag:$0x4], $0x4000, $0x38;
	[tilespmem:$0x1E900] =	vst v63  }
0x28: {  	_ =	swait.ge [sflag:s18], $0x4000  }
0x29: {  	[sflag:s18] =	ssyncset.done $0x0  }
0x2a: {  	[sflag:s18] =	ssyncadd.s32 $0xFFFFC000  }
0x2b: {  	[tilespmem:s19], [sflag:$0x4] =	stream.linear.gather [hbm4b:s11+s4], $0x2800, $0x38;
	[tilespmem:$0x1E900] =	vst v63  }
0x2c: {  	_ =	swait.ge [sflag:s18], $0x2800  }
0x2d: {  	[sflag:s18] =	ssyncset.done $0x0  }
0x2e: {  	[sflag:s18] =	ssyncadd.s32 $0xFFFFD800  }
0x2f: {  	[tilespmem:s20], [sflag:$0x4] =	stream.linear.gather [hbm4b:s12+s4], $0x80, $0x38;
	[tilespmem:$0x1E900] =	vst v63  }
0x30: {  	_ =	swait.ge [sflag:s18], $0x80  }
0x31: {  	[sflag:s18] =	ssyncset.done $0x0  }
0x32: {  	[sflag:s18] =	ssyncadd.s32 $0xFFFFFF80  }
0x33: {  	[bflag:$0x0] =	sbarrier.arrive $0xFFFF  }
0x34: {  	[tilespmem:s17], [sflag:$0x1] =	stream.indirect.gather [hbm4b:s5+s21], $0x80, s19, s21, $0xb8;
	[tilespmem:$0x1E900] =	vst v63  }
0x35: {  	s2 =	simm.s32 $0x14080  }
0x36: {  	[tilespmem:s23], [sflag:$0x1] =	stream.indirect.gather [hbm4b:s5+s21], $0x80, s2, s21, $0xb8;
	[tilespmem:$0x1E900] =	vst v63  }
0x37: {  	_ = 	snop  }
0x38: {  	[tilespmem:s24], [sflag:$0x3] =	stream.linear.gather [hbm4b:s15+s4], $0x80, $0x38;
	[tilespmem:$0x1E900] =	vst v63  }
0x39: {  	_ =	swait.ge [sflag:s25], $0x4000  }
0x3a: {  	[sflag:s25] =	ssyncset.done $0x0  }
0x3b: {  	[sflag:s25] =	ssyncadd.s32 $0xFFFFC000  }
0x3c: {  	[spmem:s3] =	stream.indirect.scatter.add.f32 [tilespmem:s17], [sflag:$0x2], $0x80, s20, s21, $0xb8;
	[tilespmem:$0x1E900] =	vst v63  }
0x3d: {  	s22 =	sand.u32 $0x1, s26;
	_ =	swait.ge [sflag:s26], $0x4000  }
0x3e: {  	s1 =	simm.s32 $0x14100;
	s2 =	sshll.u32 s22, $0xE;
	[sflag:s26] =	ssyncset.done $0x0  }
0x3f: {  	s0 =	sshll.u32 s22, $0x7;
	s2 =	sadd.s32 $0x16900, s2;
	[sflag:s26] =	ssyncadd.s32 $0xFFFFC000  }
0x40: {  	[tilespmem:s2], [sflag:$0x1] =	stream.indirect.gather [hbm4b:s5+s21], $0x80, s1, s21, $0xb8;
	[tilespmem:$0x1E900] =	vst v63  }
0x41: {  	s0 =	sor.u32 $0x16800, s0  }
0x42: {  	[tilespmem:s0], [sflag:$0x3] =	stream.linear.gather [hbm4b:s16+s4], $0x80, $0x38;
	[tilespmem:$0x1E900] =	vst v63  }
0x43: {  	_ =	swait.ge [sflag:s25], $0x4000  }
0x44: {  	s30 =	simm.s32 $0x3;
	[sflag:s25] =	ssyncset.done $0x0  }
0x45: {  	s31 =	simm.s32 $0x14180;
	s2 =	simm.s32 $0x1;
	[sflag:s25] =	ssyncadd.s32 $0xFFFFC000  }
0x46: {  	s1 =	sadd.s32 $0x10, s16;
	s0 =	sand.u32 $0x1, s2;
	_ =	swait.ge [sflag:s28], $0x80  }
0x47: {  	s22 =	sshll.u32 s0, $0xE;
	s0 =	sshll.u32 s0, $0x7;
	[sflag:s28] =	ssyncset.done $0x0  }
0x48: {  	s2 =	sadd.s32 $0x16900, s22;
	s0 =	sor.u32 $0x16800, s0;
	[sflag:s28] =	ssyncadd.s32 $0xFFFFFF80  }
.LBB2_2:
0x49: {  	[spmem:s3] =	stream.indirect.scatter.add.f32 [tilespmem:s2], [sflag:$0x2], $0x80, s0, s21, $0xb8;
	[tilespmem:$0x1E900] =	vst v63  }
0x4a: {  	s0 =	smov.u32 s30  }
0x4b: {  	s2 =	sand.u32 $0x1, s30;
	p0 =	sne.s32 s30, $0x4F;
	_ =	swait.ge [sflag:s26], $0x4000  }
0x4c: {  	s22 =	sshll.u32 s2, $0xE;
	s2 =	sshll.u32 s2, $0x7;
	[sflag:s26] =	ssyncset.done $0x0  }
0x4d: {  	s30 =	sadd.s32 $0x1, s30;
	s22 =	sadd.s32 $0x16900, s22;
	[sflag:s26] =	ssyncadd.s32 $0xFFFFC000  }
0x4e: {  	[tilespmem:s22], [sflag:$0x1] =	stream.indirect.gather [hbm4b:s5+s21], $0x80, s31, s21, $0xb8;
	[tilespmem:$0x1E900] =	vst v63  }
0x4f: {  	s2 =	sor.u32 $0x16800, s2  }
0x50: {  	[tilespmem:s2], [sflag:$0x3] =	stream.linear.gather [hbm4b:s1+s4], $0x80, $0x38;
	[tilespmem:$0x1E900] =	vst v63  }
0x51: {  	_ =	swait.ge [sflag:s25], $0x4000  }
.Ltmp0:
0x52: {  	[sflag:s25] =	ssyncset.done $0x0;
	(pc) =	sbr.rel @p0 .LBB2_2-.Ltmp0, $4  }
0x53: {  	s0 =	sadd.s32 $0xFFFFFFFF, s0;
	s31 =	sadd.s32 $0x80, s31;
	[sflag:s25] =	ssyncadd.s32 $0xFFFFC000  }
0x54: {  	s0 =	sand.u32 $0x1, s0;
	s1 =	sadd.s32 $0x10, s1;
	_ =	swait.ge [sflag:s28], $0x80  }
0x55: {  	s2 =	sshll.u32 s0, $0xE;
	s0 =	sshll.u32 s0, $0x7;
	[sflag:s28] =	ssyncset.done $0x0  }
0x56: {  	s2 =	sadd.s32 $0x16900, s2;
	s0 =	sor.u32 $0x16800, s0;
	[sflag:s28] =	ssyncadd.s32 $0xFFFFFF80  }
0x57: {  	[spmem:s3] =	stream.indirect.scatter.add.f32 [tilespmem:s2], [sflag:$0x2], $0x80, s0, s21, $0xb8;
	[tilespmem:$0x1E900] =	vst v63  }
0x58: {  	_ =	swait.ge [sflag:s26], $0x4000  }
0x59: {  	[sflag:s26] =	ssyncset.done $0x0  }
0x5a: {  	[sflag:s26] =	ssyncadd.s32 $0xFFFFC000  }
0x5b: {  	_ =	swait.ge [sflag:s25], $0x4000  }
0x5c: {  	[sflag:s25] =	ssyncset.done $0x0  }
0x5d: {  	[sflag:s25] =	ssyncadd.s32 $0xFFFFC000  }
0x5e: {  	_ =	swait.ge [sflag:s28], $0x80  }
0x5f: {  	[sflag:s28] =	ssyncset.done $0x0  }
0x60: {  	[sflag:s28] =	ssyncadd.s32 $0xFFFFFF80  }
0x61: {  	[spmem:s3] =	stream.indirect.scatter.add.f32 [tilespmem:s23], [sflag:$0x2], $0x80, s24, s21, $0xb8;
	[tilespmem:$0x1E900] =	vst v63  }
0x62: {  	s31 =	stileid.u32;
	_ =	swait.ge [sflag:s26], $0x4000  }
0x63: {  	s1 =	sshrl.u32 s6, $0x3;
	s29 =	sadd.s32 $0x1, s29;
	[sflag:s26] =	ssyncset.done $0x0  }
0x64: {  	s0 =	sshll.u32 s31, $0x6;
	p0 =	sne.s32 s29, s14;
	[sflag:s26] =	ssyncadd.s32 $0xFFFFC000  }
.Ltmp1:
0x65: {  	s0 =	sor.u32 $0x1C04, s0;
	[bflag:$0x0] =	sbarrier.arrive $0xFFFF;
	(pc) =	sbr.rel @p0 .LBB2_1-.Ltmp1, $4  }
0x66: {  	[hbm:s13], [sflag:s0] =	dma.local [spmem:s1], $0x2800  }
0x67: {  	_ =	swait.ge [sflag:s18], $0x2800  }
0x68: {  	[sflag:s18] =	ssyncset.done $0x0  }
0x69: {  	[sflag:s18] =	ssyncadd.s32 $0xFFFFD800  }
0x6a: {  	_ =	sfence.sel $0x180000  }
0x6b: {  	[bflag:$0x0] =	sbarrier.arrive $0xFFFF  }
0x6c: {  	_ =	strace $0x9000004A  }
0x6d: {  	s0 =	stileid.u32;
	[bflag:$0x2] =	sbarrier.arrive $0xFFFF  }
0x6e: {  	p0 =	sne.s32 s0, $0x0;
	s0 =	rddreg [dreg:$0x3]  }
0x6f: {  	s0 =	sadd.s32 @!p0 $0x100000, s0  }
0x70: {  	[sflag:s0] =	ssyncadd.tile.s32 @!p0 $0x1;
	_ =	shalt  }
.Lfunc_end2:
_tile_overlayer_lowered:
.L_overlay_start_2:
0x71: {  	(tag) =	ssettag $0x2  }
0x72: {  	s0 =	rddreg [dreg:$0x0];
	s2 =	stileid.u32  }
0x73: {  	s1 =	rddreg [dreg:$0x1];
	p0 =	sne.s32 s2, $0x0  }
0x74: {  	s3 =	rddreg [dreg:$0x2];
	[bflag:$0x3] =	sbarrier.arrive $0xFFFF;
	s2 =	simm.s32 @!p0 $0x1C04  }
0x75: {  	[timem:s3], [sflag:s2] =	dma.local @!p0 [hbm:s0], s1  }
0x76: {  	s0 =	simm.s32 @!p0 $0x4  }
0x77: {  	_ =	swait.ge @!p0 [sflag:s0], s1  }
0x78: {  	s1 =	ssub.s32 @!p0 $0x0, s1;
	[sflag:s0] =	ssyncset.done @!p0 $0x0  }
0x79: {  	[sflag:s0] =	ssyncadd.s32 @!p0 s1  }
0x7a: {  	[bflag:$0x3] =	sbarrier.arrive $0xFFFF  }
0x7b: {  	_ =	shalt  }

// kernel: kernel.16.cloned.1.call-start
scs
__scs_entry_jumppad:
0x0: {  	(pc) =	sbr.rel $0x88, $3  }
0x1: {  	(tag) =	ssettag $0x0;
	lr =	simm.s32 $0x1  }
0x2: {  	[smem:$0x3F8E] =	sst lr;
	_ =	strace $0xD0000000  }
0x3: {  	_ = 	snop  }
0x4: {  	_ = 	snop  }
0x5: {  	_ = 	snop  }
0x6: {  	_ = 	snop  }
0x7: {  	_ = 	snop  }
__scs_overlays_trampoline_lowered:
0x8: {  	[smem:$0x3F9D] =	sst s0  }
0x9: {  	[smem:$0x3F9E] =	sst s1  }
0xa: {  	[smem:$0x3F9F] =	sst s2  }
0xb: {  	[smem:$0x3FA0] =	sst s3  }
0xc: {  	[smem:$0x3FA1] =	sst s4  }
0xd: {  	[smem:$0x3FA2] =	sst s5  }
0xe: {  	[smem:$0x3FA3] =	sst s6  }
0xf: {  	[smem:$0x3FA4] =	sst s7  }
0x10: {  	[smem:$0x3FA5] =	sst s8  }
0x11: {  	[smem:$0x3FA6] =	sst s9;
	s0 =	simm.s32 @!p0 $0x0  }
0x12: {  	s1 =	sld [smem:$0x3F8C];
	s0 =	simm.s32 @p0 $0x1  }
0x13: {  	[smem:$0x3FA7] =	sst s0;
	s0 =	simm.s32 @!p1 $0x0  }
0x14: {  	s2 =	sld [smem:$0x3F8B];
	s0 =	simm.s32 @p1 $0x1  }
0x15: {  	[smem:$0x3FA8] =	sst s0;
	s0 =	simm.s32 @!p2 $0x0  }
0x16: {  	s3 =	sld [smem:$0x3FDB];
	s0 =	simm.s32 @p2 $0x1  }
0x17: {  	s4 =	simm.s32 $0x1BF5;
	[smem:$0x3FAA] =	sst s0  }
0x18: {  	s0 =	sld [smem:$0x3F8D];
	_ =	swait.ge [sflag:s4], $0x0  }
0x19: {  	s7 =	sld [smem:$0x3F8E]  }
0x1a: {  	s8 =	sadd.s32 $0xFFFFE003, lr  }
0x1b: {  	s9 =	sadd.s32 $0xFFFFFEF7, lr;
	s5 =	simm.s32 $0xFFFFFFFF;
	p2 =	slt.u32 s8, $0xFFFFF086  }
0x1c: {  	p1 =	slt.u32 s9, $0xF7A;
	s5 =	simm.s32 @!p2 $0x0  }
0x1d: {  	s5 =	simm.s32 @p1 $0x1;
	p0 =	seq.s32 s7, s2  }
0x1e: {  	s7 =	smul.u32 @!p0 $0xF7A, s2;
	p2 =	seq.s32 @!p0 s5, $0x0  }
0x1f: {  	s9 =	smul.u32 $0xF7A, s1;
	s8 =	simm.s32 @!p0 $0x1BF5;
	p2 =	por !p2, p0  }
0x20: {  	[sflag:s8] =	ssyncset.s32 @!p0 $0xFFFFF086;
	s6 =	sadd.s32 @!p0 s3, s7;
	s7 =	simm.s32 @!p0 $0x108  }
0x21: {  	s3 =	sadd.s32 s3, s9;
	s6 =	sadd.s32 @!p0 $0x88, s6;
	s7 =	simm.s32 @p2 $0x1082  }
0x22: {  	[simem:s7], [sflag:s8] =	dma.local @!p0 [hbm:s6], $0xF7A  }
0x23: {  	s9 =	sor.u32 $0xD0000000, s2;
	s6 =	simm.s32 $0x108;
	_ =	swait.ge @!p0 [sflag:s8], $0x0  }
0x24: {  	s3 =	sadd.s32 $0x88, s3;
	s6 =	simm.s32 @!p1 $0x1082;
	[sflag:s4] =	ssyncset.s32 $0xFFFFF086  }
0x25: {  	[simem:s6], [sflag:s4] =	dma.local [hbm:s3], $0xF7A  }
0x26: {  	[smem:$0x3F8E] =	sst s1;
	(tag) =	ssettag s2;
	_ =	strace s9  }
0x27: {  	s1 =	sld [smem:$0x3F9E]  }
0x28: {  	s2 =	sld [smem:$0x3F9F]  }
0x29: {  	s4 =	sld [smem:$0x3FA1]  }
0x2a: {  	p0 =	seq.s32 s5, $0x0;
	s5 =	sld [smem:$0x3FA2]  }
0x2b: {  	s6 =	sld [smem:$0x3FA3]  }
0x2c: {  	s7 =	sld [smem:$0x3FA4]  }
0x2d: {  	s3 =	simm.s32 $0x108;
	s8 =	sld [smem:$0x3FA5]  }
0x2e: {  	s3 =	simm.s32 @!p0 $0x1082;
	s9 =	sld [smem:$0x3FA6]  }
0x2f: {  	lr =	sadd.s32 s0, s3;
	s0 =	sld [smem:$0x3F9D]  }
0x30: {  	s3 =	sld [smem:$0x3FA0]  }
0x31: {  	[smem:$0x3FA9] =	sst s10  }
0x32: {  	s10 =	sld [smem:$0x3FA7];
	_ =	sdelay $0x3  }
0x33: {  	p0 =	seq.s32 s10, $0x1;
	s10 =	sld [smem:$0x3FA9];
	_ =	sdelay $0x3  }
0x34: {  	[smem:$0x3FA9] =	sst s10  }
0x35: {  	s10 =	sld [smem:$0x3FA8];
	_ =	sdelay $0x3  }
0x36: {  	p1 =	seq.s32 s10, $0x1;
	s10 =	sld [smem:$0x3FA9];
	_ =	sdelay $0x3  }
0x37: {  	[smem:$0x3FA9] =	sst s10  }
0x38: {  	s10 =	sld [smem:$0x3FAA]  }
0x39: {  	_ = 	snop;
	(pc) =	sbr.ind lr, $3  }
0x3a: {  	_ = 	snop  }
0x3b: {  	_ = 	snop  }
0x3c: {  	p2 =	seq.s32 s10, $0x1;
	s10 =	sld [smem:$0x3FA9]  }
0x3d: {  	_ =	shalt  }
0x3e: {  	_ =	shalt  }
0x3f: {  	_ =	shalt  }
0x40: {  	_ =	shalt  }
0x41: {  	_ =	shalt  }
0x42: {  	_ =	shalt  }
0x43: {  	_ =	shalt  }
0x44: {  	_ =	shalt  }
0x45: {  	_ =	shalt  }
0x46: {  	_ =	shalt  }
0x47: {  	_ =	shalt  }
0x48: {  	_ =	shalt  }
0x49: {  	_ =	shalt  }
0x4a: {  	_ =	shalt  }
0x4b: {  	_ =	shalt  }
0x4c: {  	_ =	shalt  }
0x4d: {  	_ =	shalt  }
0x4e: {  	_ =	shalt  }
0x4f: {  	_ =	shalt  }
0x50: {  	_ =	shalt  }
0x51: {  	_ =	shalt  }
0x52: {  	_ =	shalt  }
0x53: {  	_ =	shalt  }
0x54: {  	_ =	shalt  }
0x55: {  	_ =	shalt  }
0x56: {  	_ =	shalt  }
0x57: {  	_ =	shalt  }
0x58: {  	_ =	shalt  }
0x59: {  	_ =	shalt  }
0x5a: {  	_ =	shalt  }
0x5b: {  	_ =	shalt  }
0x5c: {  	_ =	shalt  }
0x5d: {  	_ =	shalt  }
0x5e: {  	_ =	shalt  }
0x5f: {  	_ =	shalt  }
0x60: {  	_ =	shalt  }
0x61: {  	_ =	shalt  }
0x62: {  	_ =	shalt  }
0x63: {  	_ =	shalt  }
0x64: {  	_ =	shalt  }
0x65: {  	_ =	shalt  }
0x66: {  	_ =	shalt  }
0x67: {  	_ =	shalt  }
0x68: {  	_ =	shalt  }
0x69: {  	_ =	shalt  }
0x6a: {  	_ =	shalt  }
0x6b: {  	_ =	shalt  }
0x6c: {  	_ =	shalt  }
0x6d: {  	_ =	shalt  }
0x6e: {  	_ =	shalt  }
0x6f: {  	_ =	shalt  }
0x70: {  	_ =	shalt  }
0x71: {  	_ =	shalt  }
0x72: {  	_ =	shalt  }
0x73: {  	_ =	shalt  }
0x74: {  	_ =	shalt  }
0x75: {  	_ =	shalt  }
0x76: {  	_ =	shalt  }
0x77: {  	_ =	shalt  }
0x78: {  	_ =	shalt  }
0x79: {  	_ =	shalt  }
0x7a: {  	_ =	shalt  }
0x7b: {  	_ =	shalt  }
0x7c: {  	_ =	shalt  }
0x7d: {  	_ =	shalt  }
0x7e: {  	_ =	shalt  }
0x7f: {  	_ =	shalt  }
0x80: {  	_ =	shalt  }
0x81: {  	_ =	shalt  }
0x82: {  	_ =	shalt  }
0x83: {  	_ =	shalt  }
0x84: {  	_ =	shalt  }
0x85: {  	_ =	shalt  }
0x86: {  	_ =	shalt  }
0x87: {  	_ =	shalt  }
.Lfunc_end0:
.L_simem_size_0:
called_computation.2_lowered:
.L_overlay_start_0:
0x88: {  	s2 =	sld [smem:$0x3FD9]  }
0x89: {  	s3 =	sld [smem:$0x3FFE];
	_ =	sdelay $0x1  }
0x8a: {  	s1 =	srdreg.scid  }
0x8b: {  	s0 =	sand.u32 $0x1, s1  }
0x8c: {  	s17 =	sshll.u32 s0, $0xA;
	s2 =	sadd.s32 s3, s2  }
0x8d: {  	s2 =	sadd.s32 s2, s17  }
0x8e: {  	[smem:$0x3FB5] =	sst s2  }
0x8f: {  	_ = 	snop  }
0x90: {  	s2 =	sld [smem:$0x3FD0];
	(tm) =	ssettm $0x1  }
0x91: {  	s18 =	sld [smem:$0x3FFB];
	_ =	sdelay $0x3  }
0x92: {  	_ =	strace s18  }
0x93: {  	s3 =	sld [smem:$0x3FFC];
	_ =	sdelay $0x3  }
0x94: {  	_ =	strace s3  }
0x95: {  	s3 =	sld [smem:$0x3FFD];
	_ =	sdelay $0x3  }
0x96: {  	_ =	strace s3  }
0x97: {  	_ =	strace $0x8FFFFFFF  }
0x98: {  	s19 =	sld [smem:$0x3FDB];
	_ =	sdelay $0x1  }
0x99: {  	s4 =	simm.s32 $_scs_section_size  }
0x9a: {  	s5 =	simm.s32 $_size__tile_overlayer_lowered;
	s6 =	simm.s32 $_tile_overlayer_lowered  }
0x9b: {  	s22 =	simm.s32 $0x1BFF;
	s21 =	sshll.u32 s6, $0x1;
	s3 =	sadd.s32 s4, s19  }
0x9c: {  	s7 =	simm.s32 $0x0;
	s20 =	sshll.u32 s5, $0x1;
	s5 =	sadd.s32 s21, s3  }
0x9d: {  	[timem:s7], [sflag:s22] =	dma.local [hbm:s5], s20  }
0x9e: {  	_ =	swait.ge [sflag:s22], s20  }
0x9f: {  	s4 =	ssub.s32 $0x0, s20;
	[sflag:s22] =	ssyncset.done $0x0  }
0xa0: {  	[sflag:s22] =	ssyncadd.s32 s4;
	_ =	sdelay $0x1  }
0xa1: {  	s23 =	simm.s32 $0x1B8B  }
0xa2: {  	_ =	swait.ge [sflag:s23], $0x1  }
0xa3: {  	[sflag:s23] =	ssyncset.done $0x0  }
0xa4: {  	s25 =	simm.s32 $0x1B8E;
	s24 =	sld [smem:$0x3FFE];
	[sflag:s23] =	ssyncadd.s32 $0xFFFFFFFF  }
0xa5: {  	s26 =	simm.s32 $execute0_lowered;
	[smem:$0x3FD2] =	sst s25  }
0xa6: {  	s5 =	sshll.u32 s26, $0x1;
	_ =	strace $0x8000004C;
	[dreg:$0x1] =	wrdreg $0xFFFFFFFF  }
0xa7: {  	s28 =	simm.s32 $_size_execute0_lowered;
	s3 =	sadd.s32 s3, s5;
	[dreg:$0x0] =	wrdreg $0x0  }
0xa8: {  	s5 =	sshll.u32 s28, $0x1;
	[dreg:$0x2] =	wrdreg s3  }
0xa9: {  	[dreg:$0x3] =	wrdreg s5  }
0xaa: {  	[dreg:$0x4] =	wrdreg $0xC0  }
0xab: {  	_ =	task [dreg:s7], $0x5FFFF  }
0xac: {  	[dreg:$0x1] =	wrdreg $0xFFFFFFFF  }
0xad: {  	[dreg:$0x0] =	wrdreg $0x60  }
0xae: {  	[dreg:$0x2] =	wrdreg s24  }
0xaf: {  	[dreg:$0x3] =	wrdreg s2  }
0xb0: {  	[dreg:$0x4] =	wrdreg $0x0  }
0xb1: {  	[dreg:$0x5] =	wrdreg $0x9  }
0xb2: {  	_ =	task.clear_ibuf [dreg:s7], $0x6FFFF;
	_ =	strace $0x9000004C  }
0xb3: {  	s29 =	simm.s32 $0x9;
	_ =	strace $0x8000004E  }
0xb4: {  	_ =	swait.ge [sflag:s29], $0x1  }
0xb5: {  	[sflag:s29] =	ssyncadd.s32 $0xFFFFFFFF  }
0xb6: {  	_ =	strace $0x9000004E  }
0xb7: {  	_ =	sfence  }
0xb8: {  	s30 =	sld [smem:$0x0];
	_ =	sdelay $0x2  }
0xb9: {  	s31 =	sshll.u32 s1, $0xD;
	s1 =	sshrl.u32 s1, $0x2  }
0xba: {  	s3 =	sand.u32 $0x4000, s31;
	s1 =	sadd.s32 s1, s30  }
0xbb: {  	s0 =	sor.u32 s3, s0;
	s1 =	sshll.u32 s1, $0x11  }
0xbc: {  	s0 =	sor.u32 s1, s0  }
0xbd: {  	s0 =	sadd.s32 $0x8F2B, s0  }
0xbe: {  	[sflag:s0] =	ssyncadd.remote.s32 $0x1  }
0xbf: {  	_ =	sfence.sel $0xFFFF  }
0xc0: {  	[dreg:$0x0] =	wrdreg $0xFFFFFFFF;
	(pc) =	sbr.abs _section_cstart, $3  }
0xc1: {  	[dreg:$0x1] =	wrdreg $0xFFFFFFFF  }
0xc2: {  	_ =	task.clear_ibuf [dreg:s7], $0x2FFFF;
	_ =	strace $0x9FFFFFFF  }
0xc3: {  	(tm) =	ssettm $0x7FFFFFFF  }
tec
execute0_lowered:
.L_overlay_start_1:
0x0: {  	(tag) =	ssettag $0x1  }
0x1: {  	s0 =	srdreg.scid;
	s1 =	rddreg [dreg:$0x0]  }
0x2: {  	s10 =	stileid.u32;
	s3 =	rddreg [dreg:$0x2];
	s4 =	simm.s32 $0x0  }
0x3: {  	s17 =	simm.s32 $0x16900;
	s18 =	simm.s32 $0x4;
	s19 =	simm.s32 $0x14000  }
0x4: {  	s20 =	simm.s32 $0x16800;
	s21 =	simm.s32 $0x80;
	s23 =	simm.s32 $0x1A900  }
0x5: {  	s24 =	simm.s32 $0x16880;
	s25 =	simm.s32 $0x1;
	s26 =	simm.s32 $0x2  }
0x6: {  	s28 =	simm.s32 $0x3;
	s29 =	simm.s32 $0x0;
	s7 =	smul.u32 $0x14000, s10  }
0x7: {  	s0 =	sand.u32 $0x1, s0;
	[smem:$0x7FF] =	sst s4;
	s8 =	smul.u32 $0x50000, s10  }
0x8: {  	s5 =	sadd.s32 $0x1A600, s1;
	s12 =	sadd.s32 $0x10600, s1;
	s15 =	smul.u32 $0x500, s10  }
0x9: {  	s2 =	sshll.u32 s0, $0x4;
	s6 =	smul.u32 $0x140000, s0;
	_ =	strace $0x8000004D  }
0xa: {  	s31 =	ssub.s32 $0x2, s0;
	s0 =	smul.u32 $0x5000, s0;
	s2 =	sor.u32 s10, s2  }
0xb: {  	s8 =	sshrl.u32 s8, $0x2;
	s9 =	sshrl.u32 s31, $0x1;
	s2 =	smul.u32 $0x500, s2  }
0xc: {  	s6 =	sadd.s32 s7, s6;
	s14 =	ssub.s32 s31, s9;
	s0 =	sadd.s32 s0, s12  }
0xd: {  	s6 =	sshrl.u32 s6, $0x3;
	s0 =	sadd.s32 s15, s0;
	s14 =	smax.u32 s14, $0x1  }
0xe: {  	s11 =	sadd.s32 s2, s1;
	s1 =	sadd.s32 s6, s1;
	s6 =	sadd.s32 s8, s3  }
0xf: {  	s12 =	sadd.s32 s12, s2;
	s16 =	sadd.s32 $0x20, s0;
	s7 =	sadd.s32 $0x4000, s6  }
0x10: {  	s8 =	sadd.s32 $0x8000, s6;
	s9 =	sadd.s32 $0xC000, s6;
	s10 =	sadd.s32 $0x10000, s6  }
0x11: {  	s11 =	sadd.s32 $0x6600, s11;
	s13 =	sadd.s32 $0x6A600, s1;
	s15 =	sadd.s32 $0x10, s12  }
.LBB2_1:
0x12: {  	s0 =	rddreg [dreg:$0x1]  }
0x13: {  	[tilespmem:s17], [sflag:$0x4] =	stream.linear.gather [hbm4b:s0+s4], $0x4000, $0x38;
	[tilespmem:$0x1E900] =	vst v63  }
0x14: {  	_ =	swait.ge [sflag:s18], $0x4000  }
0x15: {  	[sflag:s18] =	ssyncset.done $0x0  }
0x16: {  	[sflag:s18] =	ssyncadd.s32 $0xFFFFC000  }
0x17: {  	[spmem:s6] =	stream.linear.scatter [tilespmem:s17], [sflag:$0x4], $0x4000, $0x38;
	[tilespmem:$0x1E900] =	vst v63  }
0x18: {  	_ =	swait.ge [sflag:s18], $0x4000  }
0x19: {  	[sflag:s18] =	ssyncset.done $0x0  }
0x1a: {  	[sflag:s18] =	ssyncadd.s32 $0xFFFFC000  }
0x1b: {  	[spmem:s7] =	stream.linear.scatter [tilespmem:s17], [sflag:$0x4], $0x4000, $0x38;
	[tilespmem:$0x1E900] =	vst v63  }
0x1c: {  	_ =	swait.ge [sflag:s18], $0x4000  }
0x1d: {  	[sflag:s18] =	ssyncset.done $0x0  }
0x1e: {  	[sflag:s18] =	ssyncadd.s32 $0xFFFFC000  }
0x1f: {  	[spmem:s8] =	stream.linear.scatter [tilespmem:s17], [sflag:$0x4], $0x4000, $0x38;
	[tilespmem:$0x1E900] =	vst v63  }
0x20: {  	_ =	swait.ge [sflag:s18], $0x4000  }
0x21: {  	[sflag:s18] =	ssyncset.done $0x0  }
0x22: {  	[sflag:s18] =	ssyncadd.s32 $0xFFFFC000  }
0x23: {  	[spmem:s9] =	stream.linear.scatter [tilespmem:s17], [sflag:$0x4], $0x4000, $0x38;
	[tilespmem:$0x1E900] =	vst v63  }
0x24: {  	_ =	swait.ge [sflag:s18], $0x4000  }
0x25: {  	[sflag:s18] =	ssyncset.done $0x0  }
0x26: {  	[sflag:s18] =	ssyncadd.s32 $0xFFFFC000  }
0x27: {  	[spmem:s10] =	stream.linear.scatter [tilespmem:s17], [sflag:$0x4], $0x4000, $0x38;
	[tilespmem:$0x1E900] =	vst v63  }
0x28: {  	_ =	swait.ge [sflag:s18], $0x4000  }
0x29: {  	[sflag:s18] =	ssyncset.done $0x0  }
0x2a: {  	[sflag:s18] =	ssyncadd.s32 $0xFFFFC000  }
0x2b: {  	[tilespmem:s19], [sflag:$0x4] =	stream.linear.gather [hbm4b:s11+s4], $0x2800, $0x38;
	[tilespmem:$0x1E900] =	vst v63  }
0x2c: {  	_ =	swait.ge [sflag:s18], $0x2800  }
0x2d: {  	[sflag:s18] =	ssyncset.done $0x0  }
0x2e: {  	[sflag:s18] =	ssyncadd.s32 $0xFFFFD800  }
0x2f: {  	[tilespmem:s20], [sflag:$0x4] =	stream.linear.gather [hbm4b:s12+s4], $0x80, $0x38;
	[tilespmem:$0x1E900] =	vst v63  }
0x30: {  	_ =	swait.ge [sflag:s18], $0x80  }
0x31: {  	[sflag:s18] =	ssyncset.done $0x0  }
0x32: {  	[sflag:s18] =	ssyncadd.s32 $0xFFFFFF80  }
0x33: {  	[bflag:$0x0] =	sbarrier.arrive $0xFFFF  }
0x34: {  	[tilespmem:s17], [sflag:$0x1] =	stream.indirect.gather [hbm4b:s5+s21], $0x80, s19, s21, $0xb8;
	[tilespmem:$0x1E900] =	vst v63  }
0x35: {  	s2 =	simm.s32 $0x14080  }
0x36: {  	[tilespmem:s23], [sflag:$0x1] =	stream.indirect.gather [hbm4b:s5+s21], $0x80, s2, s21, $0xb8;
	[tilespmem:$0x1E900] =	vst v63  }
0x37: {  	_ = 	snop  }
0x38: {  	[tilespmem:s24], [sflag:$0x3] =	stream.linear.gather [hbm4b:s15+s4], $0x80, $0x38;
	[tilespmem:$0x1E900] =	vst v63  }
0x39: {  	_ =	swait.ge [sflag:s25], $0x4000  }
0x3a: {  	[sflag:s25] =	ssyncset.done $0x0  }
0x3b: {  	[sflag:s25] =	ssyncadd.s32 $0xFFFFC000  }
0x3c: {  	[spmem:s3] =	stream.indirect.scatter.add.f32 [tilespmem:s17], [sflag:$0x2], $0x80, s20, s21, $0xb8;
	[tilespmem:$0x1E900] =	vst v63  }
0x3d: {  	s22 =	sand.u32 $0x1, s26;
	_ =	swait.ge [sflag:s26], $0x4000  }
0x3e: {  	s1 =	simm.s32 $0x14100;
	s2 =	sshll.u32 s22, $0xE;
	[sflag:s26] =	ssyncset.done $0x0  }
0x3f: {  	s0 =	sshll.u32 s22, $0x7;
	s2 =	sadd.s32 $0x16900, s2;
	[sflag:s26] =	ssyncadd.s32 $0xFFFFC000  }
0x40: {  	[tilespmem:s2], [sflag:$0x1] =	stream.indirect.gather [hbm4b:s5+s21], $0x80, s1, s21, $0xb8;
	[tilespmem:$0x1E900] =	vst v63  }
0x41: {  	s0 =	sor.u32 $0x16800, s0  }
0x42: {  	[tilespmem:s0], [sflag:$0x3] =	stream.linear.gather [hbm4b:s16+s4], $0x80, $0x38;
	[tilespmem:$0x1E900] =	vst v63  }
0x43: {  	_ =	swait.ge [sflag:s25], $0x4000  }
0x44: {  	s30 =	simm.s32 $0x3;
	[sflag:s25] =	ssyncset.done $0x0  }
0x45: {  	s31 =	simm.s32 $0x14180;
	s2 =	simm.s32 $0x1;
	[sflag:s25] =	ssyncadd.s32 $0xFFFFC000  }
0x46: {  	s1 =	sadd.s32 $0x10, s16;
	s0 =	sand.u32 $0x1, s2;
	_ =	swait.ge [sflag:s28], $0x80  }
0x47: {  	s22 =	sshll.u32 s0, $0xE;
	s0 =	sshll.u32 s0, $0x7;
	[sflag:s28] =	ssyncset.done $0x0  }
0x48: {  	s2 =	sadd.s32 $0x16900, s22;
	s0 =	sor.u32 $0x16800, s0;
	[sflag:s28] =	ssyncadd.s32 $0xFFFFFF80  }
.LBB2_2:
0x49: {  	[spmem:s3] =	stream.indirect.scatter.add.f32 [tilespmem:s2], [sflag:$0x2], $0x80, s0, s21, $0xb8;
	[tilespmem:$0x1E900] =	vst v63  }
0x4a: {  	s0 =	smov.u32 s30  }
0x4b: {  	s2 =	sand.u32 $0x1, s30;
	p0 =	sne.s32 s30, $0x4F;
	_ =	swait.ge [sflag:s26], $0x4000  }
0x4c: {  	s22 =	sshll.u32 s2, $0xE;
	s2 =	sshll.u32 s2, $0x7;
	[sflag:s26] =	ssyncset.done $0x0  }
0x4d: {  	s30 =	sadd.s32 $0x1, s30;
	s22 =	sadd.s32 $0x16900, s22;
	[sflag:s26] =	ssyncadd.s32 $0xFFFFC000  }
0x4e: {  	[tilespmem:s22], [sflag:$0x1] =	stream.indirect.gather [hbm4b:s5+s21], $0x80, s31, s21, $0xb8;
	[tilespmem:$0x1E900] =	vst v63  }
0x4f: {  	s2 =	sor.u32 $0x16800, s2  }
0x50: {  	[tilespmem:s2], [sflag:$0x3] =	stream.linear.gather [hbm4b:s1+s4], $0x80, $0x38;
	[tilespmem:$0x1E900] =	vst v63  }
0x51: {  	_ =	swait.ge [sflag:s25], $0x4000  }
.Ltmp0:
0x52: {  	[sflag:s25] =	ssyncset.done $0x0;
	(pc) =	sbr.rel @p0 .LBB2_2-.Ltmp0, $4  }
0x53: {  	s0 =	sadd.s32 $0xFFFFFFFF, s0;
	s31 =	sadd.s32 $0x80, s31;
	[sflag:s25] =	ssyncadd.s32 $0xFFFFC000  }
0x54: {  	s0 =	sand.u32 $0x1, s0;
	s1 =	sadd.s32 $0x10, s1;
	_ =	swait.ge [sflag:s28], $0x80  }
0x55: {  	s2 =	sshll.u32 s0, $0xE;
	s0 =	sshll.u32 s0, $0x7;
	[sflag:s28] =	ssyncset.done $0x0  }
0x56: {  	s2 =	sadd.s32 $0x16900, s2;
	s0 =	sor.u32 $0x16800, s0;
	[sflag:s28] =	ssyncadd.s32 $0xFFFFFF80  }
0x57: {  	[spmem:s3] =	stream.indirect.scatter.add.f32 [tilespmem:s2], [sflag:$0x2], $0x80, s0, s21, $0xb8;
	[tilespmem:$0x1E900] =	vst v63  }
0x58: {  	_ =	swait.ge [sflag:s26], $0x4000  }
0x59: {  	[sflag:s26] =	ssyncset.done $0x0  }
0x5a: {  	[sflag:s26] =	ssyncadd.s32 $0xFFFFC000  }
0x5b: {  	_ =	swait.ge [sflag:s25], $0x4000  }
0x5c: {  	[sflag:s25] =	ssyncset.done $0x0  }
0x5d: {  	[sflag:s25] =	ssyncadd.s32 $0xFFFFC000  }
0x5e: {  	_ =	swait.ge [sflag:s28], $0x80  }
0x5f: {  	[sflag:s28] =	ssyncset.done $0x0  }
0x60: {  	[sflag:s28] =	ssyncadd.s32 $0xFFFFFF80  }
0x61: {  	[spmem:s3] =	stream.indirect.scatter.add.f32 [tilespmem:s23], [sflag:$0x2], $0x80, s24, s21, $0xb8;
	[tilespmem:$0x1E900] =	vst v63  }
0x62: {  	s31 =	stileid.u32;
	_ =	swait.ge [sflag:s26], $0x4000  }
0x63: {  	s1 =	sshrl.u32 s6, $0x3;
	s29 =	sadd.s32 $0x1, s29;
	[sflag:s26] =	ssyncset.done $0x0  }
0x64: {  	s0 =	sshll.u32 s31, $0x6;
	p0 =	sne.s32 s29, s14;
	[sflag:s26] =	ssyncadd.s32 $0xFFFFC000  }
.Ltmp1:
0x65: {  	s0 =	sor.u32 $0x1C04, s0;
	[bflag:$0x0] =	sbarrier.arrive $0xFFFF;
	(pc) =	sbr.rel @p0 .LBB2_1-.Ltmp1, $4  }
0x66: {  	[hbm:s13], [sflag:s0] =	dma.local [spmem:s1], $0x2800  }
0x67: {  	_ =	swait.ge [sflag:s18], $0x2800  }
0x68: {  	[sflag:s18] =	ssyncset.done $0x0  }
0x69: {  	[sflag:s18] =	ssyncadd.s32 $0xFFFFD800  }
0x6a: {  	_ =	sfence.sel $0x180000  }
0x6b: {  	[bflag:$0x0] =	sbarrier.arrive $0xFFFF  }
0x6c: {  	_ =	strace $0x9000004D  }
0x6d: {  	s0 =	stileid.u32;
	[bflag:$0x2] =	sbarrier.arrive $0xFFFF  }
0x6e: {  	p0 =	sne.s32 s0, $0x0;
	s0 =	rddreg [dreg:$0x3]  }
0x6f: {  	s0 =	sadd.s32 @!p0 $0x100000, s0  }
0x70: {  	[sflag:s0] =	ssyncadd.tile.s32 @!p0 $0x1;
	_ =	shalt  }
.Lfunc_end2:
_tile_overlayer_lowered:
.L_overlay_start_2:
0x71: {  	(tag) =	ssettag $0x2  }
0x72: {  	s0 =	rddreg [dreg:$0x0];
	s2 =	stileid.u32  }
0x73: {  	s1 =	rddreg [dreg:$0x1];
	p0 =	sne.s32 s2, $0x0  }
0x74: {  	s3 =	rddreg [dreg:$0x2];
	[bflag:$0x3] =	sbarrier.arrive $0xFFFF;
	s2 =	simm.s32 @!p0 $0x1C04  }
0x75: {  	[timem:s3], [sflag:s2] =	dma.local @!p0 [hbm:s0], s1  }
0x76: {  	s0 =	simm.s32 @!p0 $0x4  }
0x77: {  	_ =	swait.ge @!p0 [sflag:s0], s1  }
0x78: {  	s1 =	ssub.s32 @!p0 $0x0, s1;
	[sflag:s0] =	ssyncset.done @!p0 $0x0  }
0x79: {  	[sflag:s0] =	ssyncadd.s32 @!p0 s1  }
0x7a: {  	[bflag:$0x3] =	sbarrier.arrive $0xFFFF  }
0x7b: {  	_ =	shalt  }

// kernel: kernel.19.cloned.1.call-start
scs
__scs_entry_jumppad:
0x0: {  	(pc) =	sbr.rel $0x88, $3  }
0x1: {  	(tag) =	ssettag $0x0;
	lr =	simm.s32 $0x1  }
0x2: {  	[smem:$0x3F8E] =	sst lr;
	_ =	strace $0xD0000000  }
0x3: {  	_ = 	snop  }
0x4: {  	_ = 	snop  }
0x5: {  	_ = 	snop  }
0x6: {  	_ = 	snop  }
0x7: {  	_ = 	snop  }
__scs_overlays_trampoline_lowered:
0x8: {  	[smem:$0x3F9D] =	sst s0  }
0x9: {  	[smem:$0x3F9E] =	sst s1  }
0xa: {  	[smem:$0x3F9F] =	sst s2  }
0xb: {  	[smem:$0x3FA0] =	sst s3  }
0xc: {  	[smem:$0x3FA1] =	sst s4  }
0xd: {  	[smem:$0x3FA2] =	sst s5  }
0xe: {  	[smem:$0x3FA3] =	sst s6  }
0xf: {  	[smem:$0x3FA4] =	sst s7  }
0x10: {  	[smem:$0x3FA5] =	sst s8  }
0x11: {  	[smem:$0x3FA6] =	sst s9;
	s0 =	simm.s32 @!p0 $0x0  }
0x12: {  	s1 =	sld [smem:$0x3F8C];
	s0 =	simm.s32 @p0 $0x1  }
0x13: {  	[smem:$0x3FA7] =	sst s0;
	s0 =	simm.s32 @!p1 $0x0  }
0x14: {  	s2 =	sld [smem:$0x3F8B];
	s0 =	simm.s32 @p1 $0x1  }
0x15: {  	[smem:$0x3FA8] =	sst s0;
	s0 =	simm.s32 @!p2 $0x0  }
0x16: {  	s3 =	sld [smem:$0x3FDB];
	s0 =	simm.s32 @p2 $0x1  }
0x17: {  	s4 =	simm.s32 $0x1BF5;
	[smem:$0x3FAA] =	sst s0  }
0x18: {  	s0 =	sld [smem:$0x3F8D];
	_ =	swait.ge [sflag:s4], $0x0  }
0x19: {  	s7 =	sld [smem:$0x3F8E]  }
0x1a: {  	s8 =	sadd.s32 $0xFFFFE003, lr  }
0x1b: {  	s9 =	sadd.s32 $0xFFFFFEF7, lr;
	s5 =	simm.s32 $0xFFFFFFFF;
	p2 =	slt.u32 s8, $0xFFFFF086  }
0x1c: {  	p1 =	slt.u32 s9, $0xF7A;
	s5 =	simm.s32 @!p2 $0x0  }
0x1d: {  	s5 =	simm.s32 @p1 $0x1;
	p0 =	seq.s32 s7, s2  }
0x1e: {  	s7 =	smul.u32 @!p0 $0xF7A, s2;
	p2 =	seq.s32 @!p0 s5, $0x0  }
0x1f: {  	s9 =	smul.u32 $0xF7A, s1;
	s8 =	simm.s32 @!p0 $0x1BF5;
	p2 =	por !p2, p0  }
0x20: {  	[sflag:s8] =	ssyncset.s32 @!p0 $0xFFFFF086;
	s6 =	sadd.s32 @!p0 s3, s7;
	s7 =	simm.s32 @!p0 $0x108  }
0x21: {  	s3 =	sadd.s32 s3, s9;
	s6 =	sadd.s32 @!p0 $0x88, s6;
	s7 =	simm.s32 @p2 $0x1082  }
0x22: {  	[simem:s7], [sflag:s8] =	dma.local @!p0 [hbm:s6], $0xF7A  }
0x23: {  	s9 =	sor.u32 $0xD0000000, s2;
	s6 =	simm.s32 $0x108;
	_ =	swait.ge @!p0 [sflag:s8], $0x0  }
0x24: {  	s3 =	sadd.s32 $0x88, s3;
	s6 =	simm.s32 @!p1 $0x1082;
	[sflag:s4] =	ssyncset.s32 $0xFFFFF086  }
0x25: {  	[simem:s6], [sflag:s4] =	dma.local [hbm:s3], $0xF7A  }
0x26: {  	[smem:$0x3F8E] =	sst s1;
	(tag) =	ssettag s2;
	_ =	strace s9  }
0x27: {  	s1 =	sld [smem:$0x3F9E]  }
0x28: {  	s2 =	sld [smem:$0x3F9F]  }
0x29: {  	s4 =	sld [smem:$0x3FA1]  }
0x2a: {  	p0 =	seq.s32 s5, $0x0;
	s5 =	sld [smem:$0x3FA2]  }
0x2b: {  	s6 =	sld [smem:$0x3FA3]  }
0x2c: {  	s7 =	sld [smem:$0x3FA4]  }
0x2d: {  	s3 =	simm.s32 $0x108;
	s8 =	sld [smem:$0x3FA5]  }
0x2e: {  	s3 =	simm.s32 @!p0 $0x1082;
	s9 =	sld [smem:$0x3FA6]  }
0x2f: {  	lr =	sadd.s32 s0, s3;
	s0 =	sld [smem:$0x3F9D]  }
0x30: {  	s3 =	sld [smem:$0x3FA0]  }
0x31: {  	[smem:$0x3FA9] =	sst s10  }
0x32: {  	s10 =	sld [smem:$0x3FA7];
	_ =	sdelay $0x3  }
0x33: {  	p0 =	seq.s32 s10, $0x1;
	s10 =	sld [smem:$0x3FA9];
	_ =	sdelay $0x3  }
0x34: {  	[smem:$0x3FA9] =	sst s10  }
0x35: {  	s10 =	sld [smem:$0x3FA8];
	_ =	sdelay $0x3  }
0x36: {  	p1 =	seq.s32 s10, $0x1;
	s10 =	sld [smem:$0x3FA9];
	_ =	sdelay $0x3  }
0x37: {  	[smem:$0x3FA9] =	sst s10  }
0x38: {  	s10 =	sld [smem:$0x3FAA]  }
0x39: {  	_ = 	snop;
	(pc) =	sbr.ind lr, $3  }
0x3a: {  	_ = 	snop  }
0x3b: {  	_ = 	snop  }
0x3c: {  	p2 =	seq.s32 s10, $0x1;
	s10 =	sld [smem:$0x3FA9]  }
0x3d: {  	_ =	shalt  }
0x3e: {  	_ =	shalt  }
0x3f: {  	_ =	shalt  }
0x40: {  	_ =	shalt  }
0x41: {  	_ =	shalt  }
0x42: {  	_ =	shalt  }
0x43: {  	_ =	shalt  }
0x44: {  	_ =	shalt  }
0x45: {  	_ =	shalt  }
0x46: {  	_ =	shalt  }
0x47: {  	_ =	shalt  }
0x48: {  	_ =	shalt  }
0x49: {  	_ =	shalt  }
0x4a: {  	_ =	shalt  }
0x4b: {  	_ =	shalt  }
0x4c: {  	_ =	shalt  }
0x4d: {  	_ =	shalt  }
0x4e: {  	_ =	shalt  }
0x4f: {  	_ =	shalt  }
0x50: {  	_ =	shalt  }
0x51: {  	_ =	shalt  }
0x52: {  	_ =	shalt  }
0x53: {  	_ =	shalt  }
0x54: {  	_ =	shalt  }
0x55: {  	_ =	shalt  }
0x56: {  	_ =	shalt  }
0x57: {  	_ =	shalt  }
0x58: {  	_ =	shalt  }
0x59: {  	_ =	shalt  }
0x5a: {  	_ =	shalt  }
0x5b: {  	_ =	shalt  }
0x5c: {  	_ =	shalt  }
0x5d: {  	_ =	shalt  }
0x5e: {  	_ =	shalt  }
0x5f: {  	_ =	shalt  }
0x60: {  	_ =	shalt  }
0x61: {  	_ =	shalt  }
0x62: {  	_ =	shalt  }
0x63: {  	_ =	shalt  }
0x64: {  	_ =	shalt  }
0x65: {  	_ =	shalt  }
0x66: {  	_ =	shalt  }
0x67: {  	_ =	shalt  }
0x68: {  	_ =	shalt  }
0x69: {  	_ =	shalt  }
0x6a: {  	_ =	shalt  }
0x6b: {  	_ =	shalt  }
0x6c: {  	_ =	shalt  }
0x6d: {  	_ =	shalt  }
0x6e: {  	_ =	shalt  }
0x6f: {  	_ =	shalt  }
0x70: {  	_ =	shalt  }
0x71: {  	_ =	shalt  }
0x72: {  	_ =	shalt  }
0x73: {  	_ =	shalt  }
0x74: {  	_ =	shalt  }
0x75: {  	_ =	shalt  }
0x76: {  	_ =	shalt  }
0x77: {  	_ =	shalt  }
0x78: {  	_ =	shalt  }
0x79: {  	_ =	shalt  }
0x7a: {  	_ =	shalt  }
0x7b: {  	_ =	shalt  }
0x7c: {  	_ =	shalt  }
0x7d: {  	_ =	shalt  }
0x7e: {  	_ =	shalt  }
0x7f: {  	_ =	shalt  }
0x80: {  	_ =	shalt  }
0x81: {  	_ =	shalt  }
0x82: {  	_ =	shalt  }
0x83: {  	_ =	shalt  }
0x84: {  	_ =	shalt  }
0x85: {  	_ =	shalt  }
0x86: {  	_ =	shalt  }
0x87: {  	_ =	shalt  }
.Lfunc_end0:
.L_simem_size_0:
called_computation.3_lowered:
.L_overlay_start_0:
0x88: {  	s2 =	sld [smem:$0x3FD9]  }
0x89: {  	s3 =	sld [smem:$0x3FFE];
	_ =	sdelay $0x1  }
0x8a: {  	s1 =	srdreg.scid  }
0x8b: {  	s0 =	sand.u32 $0x1, s1  }
0x8c: {  	s17 =	sshll.u32 s0, $0xA;
	s2 =	sadd.s32 s3, s2  }
0x8d: {  	s2 =	sadd.s32 s2, s17  }
0x8e: {  	[smem:$0x3FB5] =	sst s2  }
0x8f: {  	_ = 	snop  }
0x90: {  	s2 =	sld [smem:$0x3FD0];
	(tm) =	ssettm $0x1  }
0x91: {  	s18 =	sld [smem:$0x3FFB];
	_ =	sdelay $0x3  }
0x92: {  	_ =	strace s18  }
0x93: {  	s3 =	sld [smem:$0x3FFC];
	_ =	sdelay $0x3  }
0x94: {  	_ =	strace s3  }
0x95: {  	s3 =	sld [smem:$0x3FFD];
	_ =	sdelay $0x3  }
0x96: {  	_ =	strace s3  }
0x97: {  	_ =	strace $0x8FFFFFFF  }
0x98: {  	s19 =	sld [smem:$0x3FDB];
	_ =	sdelay $0x1  }
0x99: {  	s4 =	simm.s32 $_scs_section_size  }
0x9a: {  	s5 =	simm.s32 $_size__tile_overlayer_lowered;
	s6 =	simm.s32 $_tile_overlayer_lowered  }
0x9b: {  	s22 =	simm.s32 $0x1BFF;
	s21 =	sshll.u32 s6, $0x1;
	s3 =	sadd.s32 s4, s19  }
0x9c: {  	s7 =	simm.s32 $0x0;
	s20 =	sshll.u32 s5, $0x1;
	s5 =	sadd.s32 s21, s3  }
0x9d: {  	[timem:s7], [sflag:s22] =	dma.local [hbm:s5], s20  }
0x9e: {  	_ =	swait.ge [sflag:s22], s20  }
0x9f: {  	s4 =	ssub.s32 $0x0, s20;
	[sflag:s22] =	ssyncset.done $0x0  }
0xa0: {  	[sflag:s22] =	ssyncadd.s32 s4;
	_ =	sdelay $0x1  }
0xa1: {  	s23 =	simm.s32 $0x1B8B  }
0xa2: {  	_ =	swait.ge [sflag:s23], $0x1  }
0xa3: {  	[sflag:s23] =	ssyncset.done $0x0  }
0xa4: {  	s25 =	simm.s32 $0x1B8E;
	s24 =	sld [smem:$0x3FFE];
	[sflag:s23] =	ssyncadd.s32 $0xFFFFFFFF  }
0xa5: {  	s26 =	simm.s32 $execute0_lowered;
	[smem:$0x3FD2] =	sst s25  }
0xa6: {  	s5 =	sshll.u32 s26, $0x1;
	_ =	strace $0x8000004F;
	[dreg:$0x1] =	wrdreg $0xFFFFFFFF  }
0xa7: {  	s28 =	simm.s32 $_size_execute0_lowered;
	s3 =	sadd.s32 s3, s5;
	[dreg:$0x0] =	wrdreg $0x0  }
0xa8: {  	s5 =	sshll.u32 s28, $0x1;
	[dreg:$0x2] =	wrdreg s3  }
0xa9: {  	[dreg:$0x3] =	wrdreg s5  }
0xaa: {  	[dreg:$0x4] =	wrdreg $0xC0  }
0xab: {  	_ =	task [dreg:s7], $0x5FFFF  }
0xac: {  	[dreg:$0x1] =	wrdreg $0xFFFFFFFF  }
0xad: {  	[dreg:$0x0] =	wrdreg $0x60  }
0xae: {  	[dreg:$0x2] =	wrdreg s24  }
0xaf: {  	[dreg:$0x3] =	wrdreg s2  }
0xb0: {  	[dreg:$0x4] =	wrdreg $0x0  }
0xb1: {  	[dreg:$0x5] =	wrdreg $0x9  }
0xb2: {  	_ =	task.clear_ibuf [dreg:s7], $0x6FFFF;
	_ =	strace $0x9000004F  }
0xb3: {  	s29 =	simm.s32 $0x9;
	_ =	strace $0x80000051  }
0xb4: {  	_ =	swait.ge [sflag:s29], $0x1  }
0xb5: {  	[sflag:s29] =	ssyncadd.s32 $0xFFFFFFFF  }
0xb6: {  	_ =	strace $0x90000051  }
0xb7: {  	_ =	sfence  }
0xb8: {  	s30 =	sld [smem:$0x0];
	_ =	sdelay $0x2  }
0xb9: {  	s31 =	sshll.u32 s1, $0xD;
	s1 =	sshrl.u32 s1, $0x2  }
0xba: {  	s3 =	sand.u32 $0x4000, s31;
	s1 =	sadd.s32 s1, s30  }
0xbb: {  	s0 =	sor.u32 s3, s0;
	s1 =	sshll.u32 s1, $0x11  }
0xbc: {  	s0 =	sor.u32 s1, s0  }
0xbd: {  	s0 =	sadd.s32 $0x8F2B, s0  }
0xbe: {  	[sflag:s0] =	ssyncadd.remote.s32 $0x1  }
0xbf: {  	_ =	sfence.sel $0xFFFF  }
0xc0: {  	[dreg:$0x0] =	wrdreg $0xFFFFFFFF;
	(pc) =	sbr.abs _section_cstart, $3  }
0xc1: {  	[dreg:$0x1] =	wrdreg $0xFFFFFFFF  }
0xc2: {  	_ =	task.clear_ibuf [dreg:s7], $0x2FFFF;
	_ =	strace $0x9FFFFFFF  }
0xc3: {  	(tm) =	ssettm $0x7FFFFFFF  }
tec
execute0_lowered:
.L_overlay_start_1:
0x0: {  	(tag) =	ssettag $0x1  }
0x1: {  	s0 =	srdreg.scid;
	s1 =	rddreg [dreg:$0x0]  }
0x2: {  	s10 =	stileid.u32;
	s3 =	rddreg [dreg:$0x2];
	s4 =	simm.s32 $0x0  }
0x3: {  	s17 =	simm.s32 $0x16900;
	s18 =	simm.s32 $0x4;
	s19 =	simm.s32 $0x14000  }
0x4: {  	s20 =	simm.s32 $0x16800;
	s21 =	simm.s32 $0x80;
	s23 =	simm.s32 $0x1A900  }
0x5: {  	s24 =	simm.s32 $0x16880;
	s25 =	simm.s32 $0x1;
	s26 =	simm.s32 $0x2  }
0x6: {  	s28 =	simm.s32 $0x3;
	s29 =	simm.s32 $0x0;
	s7 =	smul.u32 $0x14000, s10  }
0x7: {  	s0 =	sand.u32 $0x1, s0;
	[smem:$0x7FF] =	sst s4;
	s8 =	smul.u32 $0x50000, s10  }
0x8: {  	s5 =	sadd.s32 $0x1A600, s1;
	s12 =	sadd.s32 $0x10600, s1;
	s15 =	smul.u32 $0x500, s10  }
0x9: {  	s2 =	sshll.u32 s0, $0x4;
	s6 =	smul.u32 $0x140000, s0;
	_ =	strace $0x80000050  }
0xa: {  	s31 =	ssub.s32 $0x2, s0;
	s0 =	smul.u32 $0x5000, s0;
	s2 =	sor.u32 s10, s2  }
0xb: {  	s8 =	sshrl.u32 s8, $0x2;
	s9 =	sshrl.u32 s31, $0x1;
	s2 =	smul.u32 $0x500, s2  }
0xc: {  	s6 =	sadd.s32 s7, s6;
	s14 =	ssub.s32 s31, s9;
	s0 =	sadd.s32 s0, s12  }
0xd: {  	s6 =	sshrl.u32 s6, $0x3;
	s0 =	sadd.s32 s15, s0;
	s14 =	smax.u32 s14, $0x1  }
0xe: {  	s11 =	sadd.s32 s2, s1;
	s1 =	sadd.s32 s6, s1;
	s6 =	sadd.s32 s8, s3  }
0xf: {  	s12 =	sadd.s32 s12, s2;
	s16 =	sadd.s32 $0x20, s0;
	s7 =	sadd.s32 $0x4000, s6  }
0x10: {  	s8 =	sadd.s32 $0x8000, s6;
	s9 =	sadd.s32 $0xC000, s6;
	s10 =	sadd.s32 $0x10000, s6  }
0x11: {  	s11 =	sadd.s32 $0x6600, s11;
	s13 =	sadd.s32 $0x6A600, s1;
	s15 =	sadd.s32 $0x10, s12  }
.LBB2_1:
0x12: {  	s0 =	rddreg [dreg:$0x1]  }
0x13: {  	[tilespmem:s17], [sflag:$0x4] =	stream.linear.gather [hbm4b:s0+s4], $0x4000, $0x38;
	[tilespmem:$0x1E900] =	vst v63  }
0x14: {  	_ =	swait.ge [sflag:s18], $0x4000  }
0x15: {  	[sflag:s18] =	ssyncset.done $0x0  }
0x16: {  	[sflag:s18] =	ssyncadd.s32 $0xFFFFC000  }
0x17: {  	[spmem:s6] =	stream.linear.scatter [tilespmem:s17], [sflag:$0x4], $0x4000, $0x38;
	[tilespmem:$0x1E900] =	vst v63  }
0x18: {  	_ =	swait.ge [sflag:s18], $0x4000  }
0x19: {  	[sflag:s18] =	ssyncset.done $0x0  }
0x1a: {  	[sflag:s18] =	ssyncadd.s32 $0xFFFFC000  }
0x1b: {  	[spmem:s7] =	stream.linear.scatter [tilespmem:s17], [sflag:$0x4], $0x4000, $0x38;
	[tilespmem:$0x1E900] =	vst v63  }
0x1c: {  	_ =	swait.ge [sflag:s18], $0x4000  }
0x1d: {  	[sflag:s18] =	ssyncset.done $0x0  }
0x1e: {  	[sflag:s18] =	ssyncadd.s32 $0xFFFFC000  }
0x1f: {  	[spmem:s8] =	stream.linear.scatter [tilespmem:s17], [sflag:$0x4], $0x4000, $0x38;
	[tilespmem:$0x1E900] =	vst v63  }
0x20: {  	_ =	swait.ge [sflag:s18], $0x4000  }
0x21: {  	[sflag:s18] =	ssyncset.done $0x0  }
0x22: {  	[sflag:s18] =	ssyncadd.s32 $0xFFFFC000  }
0x23: {  	[spmem:s9] =	stream.linear.scatter [tilespmem:s17], [sflag:$0x4], $0x4000, $0x38;
	[tilespmem:$0x1E900] =	vst v63  }
0x24: {  	_ =	swait.ge [sflag:s18], $0x4000  }
0x25: {  	[sflag:s18] =	ssyncset.done $0x0  }
0x26: {  	[sflag:s18] =	ssyncadd.s32 $0xFFFFC000  }
0x27: {  	[spmem:s10] =	stream.linear.scatter [tilespmem:s17], [sflag:$0x4], $0x4000, $0x38;
	[tilespmem:$0x1E900] =	vst v63  }
0x28: {  	_ =	swait.ge [sflag:s18], $0x4000  }
0x29: {  	[sflag:s18] =	ssyncset.done $0x0  }
0x2a: {  	[sflag:s18] =	ssyncadd.s32 $0xFFFFC000  }
0x2b: {  	[tilespmem:s19], [sflag:$0x4] =	stream.linear.gather [hbm4b:s11+s4], $0x2800, $0x38;
	[tilespmem:$0x1E900] =	vst v63  }
0x2c: {  	_ =	swait.ge [sflag:s18], $0x2800  }
0x2d: {  	[sflag:s18] =	ssyncset.done $0x0  }
0x2e: {  	[sflag:s18] =	ssyncadd.s32 $0xFFFFD800  }
0x2f: {  	[tilespmem:s20], [sflag:$0x4] =	stream.linear.gather [hbm4b:s12+s4], $0x80, $0x38;
	[tilespmem:$0x1E900] =	vst v63  }
0x30: {  	_ =	swait.ge [sflag:s18], $0x80  }
0x31: {  	[sflag:s18] =	ssyncset.done $0x0  }
0x32: {  	[sflag:s18] =	ssyncadd.s32 $0xFFFFFF80  }
0x33: {  	[bflag:$0x0] =	sbarrier.arrive $0xFFFF  }
0x34: {  	[tilespmem:s17], [sflag:$0x1] =	stream.indirect.gather [hbm4b:s5+s21], $0x80, s19, s21, $0xb8;
	[tilespmem:$0x1E900] =	vst v63  }
0x35: {  	s2 =	simm.s32 $0x14080  }
0x36: {  	[tilespmem:s23], [sflag:$0x1] =	stream.indirect.gather [hbm4b:s5+s21], $0x80, s2, s21, $0xb8;
	[tilespmem:$0x1E900] =	vst v63  }
0x37: {  	_ = 	snop  }
0x38: {  	[tilespmem:s24], [sflag:$0x3] =	stream.linear.gather [hbm4b:s15+s4], $0x80, $0x38;
	[tilespmem:$0x1E900] =	vst v63  }
0x39: {  	_ =	swait.ge [sflag:s25], $0x4000  }
0x3a: {  	[sflag:s25] =	ssyncset.done $0x0  }
0x3b: {  	[sflag:s25] =	ssyncadd.s32 $0xFFFFC000  }
0x3c: {  	[spmem:s3] =	stream.indirect.scatter.add.f32 [tilespmem:s17], [sflag:$0x2], $0x80, s20, s21, $0xb8;
	[tilespmem:$0x1E900] =	vst v63  }
0x3d: {  	s22 =	sand.u32 $0x1, s26;
	_ =	swait.ge [sflag:s26], $0x4000  }
0x3e: {  	s1 =	simm.s32 $0x14100;
	s2 =	sshll.u32 s22, $0xE;
	[sflag:s26] =	ssyncset.done $0x0  }
0x3f: {  	s0 =	sshll.u32 s22, $0x7;
	s2 =	sadd.s32 $0x16900, s2;
	[sflag:s26] =	ssyncadd.s32 $0xFFFFC000  }
0x40: {  	[tilespmem:s2], [sflag:$0x1] =	stream.indirect.gather [hbm4b:s5+s21], $0x80, s1, s21, $0xb8;
	[tilespmem:$0x1E900] =	vst v63  }
0x41: {  	s0 =	sor.u32 $0x16800, s0  }
0x42: {  	[tilespmem:s0], [sflag:$0x3] =	stream.linear.gather [hbm4b:s16+s4], $0x80, $0x38;
	[tilespmem:$0x1E900] =	vst v63  }
0x43: {  	_ =	swait.ge [sflag:s25], $0x4000  }
0x44: {  	s30 =	simm.s32 $0x3;
	[sflag:s25] =	ssyncset.done $0x0  }
0x45: {  	s31 =	simm.s32 $0x14180;
	s2 =	simm.s32 $0x1;
	[sflag:s25] =	ssyncadd.s32 $0xFFFFC000  }
0x46: {  	s1 =	sadd.s32 $0x10, s16;
	s0 =	sand.u32 $0x1, s2;
	_ =	swait.ge [sflag:s28], $0x80  }
0x47: {  	s22 =	sshll.u32 s0, $0xE;
	s0 =	sshll.u32 s0, $0x7;
	[sflag:s28] =	ssyncset.done $0x0  }
0x48: {  	s2 =	sadd.s32 $0x16900, s22;
	s0 =	sor.u32 $0x16800, s0;
	[sflag:s28] =	ssyncadd.s32 $0xFFFFFF80  }
.LBB2_2:
0x49: {  	[spmem:s3] =	stream.indirect.scatter.add.f32 [tilespmem:s2], [sflag:$0x2], $0x80, s0, s21, $0xb8;
	[tilespmem:$0x1E900] =	vst v63  }
0x4a: {  	s0 =	smov.u32 s30  }
0x4b: {  	s2 =	sand.u32 $0x1, s30;
	p0 =	sne.s32 s30, $0x4F;
	_ =	swait.ge [sflag:s26], $0x4000  }
0x4c: {  	s22 =	sshll.u32 s2, $0xE;
	s2 =	sshll.u32 s2, $0x7;
	[sflag:s26] =	ssyncset.done $0x0  }
0x4d: {  	s30 =	sadd.s32 $0x1, s30;
	s22 =	sadd.s32 $0x16900, s22;
	[sflag:s26] =	ssyncadd.s32 $0xFFFFC000  }
0x4e: {  	[tilespmem:s22], [sflag:$0x1] =	stream.indirect.gather [hbm4b:s5+s21], $0x80, s31, s21, $0xb8;
	[tilespmem:$0x1E900] =	vst v63  }
0x4f: {  	s2 =	sor.u32 $0x16800, s2  }
0x50: {  	[tilespmem:s2], [sflag:$0x3] =	stream.linear.gather [hbm4b:s1+s4], $0x80, $0x38;
	[tilespmem:$0x1E900] =	vst v63  }
0x51: {  	_ =	swait.ge [sflag:s25], $0x4000  }
.Ltmp0:
0x52: {  	[sflag:s25] =	ssyncset.done $0x0;
	(pc) =	sbr.rel @p0 .LBB2_2-.Ltmp0, $4  }
0x53: {  	s0 =	sadd.s32 $0xFFFFFFFF, s0;
	s31 =	sadd.s32 $0x80, s31;
	[sflag:s25] =	ssyncadd.s32 $0xFFFFC000  }
0x54: {  	s0 =	sand.u32 $0x1, s0;
	s1 =	sadd.s32 $0x10, s1;
	_ =	swait.ge [sflag:s28], $0x80  }
0x55: {  	s2 =	sshll.u32 s0, $0xE;
	s0 =	sshll.u32 s0, $0x7;
	[sflag:s28] =	ssyncset.done $0x0  }
0x56: {  	s2 =	sadd.s32 $0x16900, s2;
	s0 =	sor.u32 $0x16800, s0;
	[sflag:s28] =	ssyncadd.s32 $0xFFFFFF80  }
0x57: {  	[spmem:s3] =	stream.indirect.scatter.add.f32 [tilespmem:s2], [sflag:$0x2], $0x80, s0, s21, $0xb8;
	[tilespmem:$0x1E900] =	vst v63  }
0x58: {  	_ =	swait.ge [sflag:s26], $0x4000  }
0x59: {  	[sflag:s26] =	ssyncset.done $0x0  }
0x5a: {  	[sflag:s26] =	ssyncadd.s32 $0xFFFFC000  }
0x5b: {  	_ =	swait.ge [sflag:s25], $0x4000  }
0x5c: {  	[sflag:s25] =	ssyncset.done $0x0  }
0x5d: {  	[sflag:s25] =	ssyncadd.s32 $0xFFFFC000  }
0x5e: {  	_ =	swait.ge [sflag:s28], $0x80  }
0x5f: {  	[sflag:s28] =	ssyncset.done $0x0  }
0x60: {  	[sflag:s28] =	ssyncadd.s32 $0xFFFFFF80  }
0x61: {  	[spmem:s3] =	stream.indirect.scatter.add.f32 [tilespmem:s23], [sflag:$0x2], $0x80, s24, s21, $0xb8;
	[tilespmem:$0x1E900] =	vst v63  }
0x62: {  	s31 =	stileid.u32;
	_ =	swait.ge [sflag:s26], $0x4000  }
0x63: {  	s1 =	sshrl.u32 s6, $0x3;
	s29 =	sadd.s32 $0x1, s29;
	[sflag:s26] =	ssyncset.done $0x0  }
0x64: {  	s0 =	sshll.u32 s31, $0x6;
	p0 =	sne.s32 s29, s14;
	[sflag:s26] =	ssyncadd.s32 $0xFFFFC000  }
.Ltmp1:
0x65: {  	s0 =	sor.u32 $0x1C04, s0;
	[bflag:$0x0] =	sbarrier.arrive $0xFFFF;
	(pc) =	sbr.rel @p0 .LBB2_1-.Ltmp1, $4  }
0x66: {  	[hbm:s13], [sflag:s0] =	dma.local [spmem:s1], $0x2800  }
0x67: {  	_ =	swait.ge [sflag:s18], $0x2800  }
0x68: {  	[sflag:s18] =	ssyncset.done $0x0  }
0x69: {  	[sflag:s18] =	ssyncadd.s32 $0xFFFFD800  }
0x6a: {  	_ =	sfence.sel $0x180000  }
0x6b: {  	[bflag:$0x0] =	sbarrier.arrive $0xFFFF  }
0x6c: {  	_ =	strace $0x90000050  }
0x6d: {  	s0 =	stileid.u32;
	[bflag:$0x2] =	sbarrier.arrive $0xFFFF  }
0x6e: {  	p0 =	sne.s32 s0, $0x0;
	s0 =	rddreg [dreg:$0x3]  }
0x6f: {  	s0 =	sadd.s32 @!p0 $0x100000, s0  }
0x70: {  	[sflag:s0] =	ssyncadd.tile.s32 @!p0 $0x1;
	_ =	shalt  }
.Lfunc_end2:
_tile_overlayer_lowered:
.L_overlay_start_2:
0x71: {  	(tag) =	ssettag $0x2  }
0x72: {  	s0 =	rddreg [dreg:$0x0];
	s2 =	stileid.u32  }
0x73: {  	s1 =	rddreg [dreg:$0x1];
	p0 =	sne.s32 s2, $0x0  }
0x74: {  	s3 =	rddreg [dreg:$0x2];
	[bflag:$0x3] =	sbarrier.arrive $0xFFFF;
	s2 =	simm.s32 @!p0 $0x1C04  }
0x75: {  	[timem:s3], [sflag:s2] =	dma.local @!p0 [hbm:s0], s1  }
0x76: {  	s0 =	simm.s32 @!p0 $0x4  }
0x77: {  	_ =	swait.ge @!p0 [sflag:s0], s1  }
0x78: {  	s1 =	ssub.s32 @!p0 $0x0, s1;
	[sflag:s0] =	ssyncset.done @!p0 $0x0  }
0x79: {  	[sflag:s0] =	ssyncadd.s32 @!p0 s1  }
0x7a: {  	[bflag:$0x3] =	sbarrier.arrive $0xFFFF  }
0x7b: {  	_ =	shalt  }

</sc_bundles>
